<compile_context>
chip_gen: v7x
topology: tpu7x:2x2x1
jax: 0.10.2.dev20260603
libtpu: 0.0.44.dev20260713+nightly
codegen_flags: <defaults>
</compile_context>

<pallas_src>
import functools

import jax
import jax.numpy as jnp
from jax import lax
from jax.experimental import pallas as pl
from jax.experimental.pallas import tpu as pltpu
from jax.experimental.pallas import tpu_sc as plsc

N_TOTAL = 4096 * 4096
NCOL = 4096
NC = 2
NS = 16
L = 16
NW = NC * NS
ROWS_PER_TILE = 4096 // NW
CHUNK_ROWS = 8
NCHUNK = ROWS_PER_TILE // CHUNK_ROWS
VPR = NCOL // L
REP = 8
TBL = REP * 4 * L
MAGIC = 201326592.0


def _body(w_hbm, par_hbm, out_hbm, buf0, buf1, par, cnt_t, sum_t, ssq_t, acc,
          sem0, sem1):
    wid = lax.axis_index("s") * NC + lax.axis_index("c")
    base = wid * ROWS_PER_TILE

    pltpu.sync_copy(par_hbm, par)

    zeros = jnp.zeros((L,), jnp.float32)
    for k in range(TBL // L):
        cnt_t[pl.ds(k * L, L)] = zeros
        sum_t[pl.ds(k * L, L)] = zeros
        ssq_t[pl.ds(k * L, L)] = zeros

    ia16 = par[pl.ds(0, L)]
    thr = par[pl.ds(2 * L, L)]
    lane = par[pl.ds(3 * L, L)]
    lanes = [lane + jnp.float32(64.0 * j) for j in range(REP)]
    ones = jnp.full((L,), 1.0, jnp.float32)
    magic = jnp.full((L,), MAGIC, jnp.float32)
    hi = jnp.full((L,), 16.0, jnp.float32)
    lo = jnp.full((L,), -32.0, jnp.float32)

    def start_dma(g, b):
        return pltpu.async_copy(
            w_hbm.at[pl.ds(base + g * CHUNK_ROWS, CHUNK_ROWS), :],
            buf1 if b else buf0, sem1 if b else sem0)

    def wait_dma(g, b):
        pltpu.make_async_copy(
            w_hbm.at[pl.ds(base + g * CHUNK_ROWS, CHUNK_ROWS), :],
            buf1 if b else buf0, sem1 if b else sem0).wait()

    def compute_chunk(bufb, lanes_b, carry):
        @plsc.parallel_loop(0, VPR, step=1, unroll=1, carry=carry)
        def chunk_body(i, c):
            sd = list(c[:4])
            nr = list(c[4:])
            for j in range(REP):
                w = bufb[j, pl.ds(i * L, L)]
                tu = w * ia16
                t = jnp.minimum(tu, hi)
                t = jnp.maximum(t, lo)
                b16 = (t + magic) - magic
                d16 = jnp.abs(tu - b16)
                w2 = w * w
                ai = (b16 + lanes_b[j]).astype(jnp.int32)
                plsc.addupdate_scatter(cnt_t, [ai], ones)
                plsc.addupdate_scatter(sum_t, [ai], w)
                plsc.addupdate_scatter(ssq_t, [ai], w2)
                sd[j % 4] = sd[j % 4] + d16
                nr[j % 4] = nr[j % 4] + jnp.where(d16 < thr, ones, 0.0)
            return (*sd, *nr)

        return chunk_body

    start_dma(0, 0)
    start_dma(1, 1)

    def outer(t, carry):
        g0 = 2 * t
        wait_dma(g0, 0)
        carry = compute_chunk(buf0, lanes, carry)

        @pl.when(g0 + 2 < NCHUNK)
        def _():
            start_dma(g0 + 2, 0)

        wait_dma(g0 + 1, 1)
        carry = compute_chunk(buf1, lanes, carry)

        @pl.when(g0 + 3 < NCHUNK)
        def _():
            start_dma(g0 + 3, 1)

        return carry

    fin = lax.fori_loop(
        0, NCHUNK // 2, outer,
        (zeros, zeros, zeros, zeros, zeros, zeros, zeros, zeros))
    sdiff = (fin[0] + fin[1]) + (fin[2] + fin[3])
    near = (fin[4] + fin[5]) + (fin[6] + fin[7])

    acc[pl.ds(0, L)] = sdiff
    acc[pl.ds(L, L)] = near

    pltpu.sync_copy(cnt_t, out_hbm.at[wid, pl.ds(0, TBL)])
    pltpu.sync_copy(sum_t, out_hbm.at[wid, pl.ds(TBL, TBL)])
    pltpu.sync_copy(ssq_t, out_hbm.at[wid, pl.ds(2 * TBL, TBL)])
    pltpu.sync_copy(acc, out_hbm.at[wid, pl.ds(3 * TBL, 2 * L)])


@jax.jit
def _run(w_flat, params):
    mesh = plsc.VectorSubcoreMesh(core_axis_name="c", subcore_axis_name="s")
    return pl.kernel(
        _body,
        out_type=jax.ShapeDtypeStruct((NW, 3 * TBL + 2 * L), jnp.float32),
        mesh=mesh,
        compiler_params=pltpu.CompilerParams(
            needs_layout_passes=False, use_tc_tiling_on_sc=True),
        scratch_types=[
            pltpu.VMEM((CHUNK_ROWS, NCOL), jnp.float32),
            pltpu.VMEM((CHUNK_ROWS, NCOL), jnp.float32),
            pltpu.VMEM((4 * L,), jnp.float32),
            pltpu.VMEM((TBL,), jnp.float32),
            pltpu.VMEM((TBL,), jnp.float32),
            pltpu.VMEM((TBL,), jnp.float32),
            pltpu.VMEM((2 * L,), jnp.float32),
            pltpu.SemaphoreType.DMA,
            pltpu.SemaphoreType.DMA,
        ],
    )(w_flat, params)


def kernel(weights, alpha):
    a = alpha.reshape(())
    a_s = lax.stop_gradient(a)
    params = jnp.concatenate([
        jnp.full((L,), 16.0, jnp.float32) / a_s,
        jnp.full((L,), 1.0 / 16.0, jnp.float32) * a_s,
        jnp.full((L,), 16.0, jnp.float32) * (0.01 * a_s),
        jnp.arange(L, dtype=jnp.float32) + 32.0,
    ])
    part = _run(weights, params)

    cnt = part[:, 0:TBL].reshape(NW, REP, 4, L).sum(axis=(0, 1, 3))
    sums = part[:, TBL:2 * TBL].reshape(NW, REP, 4, L).sum(axis=(0, 1, 3))
    ssq = part[:, 2 * TBL:3 * TBL].reshape(NW, REP, 4, L).sum(axis=(0, 1, 3))
    sdiff = part[:, 3 * TBL:3 * TBL + L].sum() * (a_s / 16.0)
    near = part[:, 3 * TBL + L:3 * TBL + 2 * L].sum()

    levels = jnp.arange(-2, 2, dtype=jnp.float32) * a_s
    safe_counts = jnp.maximum(cnt, 1.0)
    means = sums / safe_counts
    mse_per_bin = jnp.where(cnt > 0, (means - levels) ** 2, 0.0)
    var_per_bin = jnp.where(cnt >= 2.0, ssq / safe_counts - means ** 2, 0.0)
    total_mse = jnp.sum(mse_per_bin)
    total_var = jnp.sum(var_per_bin)
    loss = total_mse + total_var

    n = jnp.float32(N_TOTAL)
    sumdiff2 = jnp.sum(ssq - 2.0 * levels * sums + levels * levels * cnt)
    quantization_mse = sumdiff2 / n
    mean_distance = sdiff / n
    max_dist = a_s * 0.5
    effectiveness = jnp.clip(
        100.0 * (1.0 - mean_distance / (max_dist + 1e-12)), 0.0, 100.0)
    near_levels = near / n * 100.0

    return (loss, total_mse, total_var, quantization_mse, mean_distance,
            effectiveness, near_levels)

# --- scband reference (transcript-rebuilt; emitter-appended) ---
"""Pipeline reference for scband-bin-regularizer-41412074668319 (READ-ONLY COPY).

The authoritative reference and input builder live on the scoring server;
editing this copy changes nothing except your own understanding.
"""

import jax, jax.numpy as jnp
import numpy as np

NUM_BITS = 2
SIGNED = True
QN = -2 ** (NUM_BITS - 1)
QP = 2 ** (NUM_BITS - 1) - 1
NUM_LEVELS = 2 ** NUM_BITS


def setup_inputs(seed: int = 0) -> dict:
    key = jax.random.key(seed)
    k1, k2 = jax.random.split(key)
    weights = jax.random.normal(k1, (4096, 4096), dtype=jnp.float32)
    alpha = jnp.ones((1,), dtype=jnp.float32)
    return {"weights": weights, "alpha": alpha}


def reference(weights, alpha):
    # Faithful translation of BinRegularizer.compute_bin_loss with
    # backprop_to_alpha=False (alpha treated as a constant / .item()).
    w = weights.reshape(-1)
    alpha_s = jax.lax.stop_gradient(alpha.reshape(()))
    level_indices = jnp.arange(QN, QP + 1, dtype=w.dtype)
    levels = level_indices * alpha_s  # LSQ quantization levels [Qn*s, ..., Qp*s]

    # LSQ integer code: round(clip(w/s, Qn, Qp)) -- non-differentiable (torch .long())
    bin_assignments = jax.lax.stop_gradient(
        jnp.round(jnp.clip(w / alpha_s, QN, QP))
    ).astype(jnp.int32)
    idx = bin_assignments - QN  # in [0, NUM_LEVELS)

    # Per-bin statistics via segment reductions (equivalent to the masked loop)
    counts = jax.ops.segment_sum(jnp.ones_like(w), idx, num_segments=NUM_LEVELS)
    sums = jax.ops.segment_sum(w, idx, num_segments=NUM_LEVELS)
    sumsq = jax.ops.segment_sum(w * w, idx, num_segments=NUM_LEVELS)

    safe_counts = jnp.maximum(counts, 1.0)
    means = sums / safe_counts
    # L_mse per bin: (mean(w_i) - level_i)^2, only for non-empty bins
    mse_per_bin = jnp.where(counts > 0, (means - levels) ** 2, 0.0)
    # L_var per bin: var(w_i, unbiased=False) = E[x^2] - mean^2, only if count >= 2
    var_per_bin = jnp.where(counts >= 2.0, sumsq / safe_counts - means ** 2, 0.0)

    total_mse = jnp.sum(mse_per_bin)
    total_var = jnp.sum(var_per_bin)
    loss = total_mse + total_var

    # Diagnostics (torch.no_grad() block)
    wq = bin_assignments.astype(w.dtype) * alpha_s
    diff = jnp.abs(w - wq)
    mean_distance = jnp.mean(diff)
    max_dist = alpha_s * 0.5
    effectiveness = jnp.clip(100.0 * (1.0 - mean_distance / (max_dist + 1e-12)), 0.0, 100.0)
    near_levels = jnp.mean((diff < 0.01 * alpha_s).astype(w.dtype)) * 100.0
    quantization_mse = jnp.mean((w - wq) ** 2)

    return (loss, total_mse, total_var, quantization_mse, mean_distance, effectiveness, near_levels)

if __name__ == "__main__":
    import jax
    _d = setup_inputs()
    print(jax.jit(kernel)(*tuple(_d.values())))

</pallas_src>

<mosaic_0001>
#map = affine_map<(d0, d1) -> (0, 0)>
#map1 = affine_map<(d0, d1) -> (0)>
module attributes {stable_mosaic.version = 14 : i64} {
  func.func @_body(%arg0: i32, %arg1: i32, %arg2: memref<4096x4096xf32, #tpu.memory_space<hbm>>, %arg3: memref<64xf32, #tpu.memory_space<hbm>>, %arg4: memref<32x1568xf32, #tpu.memory_space<hbm>>, %arg5: memref<8x4096xf32, #tpu.memory_space<vmem>>, %arg6: memref<8x4096xf32, #tpu.memory_space<vmem>>, %arg7: memref<64xf32, #tpu.memory_space<vmem>>, %arg8: memref<512xf32, #tpu.memory_space<vmem>>, %arg9: memref<512xf32, #tpu.memory_space<vmem>>, %arg10: memref<512xf32, #tpu.memory_space<vmem>>, %arg11: memref<32xf32, #tpu.memory_space<vmem>>, %arg12: memref<!tpu.dma_semaphore, #tpu.memory_space<semaphore_mem>>, %arg13: memref<!tpu.dma_semaphore, #tpu.memory_space<semaphore_mem>>) attributes {dimension_semantics = [#tpu.dimension_semantics<core_parallel>, #tpu.dimension_semantics<subcore_parallel>], iteration_bounds = array<i64: 2, 16>, scalar_prefetch = 0 : i64, scratch_operands = 9 : i64, tpu.core_type = #tpu.core_type<sc_vector_subcore>, window_params = [{transform_indices = #map}, {transform_indices = #map1}, {transform_indices = #map}]} {
    %mul3A = arith.constant 2 : i32
    %mul3A_0 = arith.muli %arg1, %mul3A : i32
    %add3A = arith.addi %mul3A_0, %arg0 : i32
    %mul3A_1 = arith.constant 128 : i32
    %mul3A_2 = arith.muli %add3A, %mul3A_1 : i32
    "tpu.region"() ({
      %run_scoped3A = tpu.sem_alloc : memref<!tpu.dma_semaphore, #tpu.memory_space<semaphore_mem>>
      tpu.enqueue_dma source(%arg3 : memref<64xf32, #tpu.memory_space<hbm>>) target(%arg7 : memref<64xf32, #tpu.memory_space<vmem>>) target_semaphore(%run_scoped3A : memref<!tpu.dma_semaphore, #tpu.memory_space<semaphore_mem>>)
      tpu.wait_dma2 semaphore(%run_scoped3A : memref<!tpu.dma_semaphore, #tpu.memory_space<semaphore_mem>>) src(%arg3 : memref<64xf32, #tpu.memory_space<hbm>>) dst(%arg7 : memref<64xf32, #tpu.memory_space<vmem>>)
      tpu.yield
    }) : () -> ()
    %broadcast_in_dim3A = arith.constant 0.000000e+00 : f32
    %broadcast_in_dim3A_3 = vector.broadcast %broadcast_in_dim3A : f32 to vector<16xf32>
    %swap3A = arith.constant 0 : index
    %swap3A_4 = tpu.vector_load %arg8[%swap3A] {strides = array<i32>} : memref<512xf32, #tpu.memory_space<vmem>>, vector<16xf32>,
    tpu.vector_store %arg8[%swap3A], %broadcast_in_dim3A_3 {strides = array<i32>} : memref<512xf32, #tpu.memory_space<vmem>>, vector<16xf32>,
    %swap3A_5 = arith.constant 0 : index
    %swap3A_6 = tpu.vector_load %arg9[%swap3A_5] {strides = array<i32>} : memref<512xf32, #tpu.memory_space<vmem>>, vector<16xf32>,
    tpu.vector_store %arg9[%swap3A_5], %broadcast_in_dim3A_3 {strides = array<i32>} : memref<512xf32, #tpu.memory_space<vmem>>, vector<16xf32>,
    %swap3A_7 = arith.constant 0 : index
    %swap3A_8 = tpu.vector_load %arg10[%swap3A_7] {strides = array<i32>} : memref<512xf32, #tpu.memory_space<vmem>>, vector<16xf32>,
    tpu.vector_store %arg10[%swap3A_7], %broadcast_in_dim3A_3 {strides = array<i32>} : memref<512xf32, #tpu.memory_space<vmem>>, vector<16xf32>,
    %swap3A_9 = arith.constant 16 : index
    %swap3A_10 = tpu.vector_load %arg8[%swap3A_9] {strides = array<i32>} : memref<512xf32, #tpu.memory_space<vmem>>, vector<16xf32>,
    tpu.vector_store %arg8[%swap3A_9], %broadcast_in_dim3A_3 {strides = array<i32>} : memref<512xf32, #tpu.memory_space<vmem>>, vector<16xf32>,
    %swap3A_11 = arith.constant 16 : index
    %swap3A_12 = tpu.vector_load %arg9[%swap3A_11] {strides = array<i32>} : memref<512xf32, #tpu.memory_space<vmem>>, vector<16xf32>,
    tpu.vector_store %arg9[%swap3A_11], %broadcast_in_dim3A_3 {strides = array<i32>} : memref<512xf32, #tpu.memory_space<vmem>>, vector<16xf32>,
    %swap3A_13 = arith.constant 16 : index
    %swap3A_14 = tpu.vector_load %arg10[%swap3A_13] {strides = array<i32>} : memref<512xf32, #tpu.memory_space<vmem>>, vector<16xf32>,
    tpu.vector_store %arg10[%swap3A_13], %broadcast_in_dim3A_3 {strides = array<i32>} : memref<512xf32, #tpu.memory_space<vmem>>, vector<16xf32>,
    %swap3A_15 = arith.constant 32 : index
    %swap3A_16 = tpu.vector_load %arg8[%swap3A_15] {strides = array<i32>} : memref<512xf32, #tpu.memory_space<vmem>>, vector<16xf32>,
    tpu.vector_store %arg8[%swap3A_15], %broadcast_in_dim3A_3 {strides = array<i32>} : memref<512xf32, #tpu.memory_space<vmem>>, vector<16xf32>,
    %swap3A_17 = arith.constant 32 : index
    %swap3A_18 = tpu.vector_load %arg9[%swap3A_17] {strides = array<i32>} : memref<512xf32, #tpu.memory_space<vmem>>, vector<16xf32>,
    tpu.vector_store %arg9[%swap3A_17], %broadcast_in_dim3A_3 {strides = array<i32>} : memref<512xf32, #tpu.memory_space<vmem>>, vector<16xf32>,
    %swap3A_19 = arith.constant 32 : index
    %swap3A_20 = tpu.vector_load %arg10[%swap3A_19] {strides = array<i32>} : memref<512xf32, #tpu.memory_space<vmem>>, vector<16xf32>,
    tpu.vector_store %arg10[%swap3A_19], %broadcast_in_dim3A_3 {strides = array<i32>} : memref<512xf32, #tpu.memory_space<vmem>>, vector<16xf32>,
    %swap3A_21 = arith.constant 48 : index
    %swap3A_22 = tpu.vector_load %arg8[%swap3A_21] {strides = array<i32>} : memref<512xf32, #tpu.memory_space<vmem>>, vector<16xf32>,
    tpu.vector_store %arg8[%swap3A_21], %broadcast_in_dim3A_3 {strides = array<i32>} : memref<512xf32, #tpu.memory_space<vmem>>, vector<16xf32>,
    %swap3A_23 = arith.constant 48 : index
    %swap3A_24 = tpu.vector_load %arg9[%swap3A_23] {strides = array<i32>} : memref<512xf32, #tpu.memory_space<vmem>>, vector<16xf32>,
    tpu.vector_store %arg9[%swap3A_23], %broadcast_in_dim3A_3 {strides = array<i32>} : memref<512xf32, #tpu.memory_space<vmem>>, vector<16xf32>,
    %swap3A_25 = arith.constant 48 : index
    %swap3A_26 = tpu.vector_load %arg10[%swap3A_25] {strides = array<i32>} : memref<512xf32, #tpu.memory_space<vmem>>, vector<16xf32>,
    tpu.vector_store %arg10[%swap3A_25], %broadcast_in_dim3A_3 {strides = array<i32>} : memref<512xf32, #tpu.memory_space<vmem>>, vector<16xf32>,
    %swap3A_27 = arith.constant 64 : index
    %swap3A_28 = tpu.vector_load %arg8[%swap3A_27] {strides = array<i32>} : memref<512xf32, #tpu.memory_space<vmem>>, vector<16xf32>,
    tpu.vector_store %arg8[%swap3A_27], %broadcast_in_dim3A_3 {strides = array<i32>} : memref<512xf32, #tpu.memory_space<vmem>>, vector<16xf32>,
    %swap3A_29 = arith.constant 64 : index
    %swap3A_30 = tpu.vector_load %arg9[%swap3A_29] {strides = array<i32>} : memref<512xf32, #tpu.memory_space<vmem>>, vector<16xf32>,
    tpu.vector_store %arg9[%swap3A_29], %broadcast_in_dim3A_3 {strides = array<i32>} : memref<512xf32, #tpu.memory_space<vmem>>, vector<16xf32>,
    %swap3A_31 = arith.constant 64 : index
    %swap3A_32 = tpu.vector_load %arg10[%swap3A_31] {strides = array<i32>} : memref<512xf32, #tpu.memory_space<vmem>>, vector<16xf32>,
    tpu.vector_store %arg10[%swap3A_31], %broadcast_in_dim3A_3 {strides = array<i32>} : memref<512xf32, #tpu.memory_space<vmem>>, vector<16xf32>,
    %swap3A_33 = arith.constant 80 : index
    %swap3A_34 = tpu.vector_load %arg8[%swap3A_33] {strides = array<i32>} : memref<512xf32, #tpu.memory_space<vmem>>, vector<16xf32>,
    tpu.vector_store %arg8[%swap3A_33], %broadcast_in_dim3A_3 {strides = array<i32>} : memref<512xf32, #tpu.memory_space<vmem>>, vector<16xf32>,
    %swap3A_35 = arith.constant 80 : index
    %swap3A_36 = tpu.vector_load %arg9[%swap3A_35] {strides = array<i32>} : memref<512xf32, #tpu.memory_space<vmem>>, vector<16xf32>,
    tpu.vector_store %arg9[%swap3A_35], %broadcast_in_dim3A_3 {strides = array<i32>} : memref<512xf32, #tpu.memory_space<vmem>>, vector<16xf32>,
    %swap3A_37 = arith.constant 80 : index
    %swap3A_38 = tpu.vector_load %arg10[%swap3A_37] {strides = array<i32>} : memref<512xf32, #tpu.memory_space<vmem>>, vector<16xf32>,
    tpu.vector_store %arg10[%swap3A_37], %broadcast_in_dim3A_3 {strides = array<i32>} : memref<512xf32, #tpu.memory_space<vmem>>, vector<16xf32>,
    %swap3A_39 = arith.constant 96 : index
    %swap3A_40 = tpu.vector_load %arg8[%swap3A_39] {strides = array<i32>} : memref<512xf32, #tpu.memory_space<vmem>>, vector<16xf32>,
    tpu.vector_store %arg8[%swap3A_39], %broadcast_in_dim3A_3 {strides = array<i32>} : memref<512xf32, #tpu.memory_space<vmem>>, vector<16xf32>,
    %swap3A_41 = arith.constant 96 : index
    %swap3A_42 = tpu.vector_load %arg9[%swap3A_41] {strides = array<i32>} : memref<512xf32, #tpu.memory_space<vmem>>, vector<16xf32>,
    tpu.vector_store %arg9[%swap3A_41], %broadcast_in_dim3A_3 {strides = array<i32>} : memref<512xf32, #tpu.memory_space<vmem>>, vector<16xf32>,
    %swap3A_43 = arith.constant 96 : index
    %swap3A_44 = tpu.vector_load %arg10[%swap3A_43] {strides = array<i32>} : memref<512xf32, #tpu.memory_space<vmem>>, vector<16xf32>,
    tpu.vector_store %arg10[%swap3A_43], %broadcast_in_dim3A_3 {strides = array<i32>} : memref<512xf32, #tpu.memory_space<vmem>>, vector<16xf32>,
    %swap3A_45 = arith.constant 112 : index
    %swap3A_46 = tpu.vector_load %arg8[%swap3A_45] {strides = array<i32>} : memref<512xf32, #tpu.memory_space<vmem>>, vector<16xf32>,
    tpu.vector_store %arg8[%swap3A_45], %broadcast_in_dim3A_3 {strides = array<i32>} : memref<512xf32, #tpu.memory_space<vmem>>, vector<16xf32>,
    %swap3A_47 = arith.constant 112 : index
    %swap3A_48 = tpu.vector_load %arg9[%swap3A_47] {strides = array<i32>} : memref<512xf32, #tpu.memory_space<vmem>>, vector<16xf32>,
    tpu.vector_store %arg9[%swap3A_47], %broadcast_in_dim3A_3 {strides = array<i32>} : memref<512xf32, #tpu.memory_space<vmem>>, vector<16xf32>,
    %swap3A_49 = arith.constant 112 : index
    %swap3A_50 = tpu.vector_load %arg10[%swap3A_49] {strides = array<i32>} : memref<512xf32, #tpu.memory_space<vmem>>, vector<16xf32>,
    tpu.vector_store %arg10[%swap3A_49], %broadcast_in_dim3A_3 {strides = array<i32>} : memref<512xf32, #tpu.memory_space<vmem>>, vector<16xf32>,
    %swap3A_51 = arith.constant 128 : index
    %swap3A_52 = tpu.vector_load %arg8[%swap3A_51] {strides = array<i32>} : memref<512xf32, #tpu.memory_space<vmem>>, vector<16xf32>,
    tpu.vector_store %arg8[%swap3A_51], %broadcast_in_dim3A_3 {strides = array<i32>} : memref<512xf32, #tpu.memory_space<vmem>>, vector<16xf32>,
    %swap3A_53 = arith.constant 128 : index
    %swap3A_54 = tpu.vector_load %arg9[%swap3A_53] {strides = array<i32>} : memref<512xf32, #tpu.memory_space<vmem>>, vector<16xf32>,
    tpu.vector_store %arg9[%swap3A_53], %broadcast_in_dim3A_3 {strides = array<i32>} : memref<512xf32, #tpu.memory_space<vmem>>, vector<16xf32>,
    %swap3A_55 = arith.constant 128 : index
    %swap3A_56 = tpu.vector_load %arg10[%swap3A_55] {strides = array<i32>} : memref<512xf32, #tpu.memory_space<vmem>>, vector<16xf32>,
    tpu.vector_store %arg10[%swap3A_55], %broadcast_in_dim3A_3 {strides = array<i32>} : memref<512xf32, #tpu.memory_space<vmem>>, vector<16xf32>,
    %swap3A_57 = arith.constant 144 : index
    %swap3A_58 = tpu.vector_load %arg8[%swap3A_57] {strides = array<i32>} : memref<512xf32, #tpu.memory_space<vmem>>, vector<16xf32>,
    tpu.vector_store %arg8[%swap3A_57], %broadcast_in_dim3A_3 {strides = array<i32>} : memref<512xf32, #tpu.memory_space<vmem>>, vector<16xf32>,
    %swap3A_59 = arith.constant 144 : index
    %swap3A_60 = tpu.vector_load %arg9[%swap3A_59] {strides = array<i32>} : memref<512xf32, #tpu.memory_space<vmem>>, vector<16xf32>,
    tpu.vector_store %arg9[%swap3A_59], %broadcast_in_dim3A_3 {strides = array<i32>} : memref<512xf32, #tpu.memory_space<vmem>>, vector<16xf32>,
    %swap3A_61 = arith.constant 144 : index
    %swap3A_62 = tpu.vector_load %arg10[%swap3A_61] {strides = array<i32>} : memref<512xf32, #tpu.memory_space<vmem>>, vector<16xf32>,
    tpu.vector_store %arg10[%swap3A_61], %broadcast_in_dim3A_3 {strides = array<i32>} : memref<512xf32, #tpu.memory_space<vmem>>, vector<16xf32>,
    %swap3A_63 = arith.constant 160 : index
    %swap3A_64 = tpu.vector_load %arg8[%swap3A_63] {strides = array<i32>} : memref<512xf32, #tpu.memory_space<vmem>>, vector<16xf32>,
    tpu.vector_store %arg8[%swap3A_63], %broadcast_in_dim3A_3 {strides = array<i32>} : memref<512xf32, #tpu.memory_space<vmem>>, vector<16xf32>,
    %swap3A_65 = arith.constant 160 : index
    %swap3A_66 = tpu.vector_load %arg9[%swap3A_65] {strides = array<i32>} : memref<512xf32, #tpu.memory_space<vmem>>, vector<16xf32>,
    tpu.vector_store %arg9[%swap3A_65], %broadcast_in_dim3A_3 {strides = array<i32>} : memref<512xf32, #tpu.memory_space<vmem>>, vector<16xf32>,
    %swap3A_67 = arith.constant 160 : index
    %swap3A_68 = tpu.vector_load %arg10[%swap3A_67] {strides = array<i32>} : memref<512xf32, #tpu.memory_space<vmem>>, vector<16xf32>,
    tpu.vector_store %arg10[%swap3A_67], %broadcast_in_dim3A_3 {strides = array<i32>} : memref<512xf32, #tpu.memory_space<vmem>>, vector<16xf32>,
    %swap3A_69 = arith.constant 176 : index
    %swap3A_70 = tpu.vector_load %arg8[%swap3A_69] {strides = array<i32>} : memref<512xf32, #tpu.memory_space<vmem>>, vector<16xf32>,
    tpu.vector_store %arg8[%swap3A_69], %broadcast_in_dim3A_3 {strides = array<i32>} : memref<512xf32, #tpu.memory_space<vmem>>, vector<16xf32>,
    %swap3A_71 = arith.constant 176 : index
    %swap3A_72 = tpu.vector_load %arg9[%swap3A_71] {strides = array<i32>} : memref<512xf32, #tpu.memory_space<vmem>>, vector<16xf32>,
    tpu.vector_store %arg9[%swap3A_71], %broadcast_in_dim3A_3 {strides = array<i32>} : memref<512xf32, #tpu.memory_space<vmem>>, vector<16xf32>,
    %swap3A_73 = arith.constant 176 : index
    %swap3A_74 = tpu.vector_load %arg10[%swap3A_73] {strides = array<i32>} : memref<512xf32, #tpu.memory_space<vmem>>, vector<16xf32>,
    tpu.vector_store %arg10[%swap3A_73], %broadcast_in_dim3A_3 {strides = array<i32>} : memref<512xf32, #tpu.memory_space<vmem>>, vector<16xf32>,
    %swap3A_75 = arith.constant 192 : index
    %swap3A_76 = tpu.vector_load %arg8[%swap3A_75] {strides = array<i32>} : memref<512xf32, #tpu.memory_space<vmem>>, vector<16xf32>,
    tpu.vector_store %arg8[%swap3A_75], %broadcast_in_dim3A_3 {strides = array<i32>} : memref<512xf32, #tpu.memory_space<vmem>>, vector<16xf32>,
    %swap3A_77 = arith.constant 192 : index
    %swap3A_78 = tpu.vector_load %arg9[%swap3A_77] {strides = array<i32>} : memref<512xf32, #tpu.memory_space<vmem>>, vector<16xf32>,
    tpu.vector_store %arg9[%swap3A_77], %broadcast_in_dim3A_3 {strides = array<i32>} : memref<512xf32, #tpu.memory_space<vmem>>, vector<16xf32>,
    %swap3A_79 = arith.constant 192 : index
    %swap3A_80 = tpu.vector_load %arg10[%swap3A_79] {strides = array<i32>} : memref<512xf32, #tpu.memory_space<vmem>>, vector<16xf32>,
    tpu.vector_store %arg10[%swap3A_79], %broadcast_in_dim3A_3 {strides = array<i32>} : memref<512xf32, #tpu.memory_space<vmem>>, vector<16xf32>,
    %swap3A_81 = arith.constant 208 : index
    %swap3A_82 = tpu.vector_load %arg8[%swap3A_81] {strides = array<i32>} : memref<512xf32, #tpu.memory_space<vmem>>, vector<16xf32>,
    tpu.vector_store %arg8[%swap3A_81], %broadcast_in_dim3A_3 {strides = array<i32>} : memref<512xf32, #tpu.memory_space<vmem>>, vector<16xf32>,
    %swap3A_83 = arith.constant 208 : index
    %swap3A_84 = tpu.vector_load %arg9[%swap3A_83] {strides = array<i32>} : memref<512xf32, #tpu.memory_space<vmem>>, vector<16xf32>,
    tpu.vector_store %arg9[%swap3A_83], %broadcast_in_dim3A_3 {strides = array<i32>} : memref<512xf32, #tpu.memory_space<vmem>>, vector<16xf32>,
    %swap3A_85 = arith.constant 208 : index
    %swap3A_86 = tpu.vector_load %arg10[%swap3A_85] {strides = array<i32>} : memref<512xf32, #tpu.memory_space<vmem>>, vector<16xf32>,
    tpu.vector_store %arg10[%swap3A_85], %broadcast_in_dim3A_3 {strides = array<i32>} : memref<512xf32, #tpu.memory_space<vmem>>, vector<16xf32>,
    %swap3A_87 = arith.constant 224 : index
    %swap3A_88 = tpu.vector_load %arg8[%swap3A_87] {strides = array<i32>} : memref<512xf32, #tpu.memory_space<vmem>>, vector<16xf32>,
    tpu.vector_store %arg8[%swap3A_87], %broadcast_in_dim3A_3 {strides = array<i32>} : memref<512xf32, #tpu.memory_space<vmem>>, vector<16xf32>,
    %swap3A_89 = arith.constant 224 : index
    %swap3A_90 = tpu.vector_load %arg9[%swap3A_89] {strides = array<i32>} : memref<512xf32, #tpu.memory_space<vmem>>, vector<16xf32>,
    tpu.vector_store %arg9[%swap3A_89], %broadcast_in_dim3A_3 {strides = array<i32>} : memref<512xf32, #tpu.memory_space<vmem>>, vector<16xf32>,
    %swap3A_91 = arith.constant 224 : index
    %swap3A_92 = tpu.vector_load %arg10[%swap3A_91] {strides = array<i32>} : memref<512xf32, #tpu.memory_space<vmem>>, vector<16xf32>,
    tpu.vector_store %arg10[%swap3A_91], %broadcast_in_dim3A_3 {strides = array<i32>} : memref<512xf32, #tpu.memory_space<vmem>>, vector<16xf32>,
    %swap3A_93 = arith.constant 240 : index
    %swap3A_94 = tpu.vector_load %arg8[%swap3A_93] {strides = array<i32>} : memref<512xf32, #tpu.memory_space<vmem>>, vector<16xf32>,
    tpu.vector_store %arg8[%swap3A_93], %broadcast_in_dim3A_3 {strides = array<i32>} : memref<512xf32, #tpu.memory_space<vmem>>, vector<16xf32>,
    %swap3A_95 = arith.constant 240 : index
    %swap3A_96 = tpu.vector_load %arg9[%swap3A_95] {strides = array<i32>} : memref<512xf32, #tpu.memory_space<vmem>>, vector<16xf32>,
    tpu.vector_store %arg9[%swap3A_95], %broadcast_in_dim3A_3 {strides = array<i32>} : memref<512xf32, #tpu.memory_space<vmem>>, vector<16xf32>,
    %swap3A_97 = arith.constant 240 : index
    %swap3A_98 = tpu.vector_load %arg10[%swap3A_97] {strides = array<i32>} : memref<512xf32, #tpu.memory_space<vmem>>, vector<16xf32>,
    tpu.vector_store %arg10[%swap3A_97], %broadcast_in_dim3A_3 {strides = array<i32>} : memref<512xf32, #tpu.memory_space<vmem>>, vector<16xf32>,
    %swap3A_99 = arith.constant 256 : index
    %swap3A_100 = tpu.vector_load %arg8[%swap3A_99] {strides = array<i32>} : memref<512xf32, #tpu.memory_space<vmem>>, vector<16xf32>,
    tpu.vector_store %arg8[%swap3A_99], %broadcast_in_dim3A_3 {strides = array<i32>} : memref<512xf32, #tpu.memory_space<vmem>>, vector<16xf32>,
    %swap3A_101 = arith.constant 256 : index
    %swap3A_102 = tpu.vector_load %arg9[%swap3A_101] {strides = array<i32>} : memref<512xf32, #tpu.memory_space<vmem>>, vector<16xf32>,
    tpu.vector_store %arg9[%swap3A_101], %broadcast_in_dim3A_3 {strides = array<i32>} : memref<512xf32, #tpu.memory_space<vmem>>, vector<16xf32>,
    %swap3A_103 = arith.constant 256 : index
    %swap3A_104 = tpu.vector_load %arg10[%swap3A_103] {strides = array<i32>} : memref<512xf32, #tpu.memory_space<vmem>>, vector<16xf32>,
    tpu.vector_store %arg10[%swap3A_103], %broadcast_in_dim3A_3 {strides = array<i32>} : memref<512xf32, #tpu.memory_space<vmem>>, vector<16xf32>,
    %swap3A_105 = arith.constant 272 : index
    %swap3A_106 = tpu.vector_load %arg8[%swap3A_105] {strides = array<i32>} : memref<512xf32, #tpu.memory_space<vmem>>, vector<16xf32>,
    tpu.vector_store %arg8[%swap3A_105], %broadcast_in_dim3A_3 {strides = array<i32>} : memref<512xf32, #tpu.memory_space<vmem>>, vector<16xf32>,
    %swap3A_107 = arith.constant 272 : index
    %swap3A_108 = tpu.vector_load %arg9[%swap3A_107] {strides = array<i32>} : memref<512xf32, #tpu.memory_space<vmem>>, vector<16xf32>,
    tpu.vector_store %arg9[%swap3A_107], %broadcast_in_dim3A_3 {strides = array<i32>} : memref<512xf32, #tpu.memory_space<vmem>>, vector<16xf32>,
    %swap3A_109 = arith.constant 272 : index
    %swap3A_110 = tpu.vector_load %arg10[%swap3A_109] {strides = array<i32>} : memref<512xf32, #tpu.memory_space<vmem>>, vector<16xf32>,
    tpu.vector_store %arg10[%swap3A_109], %broadcast_in_dim3A_3 {strides = array<i32>} : memref<512xf32, #tpu.memory_space<vmem>>, vector<16xf32>,
    %swap3A_111 = arith.constant 288 : index
    %swap3A_112 = tpu.vector_load %arg8[%swap3A_111] {strides = array<i32>} : memref<512xf32, #tpu.memory_space<vmem>>, vector<16xf32>,
    tpu.vector_store %arg8[%swap3A_111], %broadcast_in_dim3A_3 {strides = array<i32>} : memref<512xf32, #tpu.memory_space<vmem>>, vector<16xf32>,
    %swap3A_113 = arith.constant 288 : index
    %swap3A_114 = tpu.vector_load %arg9[%swap3A_113] {strides = array<i32>} : memref<512xf32, #tpu.memory_space<vmem>>, vector<16xf32>,
    tpu.vector_store %arg9[%swap3A_113], %broadcast_in_dim3A_3 {strides = array<i32>} : memref<512xf32, #tpu.memory_space<vmem>>, vector<16xf32>,
    %swap3A_115 = arith.constant 288 : index
    %swap3A_116 = tpu.vector_load %arg10[%swap3A_115] {strides = array<i32>} : memref<512xf32, #tpu.memory_space<vmem>>, vector<16xf32>,
    tpu.vector_store %arg10[%swap3A_115], %broadcast_in_dim3A_3 {strides = array<i32>} : memref<512xf32, #tpu.memory_space<vmem>>, vector<16xf32>,
    %swap3A_117 = arith.constant 304 : index
    %swap3A_118 = tpu.vector_load %arg8[%swap3A_117] {strides = array<i32>} : memref<512xf32, #tpu.memory_space<vmem>>, vector<16xf32>,
    tpu.vector_store %arg8[%swap3A_117], %broadcast_in_dim3A_3 {strides = array<i32>} : memref<512xf32, #tpu.memory_space<vmem>>, vector<16xf32>,
    %swap3A_119 = arith.constant 304 : index
    %swap3A_120 = tpu.vector_load %arg9[%swap3A_119] {strides = array<i32>} : memref<512xf32, #tpu.memory_space<vmem>>, vector<16xf32>,
    tpu.vector_store %arg9[%swap3A_119], %broadcast_in_dim3A_3 {strides = array<i32>} : memref<512xf32, #tpu.memory_space<vmem>>, vector<16xf32>,
    %swap3A_121 = arith.constant 304 : index
    %swap3A_122 = tpu.vector_load %arg10[%swap3A_121] {strides = array<i32>} : memref<512xf32, #tpu.memory_space<vmem>>, vector<16xf32>,
    tpu.vector_store %arg10[%swap3A_121], %broadcast_in_dim3A_3 {strides = array<i32>} : memref<512xf32, #tpu.memory_space<vmem>>, vector<16xf32>,
    %swap3A_123 = arith.constant 320 : index
    %swap3A_124 = tpu.vector_load %arg8[%swap3A_123] {strides = array<i32>} : memref<512xf32, #tpu.memory_space<vmem>>, vector<16xf32>,
    tpu.vector_store %arg8[%swap3A_123], %broadcast_in_dim3A_3 {strides = array<i32>} : memref<512xf32, #tpu.memory_space<vmem>>, vector<16xf32>,
    %swap3A_125 = arith.constant 320 : index
    %swap3A_126 = tpu.vector_load %arg9[%swap3A_125] {strides = array<i32>} : memref<512xf32, #tpu.memory_space<vmem>>, vector<16xf32>,
    tpu.vector_store %arg9[%swap3A_125], %broadcast_in_dim3A_3 {strides = array<i32>} : memref<512xf32, #tpu.memory_space<vmem>>, vector<16xf32>,
    %swap3A_127 = arith.constant 320 : index
    %swap3A_128 = tpu.vector_load %arg10[%swap3A_127] {strides = array<i32>} : memref<512xf32, #tpu.memory_space<vmem>>, vector<16xf32>,
    tpu.vector_store %arg10[%swap3A_127], %broadcast_in_dim3A_3 {strides = array<i32>} : memref<512xf32, #tpu.memory_space<vmem>>, vector<16xf32>,
    %swap3A_129 = arith.constant 336 : index
    %swap3A_130 = tpu.vector_load %arg8[%swap3A_129] {strides = array<i32>} : memref<512xf32, #tpu.memory_space<vmem>>, vector<16xf32>,
    tpu.vector_store %arg8[%swap3A_129], %broadcast_in_dim3A_3 {strides = array<i32>} : memref<512xf32, #tpu.memory_space<vmem>>, vector<16xf32>,
    %swap3A_131 = arith.constant 336 : index
    %swap3A_132 = tpu.vector_load %arg9[%swap3A_131] {strides = array<i32>} : memref<512xf32, #tpu.memory_space<vmem>>, vector<16xf32>,
    tpu.vector_store %arg9[%swap3A_131], %broadcast_in_dim3A_3 {strides = array<i32>} : memref<512xf32, #tpu.memory_space<vmem>>, vector<16xf32>,
    %swap3A_133 = arith.constant 336 : index
    %swap3A_134 = tpu.vector_load %arg10[%swap3A_133] {strides = array<i32>} : memref<512xf32, #tpu.memory_space<vmem>>, vector<16xf32>,
    tpu.vector_store %arg10[%swap3A_133], %broadcast_in_dim3A_3 {strides = array<i32>} : memref<512xf32, #tpu.memory_space<vmem>>, vector<16xf32>,
    %swap3A_135 = arith.constant 352 : index
    %swap3A_136 = tpu.vector_load %arg8[%swap3A_135] {strides = array<i32>} : memref<512xf32, #tpu.memory_space<vmem>>, vector<16xf32>,
    tpu.vector_store %arg8[%swap3A_135], %broadcast_in_dim3A_3 {strides = array<i32>} : memref<512xf32, #tpu.memory_space<vmem>>, vector<16xf32>,
    %swap3A_137 = arith.constant 352 : index
    %swap3A_138 = tpu.vector_load %arg9[%swap3A_137] {strides = array<i32>} : memref<512xf32, #tpu.memory_space<vmem>>, vector<16xf32>,
    tpu.vector_store %arg9[%swap3A_137], %broadcast_in_dim3A_3 {strides = array<i32>} : memref<512xf32, #tpu.memory_space<vmem>>, vector<16xf32>,
    %swap3A_139 = arith.constant 352 : index
    %swap3A_140 = tpu.vector_load %arg10[%swap3A_139] {strides = array<i32>} : memref<512xf32, #tpu.memory_space<vmem>>, vector<16xf32>,
    tpu.vector_store %arg10[%swap3A_139], %broadcast_in_dim3A_3 {strides = array<i32>} : memref<512xf32, #tpu.memory_space<vmem>>, vector<16xf32>,
    %swap3A_141 = arith.constant 368 : index
    %swap3A_142 = tpu.vector_load %arg8[%swap3A_141] {strides = array<i32>} : memref<512xf32, #tpu.memory_space<vmem>>, vector<16xf32>,
    tpu.vector_store %arg8[%swap3A_141], %broadcast_in_dim3A_3 {strides = array<i32>} : memref<512xf32, #tpu.memory_space<vmem>>, vector<16xf32>,
    %swap3A_143 = arith.constant 368 : index
    %swap3A_144 = tpu.vector_load %arg9[%swap3A_143] {strides = array<i32>} : memref<512xf32, #tpu.memory_space<vmem>>, vector<16xf32>,
    tpu.vector_store %arg9[%swap3A_143], %broadcast_in_dim3A_3 {strides = array<i32>} : memref<512xf32, #tpu.memory_space<vmem>>, vector<16xf32>,
    %swap3A_145 = arith.constant 368 : index
    %swap3A_146 = tpu.vector_load %arg10[%swap3A_145] {strides = array<i32>} : memref<512xf32, #tpu.memory_space<vmem>>, vector<16xf32>,
    tpu.vector_store %arg10[%swap3A_145], %broadcast_in_dim3A_3 {strides = array<i32>} : memref<512xf32, #tpu.memory_space<vmem>>, vector<16xf32>,
    %swap3A_147 = arith.constant 384 : index
    %swap3A_148 = tpu.vector_load %arg8[%swap3A_147] {strides = array<i32>} : memref<512xf32, #tpu.memory_space<vmem>>, vector<16xf32>,
    tpu.vector_store %arg8[%swap3A_147], %broadcast_in_dim3A_3 {strides = array<i32>} : memref<512xf32, #tpu.memory_space<vmem>>, vector<16xf32>,
    %swap3A_149 = arith.constant 384 : index
    %swap3A_150 = tpu.vector_load %arg9[%swap3A_149] {strides = array<i32>} : memref<512xf32, #tpu.memory_space<vmem>>, vector<16xf32>,
    tpu.vector_store %arg9[%swap3A_149], %broadcast_in_dim3A_3 {strides = array<i32>} : memref<512xf32, #tpu.memory_space<vmem>>, vector<16xf32>,
    %swap3A_151 = arith.constant 384 : index
    %swap3A_152 = tpu.vector_load %arg10[%swap3A_151] {strides = array<i32>} : memref<512xf32, #tpu.memory_space<vmem>>, vector<16xf32>,
    tpu.vector_store %arg10[%swap3A_151], %broadcast_in_dim3A_3 {strides = array<i32>} : memref<512xf32, #tpu.memory_space<vmem>>, vector<16xf32>,
    %swap3A_153 = arith.constant 400 : index
    %swap3A_154 = tpu.vector_load %arg8[%swap3A_153] {strides = array<i32>} : memref<512xf32, #tpu.memory_space<vmem>>, vector<16xf32>,
    tpu.vector_store %arg8[%swap3A_153], %broadcast_in_dim3A_3 {strides = array<i32>} : memref<512xf32, #tpu.memory_space<vmem>>, vector<16xf32>,
    %swap3A_155 = arith.constant 400 : index
    %swap3A_156 = tpu.vector_load %arg9[%swap3A_155] {strides = array<i32>} : memref<512xf32, #tpu.memory_space<vmem>>, vector<16xf32>,
    tpu.vector_store %arg9[%swap3A_155], %broadcast_in_dim3A_3 {strides = array<i32>} : memref<512xf32, #tpu.memory_space<vmem>>, vector<16xf32>,
    %swap3A_157 = arith.constant 400 : index
    %swap3A_158 = tpu.vector_load %arg10[%swap3A_157] {strides = array<i32>} : memref<512xf32, #tpu.memory_space<vmem>>, vector<16xf32>,
    tpu.vector_store %arg10[%swap3A_157], %broadcast_in_dim3A_3 {strides = array<i32>} : memref<512xf32, #tpu.memory_space<vmem>>, vector<16xf32>,
    %swap3A_159 = arith.constant 416 : index
    %swap3A_160 = tpu.vector_load %arg8[%swap3A_159] {strides = array<i32>} : memref<512xf32, #tpu.memory_space<vmem>>, vector<16xf32>,
    tpu.vector_store %arg8[%swap3A_159], %broadcast_in_dim3A_3 {strides = array<i32>} : memref<512xf32, #tpu.memory_space<vmem>>, vector<16xf32>,
    %swap3A_161 = arith.constant 416 : index
    %swap3A_162 = tpu.vector_load %arg9[%swap3A_161] {strides = array<i32>} : memref<512xf32, #tpu.memory_space<vmem>>, vector<16xf32>,
    tpu.vector_store %arg9[%swap3A_161], %broadcast_in_dim3A_3 {strides = array<i32>} : memref<512xf32, #tpu.memory_space<vmem>>, vector<16xf32>,
    %swap3A_163 = arith.constant 416 : index
    %swap3A_164 = tpu.vector_load %arg10[%swap3A_163] {strides = array<i32>} : memref<512xf32, #tpu.memory_space<vmem>>, vector<16xf32>,
    tpu.vector_store %arg10[%swap3A_163], %broadcast_in_dim3A_3 {strides = array<i32>} : memref<512xf32, #tpu.memory_space<vmem>>, vector<16xf32>,
    %swap3A_165 = arith.constant 432 : index
    %swap3A_166 = tpu.vector_load %arg8[%swap3A_165] {strides = array<i32>} : memref<512xf32, #tpu.memory_space<vmem>>, vector<16xf32>,
    tpu.vector_store %arg8[%swap3A_165], %broadcast_in_dim3A_3 {strides = array<i32>} : memref<512xf32, #tpu.memory_space<vmem>>, vector<16xf32>,
    %swap3A_167 = arith.constant 432 : index
    %swap3A_168 = tpu.vector_load %arg9[%swap3A_167] {strides = array<i32>} : memref<512xf32, #tpu.memory_space<vmem>>, vector<16xf32>,
    tpu.vector_store %arg9[%swap3A_167], %broadcast_in_dim3A_3 {strides = array<i32>} : memref<512xf32, #tpu.memory_space<vmem>>, vector<16xf32>,
    %swap3A_169 = arith.constant 432 : index
    %swap3A_170 = tpu.vector_load %arg10[%swap3A_169] {strides = array<i32>} : memref<512xf32, #tpu.memory_space<vmem>>, vector<16xf32>,
    tpu.vector_store %arg10[%swap3A_169], %broadcast_in_dim3A_3 {strides = array<i32>} : memref<512xf32, #tpu.memory_space<vmem>>, vector<16xf32>,
    %swap3A_171 = arith.constant 448 : index
    %swap3A_172 = tpu.vector_load %arg8[%swap3A_171] {strides = array<i32>} : memref<512xf32, #tpu.memory_space<vmem>>, vector<16xf32>,
    tpu.vector_store %arg8[%swap3A_171], %broadcast_in_dim3A_3 {strides = array<i32>} : memref<512xf32, #tpu.memory_space<vmem>>, vector<16xf32>,
    %swap3A_173 = arith.constant 448 : index
    %swap3A_174 = tpu.vector_load %arg9[%swap3A_173] {strides = array<i32>} : memref<512xf32, #tpu.memory_space<vmem>>, vector<16xf32>,
    tpu.vector_store %arg9[%swap3A_173], %broadcast_in_dim3A_3 {strides = array<i32>} : memref<512xf32, #tpu.memory_space<vmem>>, vector<16xf32>,
    %swap3A_175 = arith.constant 448 : index
    %swap3A_176 = tpu.vector_load %arg10[%swap3A_175] {strides = array<i32>} : memref<512xf32, #tpu.memory_space<vmem>>, vector<16xf32>,
    tpu.vector_store %arg10[%swap3A_175], %broadcast_in_dim3A_3 {strides = array<i32>} : memref<512xf32, #tpu.memory_space<vmem>>, vector<16xf32>,
    %swap3A_177 = arith.constant 464 : index
    %swap3A_178 = tpu.vector_load %arg8[%swap3A_177] {strides = array<i32>} : memref<512xf32, #tpu.memory_space<vmem>>, vector<16xf32>,
    tpu.vector_store %arg8[%swap3A_177], %broadcast_in_dim3A_3 {strides = array<i32>} : memref<512xf32, #tpu.memory_space<vmem>>, vector<16xf32>,
    %swap3A_179 = arith.constant 464 : index
    %swap3A_180 = tpu.vector_load %arg9[%swap3A_179] {strides = array<i32>} : memref<512xf32, #tpu.memory_space<vmem>>, vector<16xf32>,
    tpu.vector_store %arg9[%swap3A_179], %broadcast_in_dim3A_3 {strides = array<i32>} : memref<512xf32, #tpu.memory_space<vmem>>, vector<16xf32>,
    %swap3A_181 = arith.constant 464 : index
    %swap3A_182 = tpu.vector_load %arg10[%swap3A_181] {strides = array<i32>} : memref<512xf32, #tpu.memory_space<vmem>>, vector<16xf32>,
    tpu.vector_store %arg10[%swap3A_181], %broadcast_in_dim3A_3 {strides = array<i32>} : memref<512xf32, #tpu.memory_space<vmem>>, vector<16xf32>,
    %swap3A_183 = arith.constant 480 : index
    %swap3A_184 = tpu.vector_load %arg8[%swap3A_183] {strides = array<i32>} : memref<512xf32, #tpu.memory_space<vmem>>, vector<16xf32>,
    tpu.vector_store %arg8[%swap3A_183], %broadcast_in_dim3A_3 {strides = array<i32>} : memref<512xf32, #tpu.memory_space<vmem>>, vector<16xf32>,
    %swap3A_185 = arith.constant 480 : index
    %swap3A_186 = tpu.vector_load %arg9[%swap3A_185] {strides = array<i32>} : memref<512xf32, #tpu.memory_space<vmem>>, vector<16xf32>,
    tpu.vector_store %arg9[%swap3A_185], %broadcast_in_dim3A_3 {strides = array<i32>} : memref<512xf32, #tpu.memory_space<vmem>>, vector<16xf32>,
    %swap3A_187 = arith.constant 480 : index
    %swap3A_188 = tpu.vector_load %arg10[%swap3A_187] {strides = array<i32>} : memref<512xf32, #tpu.memory_space<vmem>>, vector<16xf32>,
    tpu.vector_store %arg10[%swap3A_187], %broadcast_in_dim3A_3 {strides = array<i32>} : memref<512xf32, #tpu.memory_space<vmem>>, vector<16xf32>,
    %swap3A_189 = arith.constant 496 : index
    %swap3A_190 = tpu.vector_load %arg8[%swap3A_189] {strides = array<i32>} : memref<512xf32, #tpu.memory_space<vmem>>, vector<16xf32>,
    tpu.vector_store %arg8[%swap3A_189], %broadcast_in_dim3A_3 {strides = array<i32>} : memref<512xf32, #tpu.memory_space<vmem>>, vector<16xf32>,
    %swap3A_191 = arith.constant 496 : index
    %swap3A_192 = tpu.vector_load %arg9[%swap3A_191] {strides = array<i32>} : memref<512xf32, #tpu.memory_space<vmem>>, vector<16xf32>,
    tpu.vector_store %arg9[%swap3A_191], %broadcast_in_dim3A_3 {strides = array<i32>} : memref<512xf32, #tpu.memory_space<vmem>>, vector<16xf32>,
    %swap3A_193 = arith.constant 496 : index
    %swap3A_194 = tpu.vector_load %arg10[%swap3A_193] {strides = array<i32>} : memref<512xf32, #tpu.memory_space<vmem>>, vector<16xf32>,
    tpu.vector_store %arg10[%swap3A_193], %broadcast_in_dim3A_3 {strides = array<i32>} : memref<512xf32, #tpu.memory_space<vmem>>, vector<16xf32>,
    %get3A = arith.constant 0 : index
    %get3A_195 = tpu.vector_load %arg7[%get3A] {strides = array<i32>} : memref<64xf32, #tpu.memory_space<vmem>>, vector<16xf32>,
    %get3A_196 = arith.constant 32 : index
    %get3A_197 = tpu.vector_load %arg7[%get3A_196] {strides = array<i32>} : memref<64xf32, #tpu.memory_space<vmem>>, vector<16xf32>,
    %get3A_198 = arith.constant 48 : index
    %get3A_199 = tpu.vector_load %arg7[%get3A_198] {strides = array<i32>} : memref<64xf32, #tpu.memory_space<vmem>>, vector<16xf32>,
    %add3A_200 = arith.constant 0.000000e+00 : f32
    %add3A_201 = vector.broadcast %add3A_200 : f32 to vector<16xf32>
    %add3A_202 = arith.addf %get3A_199, %add3A_201 : vector<16xf32>
    %add3A_203 = arith.constant 6.400000e+01 : f32
    %add3A_204 = vector.broadcast %add3A_203 : f32 to vector<16xf32>
    %add3A_205 = arith.addf %get3A_199, %add3A_204 : vector<16xf32>
    %add3A_206 = arith.constant 1.280000e+02 : f32
    %add3A_207 = vector.broadcast %add3A_206 : f32 to vector<16xf32>
    %add3A_208 = arith.addf %get3A_199, %add3A_207 : vector<16xf32>
    %add3A_209 = arith.constant 1.920000e+02 : f32
    %add3A_210 = vector.broadcast %add3A_209 : f32 to vector<16xf32>
    %add3A_211 = arith.addf %get3A_199, %add3A_210 : vector<16xf32>
    %add3A_212 = arith.constant 2.560000e+02 : f32
    %add3A_213 = vector.broadcast %add3A_212 : f32 to vector<16xf32>
    %add3A_214 = arith.addf %get3A_199, %add3A_213 : vector<16xf32>
    %add3A_215 = arith.constant 3.200000e+02 : f32
    %add3A_216 = vector.broadcast %add3A_215 : f32 to vector<16xf32>
    %add3A_217 = arith.addf %get3A_199, %add3A_216 : vector<16xf32>
    %add3A_218 = arith.constant 3.840000e+02 : f32
    %add3A_219 = vector.broadcast %add3A_218 : f32 to vector<16xf32>
    %add3A_220 = arith.addf %get3A_199, %add3A_219 : vector<16xf32>
    %add3A_221 = arith.constant 4.480000e+02 : f32
    %add3A_222 = vector.broadcast %add3A_221 : f32 to vector<16xf32>
    %add3A_223 = arith.addf %get3A_199, %add3A_222 : vector<16xf32>
    %broadcast_in_dim3A_224 = arith.constant 1.000000e+00 : f32
    %broadcast_in_dim3A_225 = vector.broadcast %broadcast_in_dim3A_224 : f32 to vector<16xf32>
    %broadcast_in_dim3A_226 = arith.constant 0x4D400000 : f32
    %broadcast_in_dim3A_227 = vector.broadcast %broadcast_in_dim3A_226 : f32 to vector<16xf32>
    %broadcast_in_dim3A_228 = arith.constant 1.600000e+01 : f32
    %broadcast_in_dim3A_229 = vector.broadcast %broadcast_in_dim3A_228 : f32 to vector<16xf32>
    %broadcast_in_dim3A_230 = arith.constant -3.200000e+01 : f32
    %broadcast_in_dim3A_231 = vector.broadcast %broadcast_in_dim3A_230 : f32 to vector<16xf32>
    %add3A_232 = arith.constant 0 : i32
    %add3A_233 = arith.addi %mul3A_2, %add3A_232 : i32
    %dma_start3A = arith.constant 0 : i32
    %dma_start3A_234 = tpu.memref_slice %arg2[%add3A_233, %dma_start3A] : memref<4096x4096xf32, #tpu.memory_space<hbm>> -> memref<8x4096xf32, #tpu.memory_space<hbm>>
    %dma_start3A_235 = arith.constant 0 : i32
    %dma_start3A_236 = tpu.memref_slice %arg2[%add3A_233, %dma_start3A_235] : memref<4096x4096xf32, #tpu.memory_space<hbm>> -> memref<8x4096xf32, #tpu.memory_space<hbm>>
    tpu.enqueue_dma source(%dma_start3A_236 : memref<8x4096xf32, #tpu.memory_space<hbm>>) target(%arg5 : memref<8x4096xf32, #tpu.memory_space<vmem>>) target_semaphore(%arg12 : memref<!tpu.dma_semaphore, #tpu.memory_space<semaphore_mem>>)
    %add3A_237 = arith.constant 8 : i32
    %add3A_238 = arith.addi %mul3A_2, %add3A_237 : i32
    %dma_start3A_239 = arith.constant 0 : i32
    %dma_start3A_240 = tpu.memref_slice %arg2[%add3A_238, %dma_start3A_239] : memref<4096x4096xf32, #tpu.memory_space<hbm>> -> memref<8x4096xf32, #tpu.memory_space<hbm>>
    %dma_start3A_241 = arith.constant 0 : i32
    %dma_start3A_242 = tpu.memref_slice %arg2[%add3A_238, %dma_start3A_241] : memref<4096x4096xf32, #tpu.memory_space<hbm>> -> memref<8x4096xf32, #tpu.memory_space<hbm>>
    tpu.enqueue_dma source(%dma_start3A_242 : memref<8x4096xf32, #tpu.memory_space<hbm>>) target(%arg6 : memref<8x4096xf32, #tpu.memory_space<vmem>>) target_semaphore(%arg13 : memref<!tpu.dma_semaphore, #tpu.memory_space<semaphore_mem>>)
    %scan3A = arith.constant 0 : i32
    %scan3A_243 = arith.constant 8 : i32
    %scan3A_244 = arith.addi %scan3A, %scan3A_243 : i32
    %scan3A_245 = arith.constant 1 : i32
    %scan3A_246:8 = scf.for %scan3A_258 = %scan3A to %scan3A_244 step %scan3A_245 iter_args(%scan3A_259 = %broadcast_in_dim3A_3, %scan3A_260 = %broadcast_in_dim3A_3, %scan3A_261 = %broadcast_in_dim3A_3, %scan3A_262 = %broadcast_in_dim3A_3, %scan3A_263 = %broadcast_in_dim3A_3, %scan3A_264 = %broadcast_in_dim3A_3, %scan3A_265 = %broadcast_in_dim3A_3, %scan3A_266 = %broadcast_in_dim3A_3) -> (vector<16xf32>, vector<16xf32>, vector<16xf32>, vector<16xf32>, vector<16xf32>, vector<16xf32>, vector<16xf32>, vector<16xf32>)  : i32 {
      %mul3A_267 = arith.constant 2 : i32
      %mul3A_268 = arith.muli %mul3A_267, %scan3A_258 : i32
      %mul3A_269 = arith.constant 8 : i32
      %mul3A_270 = arith.muli %mul3A_268, %mul3A_269 : i32
      %add3A_271 = arith.addi %mul3A_2, %mul3A_270 : i32
      %dma_wait3A = arith.constant 0 : i32
      %dma_wait3A_272 = tpu.memref_slice %arg2[%add3A_271, %dma_wait3A] : memref<4096x4096xf32, #tpu.memory_space<hbm>> -> memref<8x4096xf32, #tpu.memory_space<hbm>>
      %dma_wait3A_273 = arith.constant 0 : i32
      %dma_wait3A_274 = tpu.memref_slice %arg2[%add3A_271, %dma_wait3A_273] : memref<4096x4096xf32, #tpu.memory_space<hbm>> -> memref<8x4096xf32, #tpu.memory_space<hbm>>
      tpu.wait_dma2 semaphore(%arg12 : memref<!tpu.dma_semaphore, #tpu.memory_space<semaphore_mem>>) src(%dma_wait3A_274 : memref<8x4096xf32, #tpu.memory_space<hbm>>) dst(%arg5 : memref<8x4096xf32, #tpu.memory_space<vmem>>)
      %parallel_loop3A = arith.constant 0 : i32
      %parallel_loop3A_275 = arith.constant 256 : i32
      %parallel_loop3A_276 = arith.constant 1 : i32
      %parallel_loop3A_277:8 = scf.for %parallel_loop3A_302 = %parallel_loop3A to %parallel_loop3A_275 step %parallel_loop3A_276 iter_args(%parallel_loop3A_303 = %scan3A_259, %parallel_loop3A_304 = %scan3A_260, %parallel_loop3A_305 = %scan3A_261, %parallel_loop3A_306 = %scan3A_262, %parallel_loop3A_307 = %scan3A_263, %parallel_loop3A_308 = %scan3A_264, %parallel_loop3A_309 = %scan3A_265, %parallel_loop3A_310 = %scan3A_266) -> (vector<16xf32>, vector<16xf32>, vector<16xf32>, vector<16xf32>, vector<16xf32>, vector<16xf32>, vector<16xf32>, vector<16xf32>)  : i32 {
        %parallel_loop3A_311 = arith.constant 16 : i32
        %parallel_loop3A_312 = arith.muli %parallel_loop3A_302, %parallel_loop3A_311 : i32
        %parallel_loop3A_313 = arith.constant 0 : i32
        %parallel_loop3A_314 = arith.index_cast %parallel_loop3A_313 : i32 to index
        %parallel_loop3A_315 = arith.index_cast %parallel_loop3A_312 : i32 to index
        %parallel_loop3A_316 = tpu.vector_load %arg5[%parallel_loop3A_314, %parallel_loop3A_315] {strides = array<i32>} : memref<8x4096xf32, #tpu.memory_space<vmem>>, vector<16xf32>,
        %parallel_loop3A_317 = arith.mulf %parallel_loop3A_316, %get3A_195 : vector<16xf32>
        %parallel_loop3A_318 = arith.minimumf %parallel_loop3A_317, %broadcast_in_dim3A_229 : vector<16xf32>
        %parallel_loop3A_319 = arith.maximumf %parallel_loop3A_318, %broadcast_in_dim3A_231 : vector<16xf32>
        %parallel_loop3A_320 = arith.addf %parallel_loop3A_319, %broadcast_in_dim3A_227 : vector<16xf32>
        %parallel_loop3A_321 = arith.subf %parallel_loop3A_320, %broadcast_in_dim3A_227 : vector<16xf32>
        %parallel_loop3A_322 = arith.subf %parallel_loop3A_317, %parallel_loop3A_321 : vector<16xf32>
        %parallel_loop3A_323 = math.absf %parallel_loop3A_322 : vector<16xf32>
        %parallel_loop3A_324 = arith.mulf %parallel_loop3A_316, %parallel_loop3A_316 : vector<16xf32>
        %parallel_loop3A_325 = arith.addf %parallel_loop3A_321, %add3A_202 : vector<16xf32>
        %parallel_loop3A_326 = arith.fptosi %parallel_loop3A_325 : vector<16xf32> to vector<16xi32>
        tpu.vector_store_idx %arg8[%parallel_loop3A_326], %broadcast_in_dim3A_225 {add = true} : memref<512xf32, #tpu.memory_space<vmem>>[vector<16xi32>], vector<16xf32>,
        tpu.vector_store_idx %arg9[%parallel_loop3A_326], %parallel_loop3A_316 {add = true} : memref<512xf32, #tpu.memory_space<vmem>>[vector<16xi32>], vector<16xf32>,
        tpu.vector_store_idx %arg10[%parallel_loop3A_326], %parallel_loop3A_324 {add = true} : memref<512xf32, #tpu.memory_space<vmem>>[vector<16xi32>], vector<16xf32>,
        %parallel_loop3A_327 = arith.addf %parallel_loop3A_303, %parallel_loop3A_323 : vector<16xf32>
        %parallel_loop3A_328 = arith.cmpf olt, %parallel_loop3A_323, %get3A_197 : vector<16xf32>
        %parallel_loop3A_329 = arith.constant 0.000000e+00 : f32
        %parallel_loop3A_330 = vector.broadcast %parallel_loop3A_329 : f32 to vector<16xf32>
        %parallel_loop3A_331 = arith.select %parallel_loop3A_328, %broadcast_in_dim3A_225, %parallel_loop3A_330 : vector<16xi1>, vector<16xf32>
        %parallel_loop3A_332 = arith.addf %parallel_loop3A_307, %parallel_loop3A_331 : vector<16xf32>
        %parallel_loop3A_333 = arith.constant 16 : i32
        %parallel_loop3A_334 = arith.muli %parallel_loop3A_302, %parallel_loop3A_333 : i32
        %parallel_loop3A_335 = arith.constant 1 : i32
        %parallel_loop3A_336 = arith.index_cast %parallel_loop3A_335 : i32 to index
        %parallel_loop3A_337 = arith.index_cast %parallel_loop3A_334 : i32 to index
        %parallel_loop3A_338 = tpu.vector_load %arg5[%parallel_loop3A_336, %parallel_loop3A_337] {strides = array<i32>} : memref<8x4096xf32, #tpu.memory_space<vmem>>, vector<16xf32>,
        %parallel_loop3A_339 = arith.mulf %parallel_loop3A_338, %get3A_195 : vector<16xf32>
        %parallel_loop3A_340 = arith.minimumf %parallel_loop3A_339, %broadcast_in_dim3A_229 : vector<16xf32>
        %parallel_loop3A_341 = arith.maximumf %parallel_loop3A_340, %broadcast_in_dim3A_231 : vector<16xf32>
        %parallel_loop3A_342 = arith.addf %parallel_loop3A_341, %broadcast_in_dim3A_227 : vector<16xf32>
        %parallel_loop3A_343 = arith.subf %parallel_loop3A_342, %broadcast_in_dim3A_227 : vector<16xf32>
        %parallel_loop3A_344 = arith.subf %parallel_loop3A_339, %parallel_loop3A_343 : vector<16xf32>
        %parallel_loop3A_345 = math.absf %parallel_loop3A_344 : vector<16xf32>
        %parallel_loop3A_346 = arith.mulf %parallel_loop3A_338, %parallel_loop3A_338 : vector<16xf32>
        %parallel_loop3A_347 = arith.addf %parallel_loop3A_343, %add3A_205 : vector<16xf32>
        %parallel_loop3A_348 = arith.fptosi %parallel_loop3A_347 : vector<16xf32> to vector<16xi32>
        tpu.vector_store_idx %arg8[%parallel_loop3A_348], %broadcast_in_dim3A_225 {add = true} : memref<512xf32, #tpu.memory_space<vmem>>[vector<16xi32>], vector<16xf32>,
        tpu.vector_store_idx %arg9[%parallel_loop3A_348], %parallel_loop3A_338 {add = true} : memref<512xf32, #tpu.memory_space<vmem>>[vector<16xi32>], vector<16xf32>,
        tpu.vector_store_idx %arg10[%parallel_loop3A_348], %parallel_loop3A_346 {add = true} : memref<512xf32, #tpu.memory_space<vmem>>[vector<16xi32>], vector<16xf32>,
        %parallel_loop3A_349 = arith.addf %parallel_loop3A_304, %parallel_loop3A_345 : vector<16xf32>
        %parallel_loop3A_350 = arith.cmpf olt, %parallel_loop3A_345, %get3A_197 : vector<16xf32>
        %parallel_loop3A_351 = arith.constant 0.000000e+00 : f32
        %parallel_loop3A_352 = vector.broadcast %parallel_loop3A_351 : f32 to vector<16xf32>
        %parallel_loop3A_353 = arith.select %parallel_loop3A_350, %broadcast_in_dim3A_225, %parallel_loop3A_352 : vector<16xi1>, vector<16xf32>
        %parallel_loop3A_354 = arith.addf %parallel_loop3A_308, %parallel_loop3A_353 : vector<16xf32>
        %parallel_loop3A_355 = arith.constant 16 : i32
        %parallel_loop3A_356 = arith.muli %parallel_loop3A_302, %parallel_loop3A_355 : i32
        %parallel_loop3A_357 = arith.constant 2 : i32
        %parallel_loop3A_358 = arith.index_cast %parallel_loop3A_357 : i32 to index
        %parallel_loop3A_359 = arith.index_cast %parallel_loop3A_356 : i32 to index
        %parallel_loop3A_360 = tpu.vector_load %arg5[%parallel_loop3A_358, %parallel_loop3A_359] {strides = array<i32>} : memref<8x4096xf32, #tpu.memory_space<vmem>>, vector<16xf32>,
        %parallel_loop3A_361 = arith.mulf %parallel_loop3A_360, %get3A_195 : vector<16xf32>
        %parallel_loop3A_362 = arith.minimumf %parallel_loop3A_361, %broadcast_in_dim3A_229 : vector<16xf32>
        %parallel_loop3A_363 = arith.maximumf %parallel_loop3A_362, %broadcast_in_dim3A_231 : vector<16xf32>
        %parallel_loop3A_364 = arith.addf %parallel_loop3A_363, %broadcast_in_dim3A_227 : vector<16xf32>
        %parallel_loop3A_365 = arith.subf %parallel_loop3A_364, %broadcast_in_dim3A_227 : vector<16xf32>
        %parallel_loop3A_366 = arith.subf %parallel_loop3A_361, %parallel_loop3A_365 : vector<16xf32>
        %parallel_loop3A_367 = math.absf %parallel_loop3A_366 : vector<16xf32>
        %parallel_loop3A_368 = arith.mulf %parallel_loop3A_360, %parallel_loop3A_360 : vector<16xf32>
        %parallel_loop3A_369 = arith.addf %parallel_loop3A_365, %add3A_208 : vector<16xf32>
        %parallel_loop3A_370 = arith.fptosi %parallel_loop3A_369 : vector<16xf32> to vector<16xi32>
        tpu.vector_store_idx %arg8[%parallel_loop3A_370], %broadcast_in_dim3A_225 {add = true} : memref<512xf32, #tpu.memory_space<vmem>>[vector<16xi32>], vector<16xf32>,
        tpu.vector_store_idx %arg9[%parallel_loop3A_370], %parallel_loop3A_360 {add = true} : memref<512xf32, #tpu.memory_space<vmem>>[vector<16xi32>], vector<16xf32>,
        tpu.vector_store_idx %arg10[%parallel_loop3A_370], %parallel_loop3A_368 {add = true} : memref<512xf32, #tpu.memory_space<vmem>>[vector<16xi32>], vector<16xf32>,
        %parallel_loop3A_371 = arith.addf %parallel_loop3A_305, %parallel_loop3A_367 : vector<16xf32>
        %parallel_loop3A_372 = arith.cmpf olt, %parallel_loop3A_367, %get3A_197 : vector<16xf32>
        %parallel_loop3A_373 = arith.constant 0.000000e+00 : f32
        %parallel_loop3A_374 = vector.broadcast %parallel_loop3A_373 : f32 to vector<16xf32>
        %parallel_loop3A_375 = arith.select %parallel_loop3A_372, %broadcast_in_dim3A_225, %parallel_loop3A_374 : vector<16xi1>, vector<16xf32>
        %parallel_loop3A_376 = arith.addf %parallel_loop3A_309, %parallel_loop3A_375 : vector<16xf32>
        %parallel_loop3A_377 = arith.constant 16 : i32
        %parallel_loop3A_378 = arith.muli %parallel_loop3A_302, %parallel_loop3A_377 : i32
        %parallel_loop3A_379 = arith.constant 3 : i32
        %parallel_loop3A_380 = arith.index_cast %parallel_loop3A_379 : i32 to index
        %parallel_loop3A_381 = arith.index_cast %parallel_loop3A_378 : i32 to index
        %parallel_loop3A_382 = tpu.vector_load %arg5[%parallel_loop3A_380, %parallel_loop3A_381] {strides = array<i32>} : memref<8x4096xf32, #tpu.memory_space<vmem>>, vector<16xf32>,
        %parallel_loop3A_383 = arith.mulf %parallel_loop3A_382, %get3A_195 : vector<16xf32>
        %parallel_loop3A_384 = arith.minimumf %parallel_loop3A_383, %broadcast_in_dim3A_229 : vector<16xf32>
        %parallel_loop3A_385 = arith.maximumf %parallel_loop3A_384, %broadcast_in_dim3A_231 : vector<16xf32>
        %parallel_loop3A_386 = arith.addf %parallel_loop3A_385, %broadcast_in_dim3A_227 : vector<16xf32>
        %parallel_loop3A_387 = arith.subf %parallel_loop3A_386, %broadcast_in_dim3A_227 : vector<16xf32>
        %parallel_loop3A_388 = arith.subf %parallel_loop3A_383, %parallel_loop3A_387 : vector<16xf32>
        %parallel_loop3A_389 = math.absf %parallel_loop3A_388 : vector<16xf32>
        %parallel_loop3A_390 = arith.mulf %parallel_loop3A_382, %parallel_loop3A_382 : vector<16xf32>
        %parallel_loop3A_391 = arith.addf %parallel_loop3A_387, %add3A_211 : vector<16xf32>
        %parallel_loop3A_392 = arith.fptosi %parallel_loop3A_391 : vector<16xf32> to vector<16xi32>
        tpu.vector_store_idx %arg8[%parallel_loop3A_392], %broadcast_in_dim3A_225 {add = true} : memref<512xf32, #tpu.memory_space<vmem>>[vector<16xi32>], vector<16xf32>,
        tpu.vector_store_idx %arg9[%parallel_loop3A_392], %parallel_loop3A_382 {add = true} : memref<512xf32, #tpu.memory_space<vmem>>[vector<16xi32>], vector<16xf32>,
        tpu.vector_store_idx %arg10[%parallel_loop3A_392], %parallel_loop3A_390 {add = true} : memref<512xf32, #tpu.memory_space<vmem>>[vector<16xi32>], vector<16xf32>,
        %parallel_loop3A_393 = arith.addf %parallel_loop3A_306, %parallel_loop3A_389 : vector<16xf32>
        %parallel_loop3A_394 = arith.cmpf olt, %parallel_loop3A_389, %get3A_197 : vector<16xf32>
        %parallel_loop3A_395 = arith.constant 0.000000e+00 : f32
        %parallel_loop3A_396 = vector.broadcast %parallel_loop3A_395 : f32 to vector<16xf32>
        %parallel_loop3A_397 = arith.select %parallel_loop3A_394, %broadcast_in_dim3A_225, %parallel_loop3A_396 : vector<16xi1>, vector<16xf32>
        %parallel_loop3A_398 = arith.addf %parallel_loop3A_310, %parallel_loop3A_397 : vector<16xf32>
        %parallel_loop3A_399 = arith.constant 16 : i32
        %parallel_loop3A_400 = arith.muli %parallel_loop3A_302, %parallel_loop3A_399 : i32
        %parallel_loop3A_401 = arith.constant 4 : i32
        %parallel_loop3A_402 = arith.index_cast %parallel_loop3A_401 : i32 to index
        %parallel_loop3A_403 = arith.index_cast %parallel_loop3A_400 : i32 to index
        %parallel_loop3A_404 = tpu.vector_load %arg5[%parallel_loop3A_402, %parallel_loop3A_403] {strides = array<i32>} : memref<8x4096xf32, #tpu.memory_space<vmem>>, vector<16xf32>,
        %parallel_loop3A_405 = arith.mulf %parallel_loop3A_404, %get3A_195 : vector<16xf32>
        %parallel_loop3A_406 = arith.minimumf %parallel_loop3A_405, %broadcast_in_dim3A_229 : vector<16xf32>
        %parallel_loop3A_407 = arith.maximumf %parallel_loop3A_406, %broadcast_in_dim3A_231 : vector<16xf32>
        %parallel_loop3A_408 = arith.addf %parallel_loop3A_407, %broadcast_in_dim3A_227 : vector<16xf32>
        %parallel_loop3A_409 = arith.subf %parallel_loop3A_408, %broadcast_in_dim3A_227 : vector<16xf32>
        %parallel_loop3A_410 = arith.subf %parallel_loop3A_405, %parallel_loop3A_409 : vector<16xf32>
        %parallel_loop3A_411 = math.absf %parallel_loop3A_410 : vector<16xf32>
        %parallel_loop3A_412 = arith.mulf %parallel_loop3A_404, %parallel_loop3A_404 : vector<16xf32>
        %parallel_loop3A_413 = arith.addf %parallel_loop3A_409, %add3A_214 : vector<16xf32>
        %parallel_loop3A_414 = arith.fptosi %parallel_loop3A_413 : vector<16xf32> to vector<16xi32>
        tpu.vector_store_idx %arg8[%parallel_loop3A_414], %broadcast_in_dim3A_225 {add = true} : memref<512xf32, #tpu.memory_space<vmem>>[vector<16xi32>], vector<16xf32>,
        tpu.vector_store_idx %arg9[%parallel_loop3A_414], %parallel_loop3A_404 {add = true} : memref<512xf32, #tpu.memory_space<vmem>>[vector<16xi32>], vector<16xf32>,
        tpu.vector_store_idx %arg10[%parallel_loop3A_414], %parallel_loop3A_412 {add = true} : memref<512xf32, #tpu.memory_space<vmem>>[vector<16xi32>], vector<16xf32>,
        %parallel_loop3A_415 = arith.addf %parallel_loop3A_327, %parallel_loop3A_411 : vector<16xf32>
        %parallel_loop3A_416 = arith.cmpf olt, %parallel_loop3A_411, %get3A_197 : vector<16xf32>
        %parallel_loop3A_417 = arith.constant 0.000000e+00 : f32
        %parallel_loop3A_418 = vector.broadcast %parallel_loop3A_417 : f32 to vector<16xf32>
        %parallel_loop3A_419 = arith.select %parallel_loop3A_416, %broadcast_in_dim3A_225, %parallel_loop3A_418 : vector<16xi1>, vector<16xf32>
        %parallel_loop3A_420 = arith.addf %parallel_loop3A_332, %parallel_loop3A_419 : vector<16xf32>
        %parallel_loop3A_421 = arith.constant 16 : i32
        %parallel_loop3A_422 = arith.muli %parallel_loop3A_302, %parallel_loop3A_421 : i32
        %parallel_loop3A_423 = arith.constant 5 : i32
        %parallel_loop3A_424 = arith.index_cast %parallel_loop3A_423 : i32 to index
        %parallel_loop3A_425 = arith.index_cast %parallel_loop3A_422 : i32 to index
        %parallel_loop3A_426 = tpu.vector_load %arg5[%parallel_loop3A_424, %parallel_loop3A_425] {strides = array<i32>} : memref<8x4096xf32, #tpu.memory_space<vmem>>, vector<16xf32>,
        %parallel_loop3A_427 = arith.mulf %parallel_loop3A_426, %get3A_195 : vector<16xf32>
        %parallel_loop3A_428 = arith.minimumf %parallel_loop3A_427, %broadcast_in_dim3A_229 : vector<16xf32>
        %parallel_loop3A_429 = arith.maximumf %parallel_loop3A_428, %broadcast_in_dim3A_231 : vector<16xf32>
        %parallel_loop3A_430 = arith.addf %parallel_loop3A_429, %broadcast_in_dim3A_227 : vector<16xf32>
        %parallel_loop3A_431 = arith.subf %parallel_loop3A_430, %broadcast_in_dim3A_227 : vector<16xf32>
        %parallel_loop3A_432 = arith.subf %parallel_loop3A_427, %parallel_loop3A_431 : vector<16xf32>
        %parallel_loop3A_433 = math.absf %parallel_loop3A_432 : vector<16xf32>
        %parallel_loop3A_434 = arith.mulf %parallel_loop3A_426, %parallel_loop3A_426 : vector<16xf32>
        %parallel_loop3A_435 = arith.addf %parallel_loop3A_431, %add3A_217 : vector<16xf32>
        %parallel_loop3A_436 = arith.fptosi %parallel_loop3A_435 : vector<16xf32> to vector<16xi32>
        tpu.vector_store_idx %arg8[%parallel_loop3A_436], %broadcast_in_dim3A_225 {add = true} : memref<512xf32, #tpu.memory_space<vmem>>[vector<16xi32>], vector<16xf32>,
        tpu.vector_store_idx %arg9[%parallel_loop3A_436], %parallel_loop3A_426 {add = true} : memref<512xf32, #tpu.memory_space<vmem>>[vector<16xi32>], vector<16xf32>,
        tpu.vector_store_idx %arg10[%parallel_loop3A_436], %parallel_loop3A_434 {add = true} : memref<512xf32, #tpu.memory_space<vmem>>[vector<16xi32>], vector<16xf32>,
        %parallel_loop3A_437 = arith.addf %parallel_loop3A_349, %parallel_loop3A_433 : vector<16xf32>
        %parallel_loop3A_438 = arith.cmpf olt, %parallel_loop3A_433, %get3A_197 : vector<16xf32>
        %parallel_loop3A_439 = arith.constant 0.000000e+00 : f32
        %parallel_loop3A_440 = vector.broadcast %parallel_loop3A_439 : f32 to vector<16xf32>
        %parallel_loop3A_441 = arith.select %parallel_loop3A_438, %broadcast_in_dim3A_225, %parallel_loop3A_440 : vector<16xi1>, vector<16xf32>
        %parallel_loop3A_442 = arith.addf %parallel_loop3A_354, %parallel_loop3A_441 : vector<16xf32>
        %parallel_loop3A_443 = arith.constant 16 : i32
        %parallel_loop3A_444 = arith.muli %parallel_loop3A_302, %parallel_loop3A_443 : i32
        %parallel_loop3A_445 = arith.constant 6 : i32
        %parallel_loop3A_446 = arith.index_cast %parallel_loop3A_445 : i32 to index
        %parallel_loop3A_447 = arith.index_cast %parallel_loop3A_444 : i32 to index
        %parallel_loop3A_448 = tpu.vector_load %arg5[%parallel_loop3A_446, %parallel_loop3A_447] {strides = array<i32>} : memref<8x4096xf32, #tpu.memory_space<vmem>>, vector<16xf32>,
        %parallel_loop3A_449 = arith.mulf %parallel_loop3A_448, %get3A_195 : vector<16xf32>
        %parallel_loop3A_450 = arith.minimumf %parallel_loop3A_449, %broadcast_in_dim3A_229 : vector<16xf32>
        %parallel_loop3A_451 = arith.maximumf %parallel_loop3A_450, %broadcast_in_dim3A_231 : vector<16xf32>
        %parallel_loop3A_452 = arith.addf %parallel_loop3A_451, %broadcast_in_dim3A_227 : vector<16xf32>
        %parallel_loop3A_453 = arith.subf %parallel_loop3A_452, %broadcast_in_dim3A_227 : vector<16xf32>
        %parallel_loop3A_454 = arith.subf %parallel_loop3A_449, %parallel_loop3A_453 : vector<16xf32>
        %parallel_loop3A_455 = math.absf %parallel_loop3A_454 : vector<16xf32>
        %parallel_loop3A_456 = arith.mulf %parallel_loop3A_448, %parallel_loop3A_448 : vector<16xf32>
        %parallel_loop3A_457 = arith.addf %parallel_loop3A_453, %add3A_220 : vector<16xf32>
        %parallel_loop3A_458 = arith.fptosi %parallel_loop3A_457 : vector<16xf32> to vector<16xi32>
        tpu.vector_store_idx %arg8[%parallel_loop3A_458], %broadcast_in_dim3A_225 {add = true} : memref<512xf32, #tpu.memory_space<vmem>>[vector<16xi32>], vector<16xf32>,
        tpu.vector_store_idx %arg9[%parallel_loop3A_458], %parallel_loop3A_448 {add = true} : memref<512xf32, #tpu.memory_space<vmem>>[vector<16xi32>], vector<16xf32>,
        tpu.vector_store_idx %arg10[%parallel_loop3A_458], %parallel_loop3A_456 {add = true} : memref<512xf32, #tpu.memory_space<vmem>>[vector<16xi32>], vector<16xf32>,
        %parallel_loop3A_459 = arith.addf %parallel_loop3A_371, %parallel_loop3A_455 : vector<16xf32>
        %parallel_loop3A_460 = arith.cmpf olt, %parallel_loop3A_455, %get3A_197 : vector<16xf32>
        %parallel_loop3A_461 = arith.constant 0.000000e+00 : f32
        %parallel_loop3A_462 = vector.broadcast %parallel_loop3A_461 : f32 to vector<16xf32>
        %parallel_loop3A_463 = arith.select %parallel_loop3A_460, %broadcast_in_dim3A_225, %parallel_loop3A_462 : vector<16xi1>, vector<16xf32>
        %parallel_loop3A_464 = arith.addf %parallel_loop3A_376, %parallel_loop3A_463 : vector<16xf32>
        %parallel_loop3A_465 = arith.constant 16 : i32
        %parallel_loop3A_466 = arith.muli %parallel_loop3A_302, %parallel_loop3A_465 : i32
        %parallel_loop3A_467 = arith.constant 7 : i32
        %parallel_loop3A_468 = arith.index_cast %parallel_loop3A_467 : i32 to index
        %parallel_loop3A_469 = arith.index_cast %parallel_loop3A_466 : i32 to index
        %parallel_loop3A_470 = tpu.vector_load %arg5[%parallel_loop3A_468, %parallel_loop3A_469] {strides = array<i32>} : memref<8x4096xf32, #tpu.memory_space<vmem>>, vector<16xf32>,
        %parallel_loop3A_471 = arith.mulf %parallel_loop3A_470, %get3A_195 : vector<16xf32>
        %parallel_loop3A_472 = arith.minimumf %parallel_loop3A_471, %broadcast_in_dim3A_229 : vector<16xf32>
        %parallel_loop3A_473 = arith.maximumf %parallel_loop3A_472, %broadcast_in_dim3A_231 : vector<16xf32>
        %parallel_loop3A_474 = arith.addf %parallel_loop3A_473, %broadcast_in_dim3A_227 : vector<16xf32>
        %parallel_loop3A_475 = arith.subf %parallel_loop3A_474, %broadcast_in_dim3A_227 : vector<16xf32>
        %parallel_loop3A_476 = arith.subf %parallel_loop3A_471, %parallel_loop3A_475 : vector<16xf32>
        %parallel_loop3A_477 = math.absf %parallel_loop3A_476 : vector<16xf32>
        %parallel_loop3A_478 = arith.mulf %parallel_loop3A_470, %parallel_loop3A_470 : vector<16xf32>
        %parallel_loop3A_479 = arith.addf %parallel_loop3A_475, %add3A_223 : vector<16xf32>
        %parallel_loop3A_480 = arith.fptosi %parallel_loop3A_479 : vector<16xf32> to vector<16xi32>
        tpu.vector_store_idx %arg8[%parallel_loop3A_480], %broadcast_in_dim3A_225 {add = true} : memref<512xf32, #tpu.memory_space<vmem>>[vector<16xi32>], vector<16xf32>,
        tpu.vector_store_idx %arg9[%parallel_loop3A_480], %parallel_loop3A_470 {add = true} : memref<512xf32, #tpu.memory_space<vmem>>[vector<16xi32>], vector<16xf32>,
        tpu.vector_store_idx %arg10[%parallel_loop3A_480], %parallel_loop3A_478 {add = true} : memref<512xf32, #tpu.memory_space<vmem>>[vector<16xi32>], vector<16xf32>,
        %parallel_loop3A_481 = arith.addf %parallel_loop3A_393, %parallel_loop3A_477 : vector<16xf32>
        %parallel_loop3A_482 = arith.cmpf olt, %parallel_loop3A_477, %get3A_197 : vector<16xf32>
        %parallel_loop3A_483 = arith.constant 0.000000e+00 : f32
        %parallel_loop3A_484 = vector.broadcast %parallel_loop3A_483 : f32 to vector<16xf32>
        %parallel_loop3A_485 = arith.select %parallel_loop3A_482, %broadcast_in_dim3A_225, %parallel_loop3A_484 : vector<16xi1>, vector<16xf32>
        %parallel_loop3A_486 = arith.addf %parallel_loop3A_398, %parallel_loop3A_485 : vector<16xf32>
        scf.yield %parallel_loop3A_415, %parallel_loop3A_437, %parallel_loop3A_459, %parallel_loop3A_481, %parallel_loop3A_420, %parallel_loop3A_442, %parallel_loop3A_464, %parallel_loop3A_486 : vector<16xf32>, vector<16xf32>, vector<16xf32>, vector<16xf32>, vector<16xf32>, vector<16xf32>, vector<16xf32>, vector<16xf32>
      } {sc.loop_unroll_factor = 1 : i64, sc.parallel_access}
      %add3A_278 = arith.constant 2 : i32
      %add3A_279 = arith.addi %mul3A_268, %add3A_278 : i32
      %lt3A = arith.constant 16 : i32
      %lt3A_280 = arith.cmpi slt, %add3A_279, %lt3A : i32
      %convert_element_type3A = arith.extui %lt3A_280 : i1 to i32
      %cond3A = arith.constant 0 : i32
      %cond3A_281 = arith.cmpi ne, %convert_element_type3A, %cond3A : i32
      scf.if %cond3A_281 {
        %add3A_302 = arith.constant 2 : i32
        %add3A_303 = arith.addi %mul3A_268, %add3A_302 : i32
        %mul3A_304 = arith.constant 8 : i32
        %mul3A_305 = arith.muli %add3A_303, %mul3A_304 : i32
        %add3A_306 = arith.addi %mul3A_2, %mul3A_305 : i32
        %dma_start3A_307 = arith.constant 0 : i32
        %dma_start3A_308 = tpu.memref_slice %arg2[%add3A_306, %dma_start3A_307] : memref<4096x4096xf32, #tpu.memory_space<hbm>> -> memref<8x4096xf32, #tpu.memory_space<hbm>>
        %dma_start3A_309 = arith.constant 0 : i32
        %dma_start3A_310 = tpu.memref_slice %arg2[%add3A_306, %dma_start3A_309] : memref<4096x4096xf32, #tpu.memory_space<hbm>> -> memref<8x4096xf32, #tpu.memory_space<hbm>>
        tpu.enqueue_dma source(%dma_start3A_310 : memref<8x4096xf32, #tpu.memory_space<hbm>>) target(%arg5 : memref<8x4096xf32, #tpu.memory_space<vmem>>) target_semaphore(%arg12 : memref<!tpu.dma_semaphore, #tpu.memory_space<semaphore_mem>>)
      } else {
      }
      %add3A_282 = arith.constant 1 : i32
      %add3A_283 = arith.addi %mul3A_268, %add3A_282 : i32
      %mul3A_284 = arith.constant 8 : i32
      %mul3A_285 = arith.muli %add3A_283, %mul3A_284 : i32
      %add3A_286 = arith.addi %mul3A_2, %mul3A_285 : i32
      %dma_wait3A_287 = arith.constant 0 : i32
      %dma_wait3A_288 = tpu.memref_slice %arg2[%add3A_286, %dma_wait3A_287] : memref<4096x4096xf32, #tpu.memory_space<hbm>> -> memref<8x4096xf32, #tpu.memory_space<hbm>>
      %dma_wait3A_289 = arith.constant 0 : i32
      %dma_wait3A_290 = tpu.memref_slice %arg2[%add3A_286, %dma_wait3A_289] : memref<4096x4096xf32, #tpu.memory_space<hbm>> -> memref<8x4096xf32, #tpu.memory_space<hbm>>
      tpu.wait_dma2 semaphore(%arg13 : memref<!tpu.dma_semaphore, #tpu.memory_space<semaphore_mem>>) src(%dma_wait3A_290 : memref<8x4096xf32, #tpu.memory_space<hbm>>) dst(%arg6 : memref<8x4096xf32, #tpu.memory_space<vmem>>)
      %parallel_loop3A_291 = arith.constant 0 : i32
      %parallel_loop3A_292 = arith.constant 256 : i32
      %parallel_loop3A_293 = arith.constant 1 : i32
      %parallel_loop3A_294:8 = scf.for %parallel_loop3A_302 = %parallel_loop3A_291 to %parallel_loop3A_292 step %parallel_loop3A_293 iter_args(%parallel_loop3A_303 = %parallel_loop3A_277#0, %parallel_loop3A_304 = %parallel_loop3A_277#1, %parallel_loop3A_305 = %parallel_loop3A_277#2, %parallel_loop3A_306 = %parallel_loop3A_277#3, %parallel_loop3A_307 = %parallel_loop3A_277#4, %parallel_loop3A_308 = %parallel_loop3A_277#5, %parallel_loop3A_309 = %parallel_loop3A_277#6, %parallel_loop3A_310 = %parallel_loop3A_277#7) -> (vector<16xf32>, vector<16xf32>, vector<16xf32>, vector<16xf32>, vector<16xf32>, vector<16xf32>, vector<16xf32>, vector<16xf32>)  : i32 {
        %parallel_loop3A_311 = arith.constant 16 : i32
        %parallel_loop3A_312 = arith.muli %parallel_loop3A_302, %parallel_loop3A_311 : i32
        %parallel_loop3A_313 = arith.constant 0 : i32
        %parallel_loop3A_314 = arith.index_cast %parallel_loop3A_313 : i32 to index
        %parallel_loop3A_315 = arith.index_cast %parallel_loop3A_312 : i32 to index
        %parallel_loop3A_316 = tpu.vector_load %arg6[%parallel_loop3A_314, %parallel_loop3A_315] {strides = array<i32>} : memref<8x4096xf32, #tpu.memory_space<vmem>>, vector<16xf32>,
        %parallel_loop3A_317 = arith.mulf %parallel_loop3A_316, %get3A_195 : vector<16xf32>
        %parallel_loop3A_318 = arith.minimumf %parallel_loop3A_317, %broadcast_in_dim3A_229 : vector<16xf32>
        %parallel_loop3A_319 = arith.maximumf %parallel_loop3A_318, %broadcast_in_dim3A_231 : vector<16xf32>
        %parallel_loop3A_320 = arith.addf %parallel_loop3A_319, %broadcast_in_dim3A_227 : vector<16xf32>
        %parallel_loop3A_321 = arith.subf %parallel_loop3A_320, %broadcast_in_dim3A_227 : vector<16xf32>
        %parallel_loop3A_322 = arith.subf %parallel_loop3A_317, %parallel_loop3A_321 : vector<16xf32>
        %parallel_loop3A_323 = math.absf %parallel_loop3A_322 : vector<16xf32>
        %parallel_loop3A_324 = arith.mulf %parallel_loop3A_316, %parallel_loop3A_316 : vector<16xf32>
        %parallel_loop3A_325 = arith.addf %parallel_loop3A_321, %add3A_202 : vector<16xf32>
        %parallel_loop3A_326 = arith.fptosi %parallel_loop3A_325 : vector<16xf32> to vector<16xi32>
        tpu.vector_store_idx %arg8[%parallel_loop3A_326], %broadcast_in_dim3A_225 {add = true} : memref<512xf32, #tpu.memory_space<vmem>>[vector<16xi32>], vector<16xf32>,
        tpu.vector_store_idx %arg9[%parallel_loop3A_326], %parallel_loop3A_316 {add = true} : memref<512xf32, #tpu.memory_space<vmem>>[vector<16xi32>], vector<16xf32>,
        tpu.vector_store_idx %arg10[%parallel_loop3A_326], %parallel_loop3A_324 {add = true} : memref<512xf32, #tpu.memory_space<vmem>>[vector<16xi32>], vector<16xf32>,
        %parallel_loop3A_327 = arith.addf %parallel_loop3A_303, %parallel_loop3A_323 : vector<16xf32>
        %parallel_loop3A_328 = arith.cmpf olt, %parallel_loop3A_323, %get3A_197 : vector<16xf32>
        %parallel_loop3A_329 = arith.constant 0.000000e+00 : f32
        %parallel_loop3A_330 = vector.broadcast %parallel_loop3A_329 : f32 to vector<16xf32>
        %parallel_loop3A_331 = arith.select %parallel_loop3A_328, %broadcast_in_dim3A_225, %parallel_loop3A_330 : vector<16xi1>, vector<16xf32>
        %parallel_loop3A_332 = arith.addf %parallel_loop3A_307, %parallel_loop3A_331 : vector<16xf32>
        %parallel_loop3A_333 = arith.constant 16 : i32
        %parallel_loop3A_334 = arith.muli %parallel_loop3A_302, %parallel_loop3A_333 : i32
        %parallel_loop3A_335 = arith.constant 1 : i32
        %parallel_loop3A_336 = arith.index_cast %parallel_loop3A_335 : i32 to index
        %parallel_loop3A_337 = arith.index_cast %parallel_loop3A_334 : i32 to index
        %parallel_loop3A_338 = tpu.vector_load %arg6[%parallel_loop3A_336, %parallel_loop3A_337] {strides = array<i32>} : memref<8x4096xf32, #tpu.memory_space<vmem>>, vector<16xf32>,
        %parallel_loop3A_339 = arith.mulf %parallel_loop3A_338, %get3A_195 : vector<16xf32>
        %parallel_loop3A_340 = arith.minimumf %parallel_loop3A_339, %broadcast_in_dim3A_229 : vector<16xf32>
        %parallel_loop3A_341 = arith.maximumf %parallel_loop3A_340, %broadcast_in_dim3A_231 : vector<16xf32>
        %parallel_loop3A_342 = arith.addf %parallel_loop3A_341, %broadcast_in_dim3A_227 : vector<16xf32>
        %parallel_loop3A_343 = arith.subf %parallel_loop3A_342, %broadcast_in_dim3A_227 : vector<16xf32>
        %parallel_loop3A_344 = arith.subf %parallel_loop3A_339, %parallel_loop3A_343 : vector<16xf32>
        %parallel_loop3A_345 = math.absf %parallel_loop3A_344 : vector<16xf32>
        %parallel_loop3A_346 = arith.mulf %parallel_loop3A_338, %parallel_loop3A_338 : vector<16xf32>
        %parallel_loop3A_347 = arith.addf %parallel_loop3A_343, %add3A_205 : vector<16xf32>
        %parallel_loop3A_348 = arith.fptosi %parallel_loop3A_347 : vector<16xf32> to vector<16xi32>
        tpu.vector_store_idx %arg8[%parallel_loop3A_348], %broadcast_in_dim3A_225 {add = true} : memref<512xf32, #tpu.memory_space<vmem>>[vector<16xi32>], vector<16xf32>,
        tpu.vector_store_idx %arg9[%parallel_loop3A_348], %parallel_loop3A_338 {add = true} : memref<512xf32, #tpu.memory_space<vmem>>[vector<16xi32>], vector<16xf32>,
        tpu.vector_store_idx %arg10[%parallel_loop3A_348], %parallel_loop3A_346 {add = true} : memref<512xf32, #tpu.memory_space<vmem>>[vector<16xi32>], vector<16xf32>,
        %parallel_loop3A_349 = arith.addf %parallel_loop3A_304, %parallel_loop3A_345 : vector<16xf32>
        %parallel_loop3A_350 = arith.cmpf olt, %parallel_loop3A_345, %get3A_197 : vector<16xf32>
        %parallel_loop3A_351 = arith.constant 0.000000e+00 : f32
        %parallel_loop3A_352 = vector.broadcast %parallel_loop3A_351 : f32 to vector<16xf32>
        %parallel_loop3A_353 = arith.select %parallel_loop3A_350, %broadcast_in_dim3A_225, %parallel_loop3A_352 : vector<16xi1>, vector<16xf32>
        %parallel_loop3A_354 = arith.addf %parallel_loop3A_308, %parallel_loop3A_353 : vector<16xf32>
        %parallel_loop3A_355 = arith.constant 16 : i32
        %parallel_loop3A_356 = arith.muli %parallel_loop3A_302, %parallel_loop3A_355 : i32
        %parallel_loop3A_357 = arith.constant 2 : i32
        %parallel_loop3A_358 = arith.index_cast %parallel_loop3A_357 : i32 to index
        %parallel_loop3A_359 = arith.index_cast %parallel_loop3A_356 : i32 to index
        %parallel_loop3A_360 = tpu.vector_load %arg6[%parallel_loop3A_358, %parallel_loop3A_359] {strides = array<i32>} : memref<8x4096xf32, #tpu.memory_space<vmem>>, vector<16xf32>,
        %parallel_loop3A_361 = arith.mulf %parallel_loop3A_360, %get3A_195 : vector<16xf32>
        %parallel_loop3A_362 = arith.minimumf %parallel_loop3A_361, %broadcast_in_dim3A_229 : vector<16xf32>
        %parallel_loop3A_363 = arith.maximumf %parallel_loop3A_362, %broadcast_in_dim3A_231 : vector<16xf32>
        %parallel_loop3A_364 = arith.addf %parallel_loop3A_363, %broadcast_in_dim3A_227 : vector<16xf32>
        %parallel_loop3A_365 = arith.subf %parallel_loop3A_364, %broadcast_in_dim3A_227 : vector<16xf32>
        %parallel_loop3A_366 = arith.subf %parallel_loop3A_361, %parallel_loop3A_365 : vector<16xf32>
        %parallel_loop3A_367 = math.absf %parallel_loop3A_366 : vector<16xf32>
        %parallel_loop3A_368 = arith.mulf %parallel_loop3A_360, %parallel_loop3A_360 : vector<16xf32>
        %parallel_loop3A_369 = arith.addf %parallel_loop3A_365, %add3A_208 : vector<16xf32>
        %parallel_loop3A_370 = arith.fptosi %parallel_loop3A_369 : vector<16xf32> to vector<16xi32>
        tpu.vector_store_idx %arg8[%parallel_loop3A_370], %broadcast_in_dim3A_225 {add = true} : memref<512xf32, #tpu.memory_space<vmem>>[vector<16xi32>], vector<16xf32>,
        tpu.vector_store_idx %arg9[%parallel_loop3A_370], %parallel_loop3A_360 {add = true} : memref<512xf32, #tpu.memory_space<vmem>>[vector<16xi32>], vector<16xf32>,
        tpu.vector_store_idx %arg10[%parallel_loop3A_370], %parallel_loop3A_368 {add = true} : memref<512xf32, #tpu.memory_space<vmem>>[vector<16xi32>], vector<16xf32>,
        %parallel_loop3A_371 = arith.addf %parallel_loop3A_305, %parallel_loop3A_367 : vector<16xf32>
        %parallel_loop3A_372 = arith.cmpf olt, %parallel_loop3A_367, %get3A_197 : vector<16xf32>
        %parallel_loop3A_373 = arith.constant 0.000000e+00 : f32
        %parallel_loop3A_374 = vector.broadcast %parallel_loop3A_373 : f32 to vector<16xf32>
        %parallel_loop3A_375 = arith.select %parallel_loop3A_372, %broadcast_in_dim3A_225, %parallel_loop3A_374 : vector<16xi1>, vector<16xf32>
        %parallel_loop3A_376 = arith.addf %parallel_loop3A_309, %parallel_loop3A_375 : vector<16xf32>
        %parallel_loop3A_377 = arith.constant 16 : i32
        %parallel_loop3A_378 = arith.muli %parallel_loop3A_302, %parallel_loop3A_377 : i32
        %parallel_loop3A_379 = arith.constant 3 : i32
        %parallel_loop3A_380 = arith.index_cast %parallel_loop3A_379 : i32 to index
        %parallel_loop3A_381 = arith.index_cast %parallel_loop3A_378 : i32 to index
        %parallel_loop3A_382 = tpu.vector_load %arg6[%parallel_loop3A_380, %parallel_loop3A_381] {strides = array<i32>} : memref<8x4096xf32, #tpu.memory_space<vmem>>, vector<16xf32>,
        %parallel_loop3A_383 = arith.mulf %parallel_loop3A_382, %get3A_195 : vector<16xf32>
        %parallel_loop3A_384 = arith.minimumf %parallel_loop3A_383, %broadcast_in_dim3A_229 : vector<16xf32>
        %parallel_loop3A_385 = arith.maximumf %parallel_loop3A_384, %broadcast_in_dim3A_231 : vector<16xf32>
        %parallel_loop3A_386 = arith.addf %parallel_loop3A_385, %broadcast_in_dim3A_227 : vector<16xf32>
        %parallel_loop3A_387 = arith.subf %parallel_loop3A_386, %broadcast_in_dim3A_227 : vector<16xf32>
        %parallel_loop3A_388 = arith.subf %parallel_loop3A_383, %parallel_loop3A_387 : vector<16xf32>
        %parallel_loop3A_389 = math.absf %parallel_loop3A_388 : vector<16xf32>
        %parallel_loop3A_390 = arith.mulf %parallel_loop3A_382, %parallel_loop3A_382 : vector<16xf32>
        %parallel_loop3A_391 = arith.addf %parallel_loop3A_387, %add3A_211 : vector<16xf32>
        %parallel_loop3A_392 = arith.fptosi %parallel_loop3A_391 : vector<16xf32> to vector<16xi32>
        tpu.vector_store_idx %arg8[%parallel_loop3A_392], %broadcast_in_dim3A_225 {add = true} : memref<512xf32, #tpu.memory_space<vmem>>[vector<16xi32>], vector<16xf32>,
        tpu.vector_store_idx %arg9[%parallel_loop3A_392], %parallel_loop3A_382 {add = true} : memref<512xf32, #tpu.memory_space<vmem>>[vector<16xi32>], vector<16xf32>,
        tpu.vector_store_idx %arg10[%parallel_loop3A_392], %parallel_loop3A_390 {add = true} : memref<512xf32, #tpu.memory_space<vmem>>[vector<16xi32>], vector<16xf32>,
        %parallel_loop3A_393 = arith.addf %parallel_loop3A_306, %parallel_loop3A_389 : vector<16xf32>
        %parallel_loop3A_394 = arith.cmpf olt, %parallel_loop3A_389, %get3A_197 : vector<16xf32>
        %parallel_loop3A_395 = arith.constant 0.000000e+00 : f32
        %parallel_loop3A_396 = vector.broadcast %parallel_loop3A_395 : f32 to vector<16xf32>
        %parallel_loop3A_397 = arith.select %parallel_loop3A_394, %broadcast_in_dim3A_225, %parallel_loop3A_396 : vector<16xi1>, vector<16xf32>
        %parallel_loop3A_398 = arith.addf %parallel_loop3A_310, %parallel_loop3A_397 : vector<16xf32>
        %parallel_loop3A_399 = arith.constant 16 : i32
        %parallel_loop3A_400 = arith.muli %parallel_loop3A_302, %parallel_loop3A_399 : i32
        %parallel_loop3A_401 = arith.constant 4 : i32
        %parallel_loop3A_402 = arith.index_cast %parallel_loop3A_401 : i32 to index
        %parallel_loop3A_403 = arith.index_cast %parallel_loop3A_400 : i32 to index
        %parallel_loop3A_404 = tpu.vector_load %arg6[%parallel_loop3A_402, %parallel_loop3A_403] {strides = array<i32>} : memref<8x4096xf32, #tpu.memory_space<vmem>>, vector<16xf32>,
        %parallel_loop3A_405 = arith.mulf %parallel_loop3A_404, %get3A_195 : vector<16xf32>
        %parallel_loop3A_406 = arith.minimumf %parallel_loop3A_405, %broadcast_in_dim3A_229 : vector<16xf32>
        %parallel_loop3A_407 = arith.maximumf %parallel_loop3A_406, %broadcast_in_dim3A_231 : vector<16xf32>
        %parallel_loop3A_408 = arith.addf %parallel_loop3A_407, %broadcast_in_dim3A_227 : vector<16xf32>
        %parallel_loop3A_409 = arith.subf %parallel_loop3A_408, %broadcast_in_dim3A_227 : vector<16xf32>
        %parallel_loop3A_410 = arith.subf %parallel_loop3A_405, %parallel_loop3A_409 : vector<16xf32>
        %parallel_loop3A_411 = math.absf %parallel_loop3A_410 : vector<16xf32>
        %parallel_loop3A_412 = arith.mulf %parallel_loop3A_404, %parallel_loop3A_404 : vector<16xf32>
        %parallel_loop3A_413 = arith.addf %parallel_loop3A_409, %add3A_214 : vector<16xf32>
        %parallel_loop3A_414 = arith.fptosi %parallel_loop3A_413 : vector<16xf32> to vector<16xi32>
        tpu.vector_store_idx %arg8[%parallel_loop3A_414], %broadcast_in_dim3A_225 {add = true} : memref<512xf32, #tpu.memory_space<vmem>>[vector<16xi32>], vector<16xf32>,
        tpu.vector_store_idx %arg9[%parallel_loop3A_414], %parallel_loop3A_404 {add = true} : memref<512xf32, #tpu.memory_space<vmem>>[vector<16xi32>], vector<16xf32>,
        tpu.vector_store_idx %arg10[%parallel_loop3A_414], %parallel_loop3A_412 {add = true} : memref<512xf32, #tpu.memory_space<vmem>>[vector<16xi32>], vector<16xf32>,
        %parallel_loop3A_415 = arith.addf %parallel_loop3A_327, %parallel_loop3A_411 : vector<16xf32>
        %parallel_loop3A_416 = arith.cmpf olt, %parallel_loop3A_411, %get3A_197 : vector<16xf32>
        %parallel_loop3A_417 = arith.constant 0.000000e+00 : f32
        %parallel_loop3A_418 = vector.broadcast %parallel_loop3A_417 : f32 to vector<16xf32>
        %parallel_loop3A_419 = arith.select %parallel_loop3A_416, %broadcast_in_dim3A_225, %parallel_loop3A_418 : vector<16xi1>, vector<16xf32>
        %parallel_loop3A_420 = arith.addf %parallel_loop3A_332, %parallel_loop3A_419 : vector<16xf32>
        %parallel_loop3A_421 = arith.constant 16 : i32
        %parallel_loop3A_422 = arith.muli %parallel_loop3A_302, %parallel_loop3A_421 : i32
        %parallel_loop3A_423 = arith.constant 5 : i32
        %parallel_loop3A_424 = arith.index_cast %parallel_loop3A_423 : i32 to index
        %parallel_loop3A_425 = arith.index_cast %parallel_loop3A_422 : i32 to index
        %parallel_loop3A_426 = tpu.vector_load %arg6[%parallel_loop3A_424, %parallel_loop3A_425] {strides = array<i32>} : memref<8x4096xf32, #tpu.memory_space<vmem>>, vector<16xf32>,
        %parallel_loop3A_427 = arith.mulf %parallel_loop3A_426, %get3A_195 : vector<16xf32>
        %parallel_loop3A_428 = arith.minimumf %parallel_loop3A_427, %broadcast_in_dim3A_229 : vector<16xf32>
        %parallel_loop3A_429 = arith.maximumf %parallel_loop3A_428, %broadcast_in_dim3A_231 : vector<16xf32>
        %parallel_loop3A_430 = arith.addf %parallel_loop3A_429, %broadcast_in_dim3A_227 : vector<16xf32>
        %parallel_loop3A_431 = arith.subf %parallel_loop3A_430, %broadcast_in_dim3A_227 : vector<16xf32>
        %parallel_loop3A_432 = arith.subf %parallel_loop3A_427, %parallel_loop3A_431 : vector<16xf32>
        %parallel_loop3A_433 = math.absf %parallel_loop3A_432 : vector<16xf32>
        %parallel_loop3A_434 = arith.mulf %parallel_loop3A_426, %parallel_loop3A_426 : vector<16xf32>
        %parallel_loop3A_435 = arith.addf %parallel_loop3A_431, %add3A_217 : vector<16xf32>
        %parallel_loop3A_436 = arith.fptosi %parallel_loop3A_435 : vector<16xf32> to vector<16xi32>
        tpu.vector_store_idx %arg8[%parallel_loop3A_436], %broadcast_in_dim3A_225 {add = true} : memref<512xf32, #tpu.memory_space<vmem>>[vector<16xi32>], vector<16xf32>,
        tpu.vector_store_idx %arg9[%parallel_loop3A_436], %parallel_loop3A_426 {add = true} : memref<512xf32, #tpu.memory_space<vmem>>[vector<16xi32>], vector<16xf32>,
        tpu.vector_store_idx %arg10[%parallel_loop3A_436], %parallel_loop3A_434 {add = true} : memref<512xf32, #tpu.memory_space<vmem>>[vector<16xi32>], vector<16xf32>,
        %parallel_loop3A_437 = arith.addf %parallel_loop3A_349, %parallel_loop3A_433 : vector<16xf32>
        %parallel_loop3A_438 = arith.cmpf olt, %parallel_loop3A_433, %get3A_197 : vector<16xf32>
        %parallel_loop3A_439 = arith.constant 0.000000e+00 : f32
        %parallel_loop3A_440 = vector.broadcast %parallel_loop3A_439 : f32 to vector<16xf32>
        %parallel_loop3A_441 = arith.select %parallel_loop3A_438, %broadcast_in_dim3A_225, %parallel_loop3A_440 : vector<16xi1>, vector<16xf32>
        %parallel_loop3A_442 = arith.addf %parallel_loop3A_354, %parallel_loop3A_441 : vector<16xf32>
        %parallel_loop3A_443 = arith.constant 16 : i32
        %parallel_loop3A_444 = arith.muli %parallel_loop3A_302, %parallel_loop3A_443 : i32
        %parallel_loop3A_445 = arith.constant 6 : i32
        %parallel_loop3A_446 = arith.index_cast %parallel_loop3A_445 : i32 to index
        %parallel_loop3A_447 = arith.index_cast %parallel_loop3A_444 : i32 to index
        %parallel_loop3A_448 = tpu.vector_load %arg6[%parallel_loop3A_446, %parallel_loop3A_447] {strides = array<i32>} : memref<8x4096xf32, #tpu.memory_space<vmem>>, vector<16xf32>,
        %parallel_loop3A_449 = arith.mulf %parallel_loop3A_448, %get3A_195 : vector<16xf32>
        %parallel_loop3A_450 = arith.minimumf %parallel_loop3A_449, %broadcast_in_dim3A_229 : vector<16xf32>
        %parallel_loop3A_451 = arith.maximumf %parallel_loop3A_450, %broadcast_in_dim3A_231 : vector<16xf32>
        %parallel_loop3A_452 = arith.addf %parallel_loop3A_451, %broadcast_in_dim3A_227 : vector<16xf32>
        %parallel_loop3A_453 = arith.subf %parallel_loop3A_452, %broadcast_in_dim3A_227 : vector<16xf32>
        %parallel_loop3A_454 = arith.subf %parallel_loop3A_449, %parallel_loop3A_453 : vector<16xf32>
        %parallel_loop3A_455 = math.absf %parallel_loop3A_454 : vector<16xf32>
        %parallel_loop3A_456 = arith.mulf %parallel_loop3A_448, %parallel_loop3A_448 : vector<16xf32>
        %parallel_loop3A_457 = arith.addf %parallel_loop3A_453, %add3A_220 : vector<16xf32>
        %parallel_loop3A_458 = arith.fptosi %parallel_loop3A_457 : vector<16xf32> to vector<16xi32>
        tpu.vector_store_idx %arg8[%parallel_loop3A_458], %broadcast_in_dim3A_225 {add = true} : memref<512xf32, #tpu.memory_space<vmem>>[vector<16xi32>], vector<16xf32>,
        tpu.vector_store_idx %arg9[%parallel_loop3A_458], %parallel_loop3A_448 {add = true} : memref<512xf32, #tpu.memory_space<vmem>>[vector<16xi32>], vector<16xf32>,
        tpu.vector_store_idx %arg10[%parallel_loop3A_458], %parallel_loop3A_456 {add = true} : memref<512xf32, #tpu.memory_space<vmem>>[vector<16xi32>], vector<16xf32>,
        %parallel_loop3A_459 = arith.addf %parallel_loop3A_371, %parallel_loop3A_455 : vector<16xf32>
        %parallel_loop3A_460 = arith.cmpf olt, %parallel_loop3A_455, %get3A_197 : vector<16xf32>
        %parallel_loop3A_461 = arith.constant 0.000000e+00 : f32
        %parallel_loop3A_462 = vector.broadcast %parallel_loop3A_461 : f32 to vector<16xf32>
        %parallel_loop3A_463 = arith.select %parallel_loop3A_460, %broadcast_in_dim3A_225, %parallel_loop3A_462 : vector<16xi1>, vector<16xf32>
        %parallel_loop3A_464 = arith.addf %parallel_loop3A_376, %parallel_loop3A_463 : vector<16xf32>
        %parallel_loop3A_465 = arith.constant 16 : i32
        %parallel_loop3A_466 = arith.muli %parallel_loop3A_302, %parallel_loop3A_465 : i32
        %parallel_loop3A_467 = arith.constant 7 : i32
        %parallel_loop3A_468 = arith.index_cast %parallel_loop3A_467 : i32 to index
        %parallel_loop3A_469 = arith.index_cast %parallel_loop3A_466 : i32 to index
        %parallel_loop3A_470 = tpu.vector_load %arg6[%parallel_loop3A_468, %parallel_loop3A_469] {strides = array<i32>} : memref<8x4096xf32, #tpu.memory_space<vmem>>, vector<16xf32>,
        %parallel_loop3A_471 = arith.mulf %parallel_loop3A_470, %get3A_195 : vector<16xf32>
        %parallel_loop3A_472 = arith.minimumf %parallel_loop3A_471, %broadcast_in_dim3A_229 : vector<16xf32>
        %parallel_loop3A_473 = arith.maximumf %parallel_loop3A_472, %broadcast_in_dim3A_231 : vector<16xf32>
        %parallel_loop3A_474 = arith.addf %parallel_loop3A_473, %broadcast_in_dim3A_227 : vector<16xf32>
        %parallel_loop3A_475 = arith.subf %parallel_loop3A_474, %broadcast_in_dim3A_227 : vector<16xf32>
        %parallel_loop3A_476 = arith.subf %parallel_loop3A_471, %parallel_loop3A_475 : vector<16xf32>
        %parallel_loop3A_477 = math.absf %parallel_loop3A_476 : vector<16xf32>
        %parallel_loop3A_478 = arith.mulf %parallel_loop3A_470, %parallel_loop3A_470 : vector<16xf32>
        %parallel_loop3A_479 = arith.addf %parallel_loop3A_475, %add3A_223 : vector<16xf32>
        %parallel_loop3A_480 = arith.fptosi %parallel_loop3A_479 : vector<16xf32> to vector<16xi32>
        tpu.vector_store_idx %arg8[%parallel_loop3A_480], %broadcast_in_dim3A_225 {add = true} : memref<512xf32, #tpu.memory_space<vmem>>[vector<16xi32>], vector<16xf32>,
        tpu.vector_store_idx %arg9[%parallel_loop3A_480], %parallel_loop3A_470 {add = true} : memref<512xf32, #tpu.memory_space<vmem>>[vector<16xi32>], vector<16xf32>,
        tpu.vector_store_idx %arg10[%parallel_loop3A_480], %parallel_loop3A_478 {add = true} : memref<512xf32, #tpu.memory_space<vmem>>[vector<16xi32>], vector<16xf32>,
        %parallel_loop3A_481 = arith.addf %parallel_loop3A_393, %parallel_loop3A_477 : vector<16xf32>
        %parallel_loop3A_482 = arith.cmpf olt, %parallel_loop3A_477, %get3A_197 : vector<16xf32>
        %parallel_loop3A_483 = arith.constant 0.000000e+00 : f32
        %parallel_loop3A_484 = vector.broadcast %parallel_loop3A_483 : f32 to vector<16xf32>
        %parallel_loop3A_485 = arith.select %parallel_loop3A_482, %broadcast_in_dim3A_225, %parallel_loop3A_484 : vector<16xi1>, vector<16xf32>
        %parallel_loop3A_486 = arith.addf %parallel_loop3A_398, %parallel_loop3A_485 : vector<16xf32>
        scf.yield %parallel_loop3A_415, %parallel_loop3A_437, %parallel_loop3A_459, %parallel_loop3A_481, %parallel_loop3A_420, %parallel_loop3A_442, %parallel_loop3A_464, %parallel_loop3A_486 : vector<16xf32>, vector<16xf32>, vector<16xf32>, vector<16xf32>, vector<16xf32>, vector<16xf32>, vector<16xf32>, vector<16xf32>
      } {sc.loop_unroll_factor = 1 : i64, sc.parallel_access}
      %add3A_295 = arith.constant 3 : i32
      %add3A_296 = arith.addi %mul3A_268, %add3A_295 : i32
      %lt3A_297 = arith.constant 16 : i32
      %lt3A_298 = arith.cmpi slt, %add3A_296, %lt3A_297 : i32
      %convert_element_type3A_299 = arith.extui %lt3A_298 : i1 to i32
      %cond3A_300 = arith.constant 0 : i32
      %cond3A_301 = arith.cmpi ne, %convert_element_type3A_299, %cond3A_300 : i32
      scf.if %cond3A_301 {
        %add3A_302 = arith.constant 3 : i32
        %add3A_303 = arith.addi %mul3A_268, %add3A_302 : i32
        %mul3A_304 = arith.constant 8 : i32
        %mul3A_305 = arith.muli %add3A_303, %mul3A_304 : i32
        %add3A_306 = arith.addi %mul3A_2, %mul3A_305 : i32
        %dma_start3A_307 = arith.constant 0 : i32
        %dma_start3A_308 = tpu.memref_slice %arg2[%add3A_306, %dma_start3A_307] : memref<4096x4096xf32, #tpu.memory_space<hbm>> -> memref<8x4096xf32, #tpu.memory_space<hbm>>
        %dma_start3A_309 = arith.constant 0 : i32
        %dma_start3A_310 = tpu.memref_slice %arg2[%add3A_306, %dma_start3A_309] : memref<4096x4096xf32, #tpu.memory_space<hbm>> -> memref<8x4096xf32, #tpu.memory_space<hbm>>
        tpu.enqueue_dma source(%dma_start3A_310 : memref<8x4096xf32, #tpu.memory_space<hbm>>) target(%arg6 : memref<8x4096xf32, #tpu.memory_space<vmem>>) target_semaphore(%arg13 : memref<!tpu.dma_semaphore, #tpu.memory_space<semaphore_mem>>)
      } else {
      }
      scf.yield %parallel_loop3A_294#0, %parallel_loop3A_294#1, %parallel_loop3A_294#2, %parallel_loop3A_294#3, %parallel_loop3A_294#4, %parallel_loop3A_294#5, %parallel_loop3A_294#6, %parallel_loop3A_294#7 : vector<16xf32>, vector<16xf32>, vector<16xf32>, vector<16xf32>, vector<16xf32>, vector<16xf32>, vector<16xf32>, vector<16xf32>
    }
    %scan3A_247 = arith.constant 8 : i32
    %add3A_248 = arith.addf %scan3A_246#0, %scan3A_246#1 : vector<16xf32>
    %add3A_249 = arith.addf %scan3A_246#2, %scan3A_246#3 : vector<16xf32>
    %add3A_250 = arith.addf %add3A_248, %add3A_249 : vector<16xf32>
    %add3A_251 = arith.addf %scan3A_246#4, %scan3A_246#5 : vector<16xf32>
    %add3A_252 = arith.addf %scan3A_246#6, %scan3A_246#7 : vector<16xf32>
    %add3A_253 = arith.addf %add3A_251, %add3A_252 : vector<16xf32>
    %swap3A_254 = arith.constant 0 : index
    %swap3A_255 = tpu.vector_load %arg11[%swap3A_254] {strides = array<i32>} : memref<32xf32, #tpu.memory_space<vmem>>, vector<16xf32>,
    tpu.vector_store %arg11[%swap3A_254], %add3A_250 {strides = array<i32>} : memref<32xf32, #tpu.memory_space<vmem>>, vector<16xf32>,
    %swap3A_256 = arith.constant 16 : index
    %swap3A_257 = tpu.vector_load %arg11[%swap3A_256] {strides = array<i32>} : memref<32xf32, #tpu.memory_space<vmem>>, vector<16xf32>,
    tpu.vector_store %arg11[%swap3A_256], %add3A_253 {strides = array<i32>} : memref<32xf32, #tpu.memory_space<vmem>>, vector<16xf32>,
    "tpu.region"() ({
      %run_scoped3A = tpu.sem_alloc : memref<!tpu.dma_semaphore, #tpu.memory_space<semaphore_mem>>
      %dma_start3A_258 = arith.constant 0 : i32
      %dma_start3A_259 = tpu.memref_slice %arg4[%add3A, %dma_start3A_258] : memref<32x1568xf32, #tpu.memory_space<hbm>> -> memref<1x512xf32, #tpu.memory_space<hbm>>
      %dma_start3A_260 = tpu.memref_squeeze %dma_start3A_259 : memref<1x512xf32, #tpu.memory_space<hbm>> -> memref<512xf32, #tpu.memory_space<hbm>>
      %dma_start3A_261 = arith.constant 0 : i32
      %dma_start3A_262 = tpu.memref_slice %arg4[%add3A, %dma_start3A_261] : memref<32x1568xf32, #tpu.memory_space<hbm>> -> memref<1x512xf32, #tpu.memory_space<hbm>>
      %dma_start3A_263 = tpu.memref_squeeze %dma_start3A_262 : memref<1x512xf32, #tpu.memory_space<hbm>> -> memref<512xf32, #tpu.memory_space<hbm>>
      tpu.enqueue_dma source(%arg8 : memref<512xf32, #tpu.memory_space<vmem>>) target(%dma_start3A_263 : memref<512xf32, #tpu.memory_space<hbm>>) target_semaphore(%run_scoped3A : memref<!tpu.dma_semaphore, #tpu.memory_space<semaphore_mem>>)
      %dma_wait3A = arith.constant 0 : i32
      %dma_wait3A_264 = tpu.memref_slice %arg4[%add3A, %dma_wait3A] : memref<32x1568xf32, #tpu.memory_space<hbm>> -> memref<1x512xf32, #tpu.memory_space<hbm>>
      %dma_wait3A_265 = tpu.memref_squeeze %dma_wait3A_264 : memref<1x512xf32, #tpu.memory_space<hbm>> -> memref<512xf32, #tpu.memory_space<hbm>>
      %dma_wait3A_266 = arith.constant 0 : i32
      %dma_wait3A_267 = tpu.memref_slice %arg4[%add3A, %dma_wait3A_266] : memref<32x1568xf32, #tpu.memory_space<hbm>> -> memref<1x512xf32, #tpu.memory_space<hbm>>
      %dma_wait3A_268 = tpu.memref_squeeze %dma_wait3A_267 : memref<1x512xf32, #tpu.memory_space<hbm>> -> memref<512xf32, #tpu.memory_space<hbm>>
      tpu.wait_dma2 semaphore(%run_scoped3A : memref<!tpu.dma_semaphore, #tpu.memory_space<semaphore_mem>>) src(%arg8 : memref<512xf32, #tpu.memory_space<vmem>>) dst(%dma_wait3A_268 : memref<512xf32, #tpu.memory_space<hbm>>)
      tpu.yield
    }) : () -> ()
    "tpu.region"() ({
      %run_scoped3A = tpu.sem_alloc : memref<!tpu.dma_semaphore, #tpu.memory_space<semaphore_mem>>
      %dma_start3A_258 = arith.constant 512 : i32
      %dma_start3A_259 = tpu.memref_slice %arg4[%add3A, %dma_start3A_258] : memref<32x1568xf32, #tpu.memory_space<hbm>> -> memref<1x512xf32, #tpu.memory_space<hbm>>
      %dma_start3A_260 = tpu.memref_squeeze %dma_start3A_259 : memref<1x512xf32, #tpu.memory_space<hbm>> -> memref<512xf32, #tpu.memory_space<hbm>>
      %dma_start3A_261 = arith.constant 512 : i32
      %dma_start3A_262 = tpu.memref_slice %arg4[%add3A, %dma_start3A_261] : memref<32x1568xf32, #tpu.memory_space<hbm>> -> memref<1x512xf32, #tpu.memory_space<hbm>>
      %dma_start3A_263 = tpu.memref_squeeze %dma_start3A_262 : memref<1x512xf32, #tpu.memory_space<hbm>> -> memref<512xf32, #tpu.memory_space<hbm>>
      tpu.enqueue_dma source(%arg9 : memref<512xf32, #tpu.memory_space<vmem>>) target(%dma_start3A_263 : memref<512xf32, #tpu.memory_space<hbm>>) target_semaphore(%run_scoped3A : memref<!tpu.dma_semaphore, #tpu.memory_space<semaphore_mem>>)
      %dma_wait3A = arith.constant 512 : i32
      %dma_wait3A_264 = tpu.memref_slice %arg4[%add3A, %dma_wait3A] : memref<32x1568xf32, #tpu.memory_space<hbm>> -> memref<1x512xf32, #tpu.memory_space<hbm>>
      %dma_wait3A_265 = tpu.memref_squeeze %dma_wait3A_264 : memref<1x512xf32, #tpu.memory_space<hbm>> -> memref<512xf32, #tpu.memory_space<hbm>>
      %dma_wait3A_266 = arith.constant 512 : i32
      %dma_wait3A_267 = tpu.memref_slice %arg4[%add3A, %dma_wait3A_266] : memref<32x1568xf32, #tpu.memory_space<hbm>> -> memref<1x512xf32, #tpu.memory_space<hbm>>
      %dma_wait3A_268 = tpu.memref_squeeze %dma_wait3A_267 : memref<1x512xf32, #tpu.memory_space<hbm>> -> memref<512xf32, #tpu.memory_space<hbm>>
      tpu.wait_dma2 semaphore(%run_scoped3A : memref<!tpu.dma_semaphore, #tpu.memory_space<semaphore_mem>>) src(%arg9 : memref<512xf32, #tpu.memory_space<vmem>>) dst(%dma_wait3A_268 : memref<512xf32, #tpu.memory_space<hbm>>)
      tpu.yield
    }) : () -> ()
    "tpu.region"() ({
      %run_scoped3A = tpu.sem_alloc : memref<!tpu.dma_semaphore, #tpu.memory_space<semaphore_mem>>
      %dma_start3A_258 = arith.constant 1024 : i32
      %dma_start3A_259 = tpu.memref_slice %arg4[%add3A, %dma_start3A_258] : memref<32x1568xf32, #tpu.memory_space<hbm>> -> memref<1x512xf32, #tpu.memory_space<hbm>>
      %dma_start3A_260 = tpu.memref_squeeze %dma_start3A_259 : memref<1x512xf32, #tpu.memory_space<hbm>> -> memref<512xf32, #tpu.memory_space<hbm>>
      %dma_start3A_261 = arith.constant 1024 : i32
      %dma_start3A_262 = tpu.memref_slice %arg4[%add3A, %dma_start3A_261] : memref<32x1568xf32, #tpu.memory_space<hbm>> -> memref<1x512xf32, #tpu.memory_space<hbm>>
      %dma_start3A_263 = tpu.memref_squeeze %dma_start3A_262 : memref<1x512xf32, #tpu.memory_space<hbm>> -> memref<512xf32, #tpu.memory_space<hbm>>
      tpu.enqueue_dma source(%arg10 : memref<512xf32, #tpu.memory_space<vmem>>) target(%dma_start3A_263 : memref<512xf32, #tpu.memory_space<hbm>>) target_semaphore(%run_scoped3A : memref<!tpu.dma_semaphore, #tpu.memory_space<semaphore_mem>>)
      %dma_wait3A = arith.constant 1024 : i32
      %dma_wait3A_264 = tpu.memref_slice %arg4[%add3A, %dma_wait3A] : memref<32x1568xf32, #tpu.memory_space<hbm>> -> memref<1x512xf32, #tpu.memory_space<hbm>>
      %dma_wait3A_265 = tpu.memref_squeeze %dma_wait3A_264 : memref<1x512xf32, #tpu.memory_space<hbm>> -> memref<512xf32, #tpu.memory_space<hbm>>
      %dma_wait3A_266 = arith.constant 1024 : i32
      %dma_wait3A_267 = tpu.memref_slice %arg4[%add3A, %dma_wait3A_266] : memref<32x1568xf32, #tpu.memory_space<hbm>> -> memref<1x512xf32, #tpu.memory_space<hbm>>
      %dma_wait3A_268 = tpu.memref_squeeze %dma_wait3A_267 : memref<1x512xf32, #tpu.memory_space<hbm>> -> memref<512xf32, #tpu.memory_space<hbm>>
      tpu.wait_dma2 semaphore(%run_scoped3A : memref<!tpu.dma_semaphore, #tpu.memory_space<semaphore_mem>>) src(%arg10 : memref<512xf32, #tpu.memory_space<vmem>>) dst(%dma_wait3A_268 : memref<512xf32, #tpu.memory_space<hbm>>)
      tpu.yield
    }) : () -> ()
    "tpu.region"() ({
      %run_scoped3A = tpu.sem_alloc : memref<!tpu.dma_semaphore, #tpu.memory_space<semaphore_mem>>
      %dma_start3A_258 = arith.constant 1536 : i32
      %dma_start3A_259 = tpu.memref_slice %arg4[%add3A, %dma_start3A_258] : memref<32x1568xf32, #tpu.memory_space<hbm>> -> memref<1x32xf32, #tpu.memory_space<hbm>>
      %dma_start3A_260 = tpu.memref_squeeze %dma_start3A_259 : memref<1x32xf32, #tpu.memory_space<hbm>> -> memref<32xf32, #tpu.memory_space<hbm>>
      %dma_start3A_261 = arith.constant 1536 : i32
      %dma_start3A_262 = tpu.memref_slice %arg4[%add3A, %dma_start3A_261] : memref<32x1568xf32, #tpu.memory_space<hbm>> -> memref<1x32xf32, #tpu.memory_space<hbm>>
      %dma_start3A_263 = tpu.memref_squeeze %dma_start3A_262 : memref<1x32xf32, #tpu.memory_space<hbm>> -> memref<32xf32, #tpu.memory_space<hbm>>
      tpu.enqueue_dma source(%arg11 : memref<32xf32, #tpu.memory_space<vmem>>) target(%dma_start3A_263 : memref<32xf32, #tpu.memory_space<hbm>>) target_semaphore(%run_scoped3A : memref<!tpu.dma_semaphore, #tpu.memory_space<semaphore_mem>>)
      %dma_wait3A = arith.constant 1536 : i32
      %dma_wait3A_264 = tpu.memref_slice %arg4[%add3A, %dma_wait3A] : memref<32x1568xf32, #tpu.memory_space<hbm>> -> memref<1x32xf32, #tpu.memory_space<hbm>>
      %dma_wait3A_265 = tpu.memref_squeeze %dma_wait3A_264 : memref<1x32xf32, #tpu.memory_space<hbm>> -> memref<32xf32, #tpu.memory_space<hbm>>
      %dma_wait3A_266 = arith.constant 1536 : i32
      %dma_wait3A_267 = tpu.memref_slice %arg4[%add3A, %dma_wait3A_266] : memref<32x1568xf32, #tpu.memory_space<hbm>> -> memref<1x32xf32, #tpu.memory_space<hbm>>
      %dma_wait3A_268 = tpu.memref_squeeze %dma_wait3A_267 : memref<1x32xf32, #tpu.memory_space<hbm>> -> memref<32xf32, #tpu.memory_space<hbm>>
      tpu.wait_dma2 semaphore(%run_scoped3A : memref<!tpu.dma_semaphore, #tpu.memory_space<semaphore_mem>>) src(%arg11 : memref<32xf32, #tpu.memory_space<vmem>>) dst(%dma_wait3A_268 : memref<32xf32, #tpu.memory_space<hbm>>)
      tpu.yield
    }) : () -> ()
    return
  }
}

</mosaic_0001>

<sc_bundles>
// kernel: _run.3.cloned.1.call-start
scs
__scs_entry_jumppad:
0x0: {  	(pc) =	sbr.rel $0x88, $3  }
0x1: {  	(tag) =	ssettag $0x0;
	lr =	simm.s32 $0x1  }
0x2: {  	[smem:$0x3F9F] =	sst lr;
	_ =	strace $0xD0000000  }
0x3: {  	_ = 	snop  }
0x4: {  	_ = 	snop  }
0x5: {  	_ = 	snop  }
0x6: {  	_ = 	snop  }
0x7: {  	_ = 	snop  }
__scs_overlays_trampoline_lowered:
0x8: {  	[smem:$0x3FAE] =	sst s0  }
0x9: {  	[smem:$0x3FAF] =	sst s1  }
0xa: {  	[smem:$0x3FB0] =	sst s2  }
0xb: {  	[smem:$0x3FB1] =	sst s3  }
0xc: {  	[smem:$0x3FB2] =	sst s4  }
0xd: {  	[smem:$0x3FB3] =	sst s5  }
0xe: {  	[smem:$0x3FB4] =	sst s6  }
0xf: {  	[smem:$0x3FB5] =	sst s7  }
0x10: {  	[smem:$0x3FB6] =	sst s8  }
0x11: {  	[smem:$0x3FB7] =	sst s9;
	s0 =	simm.s32 @!p0 $0x0  }
0x12: {  	s1 =	sld [smem:$0x3F9D];
	s0 =	simm.s32 @p0 $0x1  }
0x13: {  	[smem:$0x3FB8] =	sst s0;
	s0 =	simm.s32 @!p1 $0x0  }
0x14: {  	s2 =	sld [smem:$0x3F9C];
	s0 =	simm.s32 @p1 $0x1  }
0x15: {  	[smem:$0x3FB9] =	sst s0;
	s0 =	simm.s32 @!p2 $0x0  }
0x16: {  	s3 =	sld [smem:$0x3FDB];
	s0 =	simm.s32 @p2 $0x1  }
0x17: {  	s4 =	simm.s32 $0x1BF5;
	[smem:$0x3FBB] =	sst s0  }
0x18: {  	s0 =	sld [smem:$0x3F9E];
	_ =	swait.ge [sflag:s4], $0x0  }
0x19: {  	s7 =	sld [smem:$0x3F9F]  }
0x1a: {  	s8 =	sadd.s32 $0xFFFFE003, lr  }
0x1b: {  	s9 =	sadd.s32 $0xFFFFFEF7, lr;
	s5 =	simm.s32 $0xFFFFFFFF;
	p2 =	slt.u32 s8, $0xFFFFF086  }
0x1c: {  	p1 =	slt.u32 s9, $0xF7A;
	s5 =	simm.s32 @!p2 $0x0  }
0x1d: {  	s5 =	simm.s32 @p1 $0x1;
	p0 =	seq.s32 s7, s2  }
0x1e: {  	s7 =	smul.u32 @!p0 $0xF7A, s2;
	p2 =	seq.s32 @!p0 s5, $0x0  }
0x1f: {  	s9 =	smul.u32 $0xF7A, s1;
	s8 =	simm.s32 @!p0 $0x1BF5;
	p2 =	por !p2, p0  }
0x20: {  	[sflag:s8] =	ssyncset.s32 @!p0 $0xFFFFF086;
	s6 =	sadd.s32 @!p0 s3, s7;
	s7 =	simm.s32 @!p0 $0x108  }
0x21: {  	s3 =	sadd.s32 s3, s9;
	s6 =	sadd.s32 @!p0 $0x88, s6;
	s7 =	simm.s32 @p2 $0x1082  }
0x22: {  	[simem:s7], [sflag:s8] =	dma.local @!p0 [hbm:s6], $0xF7A  }
0x23: {  	s9 =	sor.u32 $0xD0000000, s2;
	s6 =	simm.s32 $0x108;
	_ =	swait.ge @!p0 [sflag:s8], $0x0  }
0x24: {  	s3 =	sadd.s32 $0x88, s3;
	s6 =	simm.s32 @!p1 $0x1082;
	[sflag:s4] =	ssyncset.s32 $0xFFFFF086  }
0x25: {  	[simem:s6], [sflag:s4] =	dma.local [hbm:s3], $0xF7A  }
0x26: {  	[smem:$0x3F9F] =	sst s1;
	(tag) =	ssettag s2;
	_ =	strace s9  }
0x27: {  	s1 =	sld [smem:$0x3FAF]  }
0x28: {  	s2 =	sld [smem:$0x3FB0]  }
0x29: {  	s4 =	sld [smem:$0x3FB2]  }
0x2a: {  	p0 =	seq.s32 s5, $0x0;
	s5 =	sld [smem:$0x3FB3]  }
0x2b: {  	s6 =	sld [smem:$0x3FB4]  }
0x2c: {  	s7 =	sld [smem:$0x3FB5]  }
0x2d: {  	s3 =	simm.s32 $0x108;
	s8 =	sld [smem:$0x3FB6]  }
0x2e: {  	s3 =	simm.s32 @!p0 $0x1082;
	s9 =	sld [smem:$0x3FB7]  }
0x2f: {  	lr =	sadd.s32 s0, s3;
	s0 =	sld [smem:$0x3FAE]  }
0x30: {  	s3 =	sld [smem:$0x3FB1]  }
0x31: {  	[smem:$0x3FBA] =	sst s10  }
0x32: {  	s10 =	sld [smem:$0x3FB8];
	_ =	sdelay $0x3  }
0x33: {  	p0 =	seq.s32 s10, $0x1;
	s10 =	sld [smem:$0x3FBA];
	_ =	sdelay $0x3  }
0x34: {  	[smem:$0x3FBA] =	sst s10  }
0x35: {  	s10 =	sld [smem:$0x3FB9];
	_ =	sdelay $0x3  }
0x36: {  	p1 =	seq.s32 s10, $0x1;
	s10 =	sld [smem:$0x3FBA];
	_ =	sdelay $0x3  }
0x37: {  	[smem:$0x3FBA] =	sst s10  }
0x38: {  	s10 =	sld [smem:$0x3FBB]  }
0x39: {  	_ = 	snop;
	(pc) =	sbr.ind lr, $3  }
0x3a: {  	_ = 	snop  }
0x3b: {  	_ = 	snop  }
0x3c: {  	p2 =	seq.s32 s10, $0x1;
	s10 =	sld [smem:$0x3FBA]  }
0x3d: {  	_ =	shalt  }
0x3e: {  	_ =	shalt  }
0x3f: {  	_ =	shalt  }
0x40: {  	_ =	shalt  }
0x41: {  	_ =	shalt  }
0x42: {  	_ =	shalt  }
0x43: {  	_ =	shalt  }
0x44: {  	_ =	shalt  }
0x45: {  	_ =	shalt  }
0x46: {  	_ =	shalt  }
0x47: {  	_ =	shalt  }
0x48: {  	_ =	shalt  }
0x49: {  	_ =	shalt  }
0x4a: {  	_ =	shalt  }
0x4b: {  	_ =	shalt  }
0x4c: {  	_ =	shalt  }
0x4d: {  	_ =	shalt  }
0x4e: {  	_ =	shalt  }
0x4f: {  	_ =	shalt  }
0x50: {  	_ =	shalt  }
0x51: {  	_ =	shalt  }
0x52: {  	_ =	shalt  }
0x53: {  	_ =	shalt  }
0x54: {  	_ =	shalt  }
0x55: {  	_ =	shalt  }
0x56: {  	_ =	shalt  }
0x57: {  	_ =	shalt  }
0x58: {  	_ =	shalt  }
0x59: {  	_ =	shalt  }
0x5a: {  	_ =	shalt  }
0x5b: {  	_ =	shalt  }
0x5c: {  	_ =	shalt  }
0x5d: {  	_ =	shalt  }
0x5e: {  	_ =	shalt  }
0x5f: {  	_ =	shalt  }
0x60: {  	_ =	shalt  }
0x61: {  	_ =	shalt  }
0x62: {  	_ =	shalt  }
0x63: {  	_ =	shalt  }
0x64: {  	_ =	shalt  }
0x65: {  	_ =	shalt  }
0x66: {  	_ =	shalt  }
0x67: {  	_ =	shalt  }
0x68: {  	_ =	shalt  }
0x69: {  	_ =	shalt  }
0x6a: {  	_ =	shalt  }
0x6b: {  	_ =	shalt  }
0x6c: {  	_ =	shalt  }
0x6d: {  	_ =	shalt  }
0x6e: {  	_ =	shalt  }
0x6f: {  	_ =	shalt  }
0x70: {  	_ =	shalt  }
0x71: {  	_ =	shalt  }
0x72: {  	_ =	shalt  }
0x73: {  	_ =	shalt  }
0x74: {  	_ =	shalt  }
0x75: {  	_ =	shalt  }
0x76: {  	_ =	shalt  }
0x77: {  	_ =	shalt  }
0x78: {  	_ =	shalt  }
0x79: {  	_ =	shalt  }
0x7a: {  	_ =	shalt  }
0x7b: {  	_ =	shalt  }
0x7c: {  	_ =	shalt  }
0x7d: {  	_ =	shalt  }
0x7e: {  	_ =	shalt  }
0x7f: {  	_ =	shalt  }
0x80: {  	_ =	shalt  }
0x81: {  	_ =	shalt  }
0x82: {  	_ =	shalt  }
0x83: {  	_ =	shalt  }
0x84: {  	_ =	shalt  }
0x85: {  	_ =	shalt  }
0x86: {  	_ =	shalt  }
0x87: {  	_ =	shalt  }
.Lfunc_end0:
.L_simem_size_0:
called_computation_lowered:
.L_overlay_start_0:
0x88: {  	s2 =	sld [smem:$0x3FD9]  }
0x89: {  	s3 =	sld [smem:$0x3FFE];
	_ =	sdelay $0x1  }
0x8a: {  	s1 =	srdreg.scid  }
0x8b: {  	s0 =	sand.u32 $0x1, s1  }
0x8c: {  	s18 =	sshll.u32 s0, $0xA;
	s2 =	sadd.s32 s3, s2  }
0x8d: {  	s2 =	sadd.s32 s2, s18  }
0x8e: {  	[smem:$0x3FC6] =	sst s2  }
0x8f: {  	_ = 	snop  }
0x90: {  	s2 =	sld [smem:$0x3FC9]  }
0x91: {  	s19 =	sld [smem:$0x3FC8]  }
0x92: {  	s4 =	sld [smem:$0x3FD0];
	(tm) =	ssettm $0x1  }
0x93: {  	s5 =	sld [smem:$0x3FFB];
	_ =	sdelay $0x3  }
0x94: {  	_ =	strace s5  }
0x95: {  	s5 =	sld [smem:$0x3FFC];
	_ =	sdelay $0x3  }
0x96: {  	_ =	strace s5  }
0x97: {  	s5 =	sld [smem:$0x3FFD];
	_ =	sdelay $0x3  }
0x98: {  	_ =	strace s5  }
0x99: {  	_ =	strace $0x8FFFFFFF  }
0x9a: {  	s20 =	sld [smem:$0x3FDB];
	_ =	sdelay $0x1  }
0x9b: {  	s6 =	simm.s32 $_scs_section_size  }
0x9c: {  	s7 =	simm.s32 $_size__tile_overlayer_lowered;
	s8 =	simm.s32 $_tile_overlayer_lowered  }
0x9d: {  	s23 =	simm.s32 $0x1BFF;
	s22 =	sshll.u32 s8, $0x1;
	s5 =	sadd.s32 s6, s20  }
0x9e: {  	s9 =	simm.s32 $0x0;
	s21 =	sshll.u32 s7, $0x1;
	s7 =	sadd.s32 s22, s5  }
0x9f: {  	[timem:s9], [sflag:s23] =	dma.local [hbm:s7], s21  }
0xa0: {  	_ =	swait.ge [sflag:s23], s21  }
0xa1: {  	s6 =	ssub.s32 $0x0, s21;
	[sflag:s23] =	ssyncset.done $0x0  }
0xa2: {  	[sflag:s23] =	ssyncadd.s32 s6;
	_ =	sdelay $0x1  }
0xa3: {  	s24 =	simm.s32 $0x1B8B  }
0xa4: {  	_ =	swait.ge [sflag:s24], $0x1  }
0xa5: {  	[sflag:s24] =	ssyncset.done $0x0  }
0xa6: {  	s25 =	simm.s32 $0x1B8E;
	[sflag:s24] =	ssyncadd.s32 $0xFFFFFFFF  }
0xa7: {  	s26 =	simm.s32 $execute0_lowered;
	[smem:$0x3FD2] =	sst s25  }
0xa8: {  	s6 =	sshll.u32 s26, $0x1;
	_ =	strace $0x80000046;
	[dreg:$0x1] =	wrdreg $0xFFFFFFFF  }
0xa9: {  	s28 =	simm.s32 $_size_execute0_lowered;
	s5 =	sadd.s32 s5, s6;
	[dreg:$0x0] =	wrdreg $0x0  }
0xaa: {  	s6 =	sshll.u32 s28, $0x1;
	[dreg:$0x2] =	wrdreg s5  }
0xab: {  	[dreg:$0x3] =	wrdreg s6  }
0xac: {  	[dreg:$0x4] =	wrdreg $0xC0  }
0xad: {  	_ =	task [dreg:s9], $0x5FFFF  }
0xae: {  	[dreg:$0x1] =	wrdreg $0xFFFFFFFF  }
0xaf: {  	[dreg:$0x0] =	wrdreg $0x60  }
0xb0: {  	[dreg:$0x2] =	wrdreg s2  }
0xb1: {  	[dreg:$0x3] =	wrdreg s19  }
0xb2: {  	[dreg:$0x4] =	wrdreg s4  }
0xb3: {  	[dreg:$0x5] =	wrdreg $0x9  }
0xb4: {  	_ =	task.clear_ibuf [dreg:s9], $0x6FFFF;
	_ =	strace $0x90000046  }
0xb5: {  	s29 =	simm.s32 $0x9;
	_ =	strace $0x80000048  }
0xb6: {  	_ =	swait.ge [sflag:s29], $0x1  }
0xb7: {  	[sflag:s29] =	ssyncadd.s32 $0xFFFFFFFF  }
0xb8: {  	_ =	strace $0x90000048  }
0xb9: {  	_ =	sfence  }
0xba: {  	s30 =	sld [smem:$0x0];
	_ =	sdelay $0x2  }
0xbb: {  	s31 =	sshll.u32 s1, $0xD;
	s1 =	sshrl.u32 s1, $0x2  }
0xbc: {  	s3 =	sand.u32 $0x4000, s31;
	s1 =	sadd.s32 s1, s30  }
0xbd: {  	s0 =	sor.u32 s3, s0;
	s1 =	sshll.u32 s1, $0x11  }
0xbe: {  	s0 =	sor.u32 s1, s0  }
0xbf: {  	s0 =	sadd.s32 $0x8F2B, s0  }
0xc0: {  	[sflag:s0] =	ssyncadd.remote.s32 $0x1  }
0xc1: {  	_ =	sfence.sel $0xFFFF  }
0xc2: {  	[dreg:$0x0] =	wrdreg $0xFFFFFFFF;
	(pc) =	sbr.abs _section_cstart, $3  }
0xc3: {  	[dreg:$0x1] =	wrdreg $0xFFFFFFFF  }
0xc4: {  	_ =	task.clear_ibuf [dreg:s9], $0x2FFFF;
	_ =	strace $0x9FFFFFFF  }
0xc5: {  	(tm) =	ssettm $0x7FFFFFFF  }
tec
execute0_lowered:
.L_overlay_start_1:
0x0: {  	(tag) =	ssettag $0x1  }
0x1: {  	s0 =	rddreg [dreg:$0x0]  }
0x2: {  	s1 =	rddreg [dreg:$0x2];
	s3 =	simm.s32 $0x0;
	s2 =	srdreg.scid  }
0x3: {  	s5 =	stileid.u32;
	s14 =	simm.s32 $0x3;
	s15 =	simm.s32 $0x8000  }
0x4: {  	s16 =	simm.s32 $0x1;
	s17 =	simm.s32 $0x10080;
	s18 =	simm.s32 $0x10280  }
0x5: {  	s19 =	simm.s32 $0x10480;
	s20 =	simm.s32 $0x2;
	s21 =	simm.s32 $0x80  }
0x6: {  	s22 =	simm.s32 $0x400;
	[smem:$0x7FF] =	sst s3;
	s2 =	sand.u32 $0x1, s2  }
0x7: {  	s4 =	sshll.u32 s5, $0x1;
	s5 =	sshrl.u32 s5, $0x2;
	_ =	strace $0x80000047  }
0x8: {  	s4 =	sor.u32 s2, s4;
	s2 =	ssub.s32 $0x2, s2;
	s5 =	smul.u32 $0x3400, s5  }
0x9: {  	s6 =	sshll.u32 s4, $0x7;
	s7 =	sshrl.u32 s2, $0x1;
	s4 =	sshll.u32 s4, $0x10  }
0xa: {  	s6 =	sand.u32 $0x380, s6;
	s2 =	ssub.s32 s2, s7;
	s4 =	sadd.s32 s0, s4  }
0xb: {  	s25 =	sor.u32 s5, s6;
	s26 =	sadd.s32 $0x1000, s4;
	s31 =	smax.u32 s2, $0x1  }
0xc: {  	[dreg:$0x4] =	wrdreg s26;
	s28 =	sshrl.u32 s25, $0x3;
	s29 =	sadd.s32 $0x1000, s25  }
0xd: {  	s8 =	sadd.s32 $0x2000, s25;
	s0 =	sadd.s32 $0x3000, s25;
	[dreg:$0x9] =	wrdreg s31  }
.Ltmp0:
0xe: {  	s5 =	sadd.s32 s1, s28;
	s0 =	sshrl.u32 s0, $0x3;
	(pc) =	sbr.rel .LBB2_1-.Ltmp0, $4  }
0xf: {  	[dreg:$0x5] =	wrdreg s5;
	s5 =	sshrl.u32 s29, $0x3;
	s0 =	sadd.s32 s1, s0  }
0x10: {  	s30 =	sshrl.u32 s8, $0x3;
	s5 =	sadd.s32 s1, s5;
	[dreg:$0x8] =	wrdreg s0  }
0x11: {  	s24 =	simm.s32 $0x0;
	[dreg:$0x6] =	wrdreg s5;
	s5 =	sadd.s32 s1, s30  }
0x12: {  	v0 =	vimm.f32 $1.000000000e+00;
	v1 =	vimm.f32 $0.0e+00;
	s6 =	sadd.s32 $0x2000, s4;
	s7 =	sadd.s32 $0x3000, s4;
	[dreg:$0x7] =	wrdreg s5  }
.LBB2_8:
0x13: {  	v2 =	vadd.f32 v14, v13;
	v3 =	vadd.f32 v25, v24  }
0x14: {  	v4 =	vadd.f32 v17, v27;
	v5 =	vadd.f32 v26, v15  }
0x15: {  	v2 =	vadd.f32 v3, v2  }
0x16: {  	v3 =	vadd.f32 v5, v4  }
0x17: {  	[tilespmem:$0x10680] =	vst v2  }
0x18: {  	s0 =	rddreg [dreg:$0x5];
	[tilespmem:$0x10690] =	vst v3  }
0x19: {  	[hbm4b:s0+s21] =	stream.strided.scatter [tilespmem:s17], [sflag:$0x3], $0x200, s22, s21, $0x38;
	[tilespmem:$0x10700] =	vst v63  }
0x1a: {  	_ =	swait.ge [sflag:s14], $0x200  }
0x1b: {  	[sflag:s14] =	ssyncset.done $0x0  }
0x1c: {  	s28 =	rddreg [dreg:$0x6];
	[sflag:s14] =	ssyncadd.s32 $0xFFFFFE00  }
0x1d: {  	[hbm4b:s28+s21] =	stream.strided.scatter [tilespmem:s18], [sflag:$0x3], $0x200, s22, s21, $0x38;
	[tilespmem:$0x10700] =	vst v63  }
0x1e: {  	_ =	swait.ge [sflag:s14], $0x200  }
0x1f: {  	[sflag:s14] =	ssyncset.done $0x0  }
0x20: {  	s29 =	rddreg [dreg:$0x7];
	[sflag:s14] =	ssyncadd.s32 $0xFFFFFE00  }
0x21: {  	[hbm4b:s29+s21] =	stream.strided.scatter [tilespmem:s19], [sflag:$0x3], $0x200, s22, s21, $0x38;
	[tilespmem:$0x10700] =	vst v63  }
0x22: {  	_ =	swait.ge [sflag:s14], $0x200  }
0x23: {  	[sflag:s14] =	ssyncset.done $0x0  }
0x24: {  	s1 =	simm.s32 $0x10680;
	s30 =	rddreg [dreg:$0x8];
	[sflag:s14] =	ssyncadd.s32 $0xFFFFFE00  }
0x25: {  	[hbm4b:s30+s3] =	stream.linear.scatter [tilespmem:s1], [sflag:$0x3], $0x80, $0x38;
	[tilespmem:$0x10700] =	vst v63  }
0x26: {  	_ =	swait.ge [sflag:s14], $0x80  }
0x27: {  	s24 =	sadd.s32 $0x1, s24;
	s31 =	rddreg [dreg:$0x9]  }
0x28: {  	p0 =	sne.s32 s24, s31  }
.Ltmp1:
0x29: {  	_ = 	snop;
	(pc) =	sbr.rel @!p0 .LBB2_9-.Ltmp1, $3  }
0x2a: {  	_ =	sdelay $0x1  }
0x2b: {  	[sflag:s14] =	ssyncset.done $0x0  }
0x2c: {  	[sflag:s14] =	ssyncadd.s32 $0xFFFFFF80  }
.LBB2_1:
0x2d: {  	s0 =	rddreg [dreg:$0x1];
	s1 =	simm.s32 $0x10000  }
0x2e: {  	[tilespmem:s1], [sflag:$0x3] =	stream.linear.gather [hbm4b:s0+s3], $0x80, $0x38;
	[tilespmem:$0x10700] =	vst v63  }
0x2f: {  	_ =	swait.ge [sflag:s14], $0x80  }
0x30: {  	[sflag:s14] =	ssyncset.done $0x0  }
0x31: {  	[sflag:s14] =	ssyncadd.s32 $0xFFFFFF80  }
0x32: {  	[tilespmem:$0x10080] =	vst v1  }
0x33: {  	[tilespmem:$0x10280] =	vst v1  }
0x34: {  	[tilespmem:$0x10480] =	vst v1  }
0x35: {  	[tilespmem:$0x10090] =	vst v1  }
0x36: {  	[tilespmem:$0x10290] =	vst v1  }
0x37: {  	[tilespmem:$0x10490] =	vst v1  }
0x38: {  	[tilespmem:$0x100A0] =	vst v1  }
0x39: {  	[tilespmem:$0x102A0] =	vst v1  }
0x3a: {  	[tilespmem:$0x104A0] =	vst v1  }
0x3b: {  	[tilespmem:$0x100B0] =	vst v1  }
0x3c: {  	[tilespmem:$0x102B0] =	vst v1  }
0x3d: {  	[tilespmem:$0x104B0] =	vst v1  }
0x3e: {  	[tilespmem:$0x100C0] =	vst v1  }
0x3f: {  	[tilespmem:$0x102C0] =	vst v1  }
0x40: {  	[tilespmem:$0x104C0] =	vst v1  }
0x41: {  	[tilespmem:$0x100D0] =	vst v1  }
0x42: {  	[tilespmem:$0x102D0] =	vst v1  }
0x43: {  	[tilespmem:$0x104D0] =	vst v1  }
0x44: {  	[tilespmem:$0x100E0] =	vst v1  }
0x45: {  	[tilespmem:$0x102E0] =	vst v1  }
0x46: {  	[tilespmem:$0x104E0] =	vst v1  }
0x47: {  	[tilespmem:$0x100F0] =	vst v1  }
0x48: {  	[tilespmem:$0x102F0] =	vst v1  }
0x49: {  	[tilespmem:$0x104F0] =	vst v1  }
0x4a: {  	[tilespmem:$0x10100] =	vst v1  }
0x4b: {  	[tilespmem:$0x10300] =	vst v1  }
0x4c: {  	[tilespmem:$0x10500] =	vst v1  }
0x4d: {  	[tilespmem:$0x10110] =	vst v1  }
0x4e: {  	[tilespmem:$0x10310] =	vst v1  }
0x4f: {  	[tilespmem:$0x10510] =	vst v1  }
0x50: {  	[tilespmem:$0x10120] =	vst v1  }
0x51: {  	[tilespmem:$0x10320] =	vst v1  }
0x52: {  	[tilespmem:$0x10520] =	vst v1  }
0x53: {  	[tilespmem:$0x10130] =	vst v1  }
0x54: {  	[tilespmem:$0x10330] =	vst v1  }
0x55: {  	[tilespmem:$0x10530] =	vst v1  }
0x56: {  	[tilespmem:$0x10140] =	vst v1  }
0x57: {  	[tilespmem:$0x10340] =	vst v1  }
0x58: {  	[tilespmem:$0x10540] =	vst v1  }
0x59: {  	[tilespmem:$0x10150] =	vst v1  }
0x5a: {  	[tilespmem:$0x10350] =	vst v1  }
0x5b: {  	[tilespmem:$0x10550] =	vst v1  }
0x5c: {  	[tilespmem:$0x10160] =	vst v1  }
0x5d: {  	[tilespmem:$0x10360] =	vst v1  }
0x5e: {  	[tilespmem:$0x10560] =	vst v1  }
0x5f: {  	[tilespmem:$0x10170] =	vst v1  }
0x60: {  	[tilespmem:$0x10370] =	vst v1  }
0x61: {  	[tilespmem:$0x10570] =	vst v1  }
0x62: {  	[tilespmem:$0x10180] =	vst v1  }
0x63: {  	[tilespmem:$0x10380] =	vst v1  }
0x64: {  	[tilespmem:$0x10580] =	vst v1  }
0x65: {  	[tilespmem:$0x10190] =	vst v1  }
0x66: {  	[tilespmem:$0x10390] =	vst v1  }
0x67: {  	[tilespmem:$0x10590] =	vst v1  }
0x68: {  	[tilespmem:$0x101A0] =	vst v1  }
0x69: {  	[tilespmem:$0x103A0] =	vst v1  }
0x6a: {  	[tilespmem:$0x105A0] =	vst v1  }
0x6b: {  	[tilespmem:$0x101B0] =	vst v1  }
0x6c: {  	[tilespmem:$0x103B0] =	vst v1  }
0x6d: {  	[tilespmem:$0x105B0] =	vst v1  }
0x6e: {  	[tilespmem:$0x101C0] =	vst v1  }
0x6f: {  	[tilespmem:$0x103C0] =	vst v1  }
0x70: {  	[tilespmem:$0x105C0] =	vst v1  }
0x71: {  	[tilespmem:$0x101D0] =	vst v1  }
0x72: {  	[tilespmem:$0x103D0] =	vst v1  }
0x73: {  	[tilespmem:$0x105D0] =	vst v1  }
0x74: {  	[tilespmem:$0x101E0] =	vst v1  }
0x75: {  	[tilespmem:$0x103E0] =	vst v1  }
0x76: {  	[tilespmem:$0x105E0] =	vst v1  }
0x77: {  	[tilespmem:$0x101F0] =	vst v1  }
0x78: {  	[tilespmem:$0x103F0] =	vst v1  }
0x79: {  	[tilespmem:$0x105F0] =	vst v1  }
0x7a: {  	[tilespmem:$0x10200] =	vst v1  }
0x7b: {  	[tilespmem:$0x10400] =	vst v1  }
0x7c: {  	[tilespmem:$0x10600] =	vst v1  }
0x7d: {  	[tilespmem:$0x10210] =	vst v1  }
0x7e: {  	[tilespmem:$0x10410] =	vst v1  }
0x7f: {  	[tilespmem:$0x10610] =	vst v1  }
0x80: {  	[tilespmem:$0x10220] =	vst v1  }
0x81: {  	[tilespmem:$0x10420] =	vst v1  }
0x82: {  	[tilespmem:$0x10620] =	vst v1  }
0x83: {  	[tilespmem:$0x10230] =	vst v1  }
0x84: {  	[tilespmem:$0x10430] =	vst v1  }
0x85: {  	[tilespmem:$0x10630] =	vst v1  }
0x86: {  	[tilespmem:$0x10240] =	vst v1  }
0x87: {  	[tilespmem:$0x10440] =	vst v1  }
0x88: {  	[tilespmem:$0x10640] =	vst v1  }
0x89: {  	[tilespmem:$0x10250] =	vst v1  }
0x8a: {  	[tilespmem:$0x10450] =	vst v1  }
0x8b: {  	[tilespmem:$0x10650] =	vst v1  }
0x8c: {  	v11 =	vld [tilespmem:$0x10030];
	[tilespmem:$0x10260] =	vst v1  }
0x8d: {  	[tilespmem:$0x10460] =	vst v1  }
0x8e: {  	[tilespmem:$0x10660] =	vst v1  }
0x8f: {  	v26 =	vimm.f32 $0.0e+00;
	[tilespmem:$0x10270] =	vst v1  }
0x90: {  	v15 =	vimm.f32 $0.0e+00;
	v17 =	vimm.f32 $0.0e+00;
	v27 =	vimm.f32 $0.0e+00;
	[tilespmem:$0x10470] =	vst v1  }
0x91: {  	v25 =	vimm.f32 $0.0e+00;
	[tilespmem:$0x10670] =	vst v1;
	v4 =	vld [tilespmem:$0x10020];
	v3 =	vadd.f32 $0.0e+00, v11;
	v5 =	vadd.f32 $6.400000000e+01, v11  }
0x92: {  	v24 =	vimm.f32 $0.0e+00;
	v2 =	vld [tilespmem:$0x10000];
	[tilespmem:s3], [sflag:$0x1] =	stream.linear.gather [hbm4b:s4+s3], $0x8000, $0x38;
	v6 =	vadd.f32 $1.280000000e+02, v11;
	v7 =	vadd.f32 $1.920000000e+02, v11  }
0x93: {  	v14 =	vimm.f32 $0.0e+00;
	s25 =	simm.s32 $0x0;
	s31 =	rddreg [dreg:$0x4];
	v8 =	vadd.f32 $2.560000000e+02, v11;
	v9 =	vadd.f32 $3.200000000e+02, v11  }
0x94: {  	v13 =	vimm.f32 $0.0e+00;
	[tilespmem:s15], [sflag:$0x2] =	stream.linear.gather [hbm4b:s31+s3], $0x8000, $0x38;
	v10 =	vadd.f32 $3.840000000e+02, v11;
	v11 =	vadd.f32 $4.480000000e+02, v11;
	[tilespmem:$0x10700] =	vst v63  }
.LBB2_2:
0x95: {  	_ =	swait.ge [sflag:s16], $0x8000;
	s8 =	simm.s32 $0x0  }
0x96: {  	[sflag:s16] =	ssyncset.done $0x0;
	s0 =	sand.u32 $0x70, s8;
	s1 =	sand.u32 $0x7C00, s8  }
0x97: {  	[sflag:s16] =	ssyncadd.s32 $0xFFFF8000;
	s29 =	sor.u32 s0, s1  }
0x98: {  	v18 =	vld [tilespmem:s29+$0x0];
	_ =	sdelay $0x4  }
0x99: {  	v12 =	vmul.f32 v18, v2;
	_ =	sdelay $0x1  }
0x9a: {  	v16 =	vmin.f32 v12, $1.600000000e+01  }
0x9b: {  	v16 =	vmax.f32 v16, $-3.200000000e+01  }
0x9c: {  	v16 =	vadd.f32 $2.013265920e+08, v16;
	_ =	sdelay $0x1  }
0x9d: {  	v16 =	vadd.f32 $-2.013265920e+08, v16;
	_ =	sdelay $0x1  }
0x9e: {  	v19 =	vadd.f32 v16, v3;
	_ =	sdelay $0x1  }
0x9f: {  	v19 =	vtrunc.f32 v19  }
0xa0: {  	v19 =	vcvt.f32.s32 v19;
	_ =	sdelay $0x5  }
0xa1: {  	v20 =	vmul.f32 v18, v18;
	[tilespmem:v19+s17+$0x0] =	vst.idx.add.f32.msk $0xffff, v0  }
0xa2: {  	[tilespmem:v19+s18+$0x0] =	vst.idx.add.f32.msk $0xffff, v18  }
0xa3: {  	[tilespmem:v19+s19+$0x0] =	vst.idx.add.f32.msk $0xffff, v20  }
0xa4: {  	v18 =	vld [tilespmem:s29+$0x80];
	_ =	sdelay $0x4  }
0xa5: {  	v22 =	vmul.f32 v18, v2;
	_ =	sdelay $0x1  }
0xa6: {  	v19 =	vmin.f32 v22, $1.600000000e+01  }
0xa7: {  	v19 =	vmax.f32 v19, $-3.200000000e+01  }
0xa8: {  	v19 =	vadd.f32 $2.013265920e+08, v19;
	_ =	sdelay $0x1  }
0xa9: {  	s2 =	simm.s32 $0x10;
	s26 =	simm.s32 $0x80;
	v23 =	vadd.f32 $-2.013265920e+08, v19  }
0xaa: {  	s5 =	sand.u32 $0x7C00, s26;
	s0 =	sand.u32 $0x70, s2  }
0xab: {  	s5 =	sor.u32 s0, s5;
	v19 =	vadd.f32 v23, v5  }
0xac: {  	v20 =	vld [tilespmem:s5+$0x0]  }
0xad: {  	v19 =	vtrunc.f32 v19  }
0xae: {  	v21 =	vcvt.f32.s32 v19;
	_ =	sdelay $0x2  }
0xaf: {  	v19 =	vmul.f32 v20, v2;
	_ =	sdelay $0x1  }
0xb0: {  	v28 =	vmin.f32 v19, $1.600000000e+01  }
0xb1: {  	v29 =	vmul.f32 v18, v18;
	v28 =	vmax.f32 v28, $-3.200000000e+01;
	[tilespmem:v21+s17+$0x0] =	vst.idx.add.f32.msk $0xffff, v0  }
0xb2: {  	v28 =	vadd.f32 $2.013265920e+08, v28;
	[tilespmem:v21+s18+$0x0] =	vst.idx.add.f32.msk $0xffff, v18  }
0xb3: {  	[tilespmem:v21+s19+$0x0] =	vst.idx.add.f32.msk $0xffff, v29  }
0xb4: {  	v21 =	vadd.f32 $-2.013265920e+08, v28;
	v18 =	vld [tilespmem:s29+$0x100];
	_ =	sdelay $0x1  }
0xb5: {  	v28 =	vadd.f32 v21, v3;
	_ =	sdelay $0x1  }
0xb6: {  	v28 =	vtrunc.f32 v28  }
0xb7: {  	v28 =	vcvt.f32.s32 v28;
	v29 =	vmul.f32 v18, v2;
	_ =	sdelay $0x1  }
0xb8: {  	v30 =	vmin.f32 v29, $1.600000000e+01  }
0xb9: {  	v30 =	vmax.f32 v30, $-3.200000000e+01  }
0xba: {  	v30 =	vadd.f32 $2.013265920e+08, v30;
	_ =	sdelay $0x1  }
0xbb: {  	v31 =	vmul.f32 v20, v20;
	[tilespmem:v28+s17+$0x0] =	vst.idx.add.f32.msk $0xffff, v0;
	v32 =	vadd.f32 $-2.013265920e+08, v30  }
0xbc: {  	[tilespmem:v28+s18+$0x0] =	vst.idx.add.f32.msk $0xffff, v20  }
0xbd: {  	[tilespmem:v28+s19+$0x0] =	vst.idx.add.f32.msk $0xffff, v31;
	v20 =	vadd.f32 v32, v6  }
0xbe: {  	v31 =	vld [tilespmem:s5+$0x80]  }
0xbf: {  	v20 =	vtrunc.f32 v20  }
0xc0: {  	v20 =	vcvt.f32.s32 v20;
	_ =	sdelay $0x1  }
0xc1: {  	s9 =	simm.s32 $0x20;
	s0 =	simm.s32 $0x100  }
0xc2: {  	s1 =	sand.u32 $0x70, s9;
	s2 =	sand.u32 $0x7C00, s0;
	v28 =	vmul.f32 v31, v2  }
0xc3: {  	s13 =	sor.u32 s1, s2  }
0xc4: {  	v33 =	vld [tilespmem:s13+$0x0];
	v30 =	vmin.f32 v28, $1.600000000e+01  }
0xc5: {  	v34 =	vmul.f32 v18, v18;
	v30 =	vmax.f32 v30, $-3.200000000e+01;
	[tilespmem:v20+s17+$0x0] =	vst.idx.add.f32.msk $0xffff, v0  }
0xc6: {  	v30 =	vadd.f32 $2.013265920e+08, v30;
	[tilespmem:v20+s18+$0x0] =	vst.idx.add.f32.msk $0xffff, v18  }
0xc7: {  	[tilespmem:v20+s19+$0x0] =	vst.idx.add.f32.msk $0xffff, v34  }
0xc8: {  	v30 =	vadd.f32 $-2.013265920e+08, v30;
	v18 =	vld [tilespmem:s29+$0x180];
	_ =	sdelay $0x1  }
0xc9: {  	v20 =	vadd.f32 v30, v5  }
0xca: {  	v34 =	vmul.f32 v33, v2  }
0xcb: {  	v20 =	vtrunc.f32 v20  }
0xcc: {  	v35 =	vmin.f32 v34, $1.600000000e+01;
	v20 =	vcvt.f32.s32 v20;
	v36 =	vmul.f32 v18, v2  }
0xcd: {  	v35 =	vmax.f32 v35, $-3.200000000e+01  }
0xce: {  	v35 =	vadd.f32 $2.013265920e+08, v35;
	v37 =	vmin.f32 v36, $1.600000000e+01  }
0xcf: {  	v37 =	vmax.f32 v37, $-3.200000000e+01  }
0xd0: {  	v35 =	vadd.f32 $-2.013265920e+08, v35;
	v37 =	vadd.f32 $2.013265920e+08, v37;
	_ =	sdelay $0x1  }
0xd1: {  	v39 =	vmul.f32 v31, v31;
	v38 =	vadd.f32 v35, v3;
	[tilespmem:v20+s17+$0x0] =	vst.idx.add.f32.msk $0xffff, v0;
	v37 =	vadd.f32 $-2.013265920e+08, v37  }
0xd2: {  	[tilespmem:v20+s18+$0x0] =	vst.idx.add.f32.msk $0xffff, v31  }
0xd3: {  	v31 =	vtrunc.f32 v38;
	[tilespmem:v20+s19+$0x0] =	vst.idx.add.f32.msk $0xffff, v39;
	v58 =	vadd.f32 v37, v7  }
0xd4: {  	v20 =	vcvt.f32.s32 v31;
	v31 =	vld [tilespmem:s5+$0x100]  }
0xd5: {  	v38 =	vtrunc.f32 v58  }
0xd6: {  	v38 =	vcvt.f32.s32 v38;
	_ =	sdelay $0x1  }
0xd7: {  	s10 =	simm.s32 $0x30;
	s1 =	simm.s32 $0x180  }
0xd8: {  	s2 =	sand.u32 $0x70, s10;
	s9 =	sand.u32 $0x7C00, s1;
	v39 =	vmul.f32 v31, v2  }
0xd9: {  	s28 =	sor.u32 s2, s9  }
0xda: {  	v40 =	vld [tilespmem:s28+$0x0];
	v41 =	vmin.f32 v39, $1.600000000e+01  }
0xdb: {  	v42 =	vmul.f32 v18, v18;
	v41 =	vmax.f32 v41, $-3.200000000e+01;
	[tilespmem:v38+s17+$0x0] =	vst.idx.add.f32.msk $0xffff, v0  }
0xdc: {  	[tilespmem:v38+s18+$0x0] =	vst.idx.add.f32.msk $0xffff, v18;
	v18 =	vadd.f32 $2.013265920e+08, v41  }
0xdd: {  	[tilespmem:v38+s19+$0x0] =	vst.idx.add.f32.msk $0xffff, v42  }
0xde: {  	v60 =	vld [tilespmem:s29+$0x200];
	v42 =	vadd.f32 $-2.013265920e+08, v18  }
0xdf: {  	v59 =	vmul.f32 v33, v33;
	v43 =	vmul.f32 v40, v2;
	[tilespmem:v20+s17+$0x0] =	vst.idx.add.f32.msk $0xffff, v0  }
0xe0: {  	[tilespmem:v20+s18+$0x0] =	vst.idx.add.f32.msk $0xffff, v33;
	v18 =	vadd.f32 v42, v6  }
0xe1: {  	[tilespmem:v20+s19+$0x0] =	vst.idx.add.f32.msk $0xffff, v59;
	v20 =	vmin.f32 v43, $1.600000000e+01  }
0xe2: {  	v33 =	vld [tilespmem:s13+$0x80];
	v20 =	vmax.f32 v20, $-3.200000000e+01;
	v18 =	vtrunc.f32 v18  }
0xe3: {  	v20 =	vadd.f32 $2.013265920e+08, v20;
	v61 =	vcvt.f32.s32 v18;
	v44 =	vmul.f32 v60, v2;
	_ =	sdelay $0x1  }
0xe4: {  	v45 =	vadd.f32 $-2.013265920e+08, v20;
	v20 =	vmin.f32 v44, $1.600000000e+01  }
0xe5: {  	v20 =	vmax.f32 v20, $-3.200000000e+01  }
0xe6: {  	v18 =	vmul.f32 v33, v2;
	v20 =	vadd.f32 $2.013265920e+08, v20  }
0xe7: {  	v46 =	vadd.f32 v45, v3  }
0xe8: {  	v48 =	vmul.f32 v31, v31;
	v47 =	vmin.f32 v18, $1.600000000e+01;
	[tilespmem:v61+s17+$0x0] =	vst.idx.add.f32.msk $0xffff, v0;
	v49 =	vadd.f32 $-2.013265920e+08, v20  }
0xe9: {  	v46 =	vtrunc.f32 v46;
	v20 =	vmax.f32 v47, $-3.200000000e+01;
	[tilespmem:v61+s18+$0x0] =	vst.idx.add.f32.msk $0xffff, v31  }
0xea: {  	v46 =	vcvt.f32.s32 v46;
	v20 =	vadd.f32 $2.013265920e+08, v20;
	[tilespmem:v61+s19+$0x0] =	vst.idx.add.f32.msk $0xffff, v48;
	v31 =	vadd.f32 v49, v8  }
0xeb: {  	v38 =	vld [tilespmem:s5+$0x180]  }
0xec: {  	s11 =	simm.s32 $0x40;
	s2 =	simm.s32 $0x200;
	v20 =	vadd.f32 $-2.013265920e+08, v20;
	v31 =	vtrunc.f32 v31  }
0xed: {  	s9 =	sand.u32 $0x70, s11;
	s10 =	sand.u32 $0x7C00, s2;
	v31 =	vcvt.f32.s32 v31  }
0xee: {  	s23 =	sor.u32 s9, s10;
	v62 =	vadd.f32 v20, v5  }
0xef: {  	v51 =	vld [tilespmem:s23+$0x0];
	v63 =	vmul.f32 v40, v40  }
0xf0: {  	[tilespmem:v46+s17+$0x0] =	vst.idx.add.f32.msk $0xffff, v0;
	v47 =	vtrunc.f32 v62;
	v50 =	vmul.f32 v38, v2  }
0xf1: {  	[tilespmem:v46+s18+$0x0] =	vst.idx.add.f32.msk $0xffff, v40;
	v54 =	vcvt.f32.s32 v47  }
0xf2: {  	[tilespmem:v46+s19+$0x0] =	vst.idx.add.f32.msk $0xffff, v63;
	v55 =	vmin.f32 v50, $1.600000000e+01  }
0xf3: {  	v56 =	vmul.f32 v60, v60;
	v46 =	vmax.f32 v55, $-3.200000000e+01;
	[tilespmem:v31+s17+$0x0] =	vst.idx.add.f32.msk $0xffff, v0  }
0xf4: {  	v46 =	vadd.f32 $2.013265920e+08, v46;
	[tilespmem:v31+s18+$0x0] =	vst.idx.add.f32.msk $0xffff, v60  }
0xf5: {  	[tilespmem:v31+s19+$0x0] =	vst.idx.add.f32.msk $0xffff, v56  }
0xf6: {  	v31 =	vmul.f32 v51, v2;
	v41 =	vadd.f32 $-2.013265920e+08, v46;
	v46 =	vld [tilespmem:s29+$0x280]  }
0xf7: {  	v57 =	vmul.f32 v33, v33;
	[tilespmem:v54+s17+$0x0] =	vst.idx.add.f32.msk $0xffff, v0  }
0xf8: {  	v23 =	vsub.f32 v22, v23;
	v58 =	vmin.f32 v31, $1.600000000e+01;
	[tilespmem:v54+s18+$0x0] =	vst.idx.add.f32.msk $0xffff, v33  }
0xf9: {  	v16 =	vsub.f32 v12, v16;
	v59 =	vadd.f32 v41, v7;
	v60 =	vmax.f32 v58, $-3.200000000e+01;
	[tilespmem:v54+s19+$0x0] =	vst.idx.add.f32.msk $0xffff, v57  }
0xfa: {  	v23 =	vand.u32 $0x7FFFFFFF, v23;
	v28 =	vsub.f32 v28, v30;
	v33 =	vadd.f32 $2.013265920e+08, v60;
	v48 =	vld [tilespmem:s13+$0x100]  }
0xfb: {  	v29 =	vsub.f32 v29, v32;
	v12 =	vtrunc.f32 v59;
	v52 =	vmul.f32 v46, v2  }
0xfc: {  	v28 =	vand.u32 $0x7FFFFFFF, v28;
	v32 =	vcvt.f32.s32 v12;
	v53 =	vadd.f32 $-2.013265920e+08, v33  }
0xfd: {  	v34 =	vsub.f32 v34, v35;
	v54 =	vsub.f32 v19, v21;
	v19 =	vmin.f32 v52, $1.600000000e+01  }
0xfe: {  	v35 =	vand.u32 $0x7FFFFFFF, v16;
	v21 =	vadd.f32 v53, v3;
	v16 =	vmax.f32 v19, $-3.200000000e+01  }
0xff: {  	v33 =	vsub.f32 v36, v37;
	v36 =	vmul.f32 v48, v2;
	v19 =	vadd.f32 $2.013265920e+08, v16  }
0x100: {  	v47 =	vand.u32 $0x7FFFFFFF, v29;
	v12 =	vsub.f32 v43, v45;
	v21 =	vtrunc.f32 v21  }
0x101: {  	v29 =	vld [tilespmem:s28+$0x80];
	v62 =	vcvt.f32.s32 v21;
	v45 =	vmin.f32 v36, $1.600000000e+01;
	v43 =	vadd.f32 $-2.013265920e+08, v19  }
0x102: {  	v13 =	vadd.f32 v35, v13;
	v63 =	vmul.f32 v38, v38;
	[tilespmem:v32+s17+$0x0] =	vst.idx.add.f32.msk $0xffff, v0;
	v55 =	vmax.f32 v45, $-3.200000000e+01  }
0x103: {  	vm0 =	vlt.f32 v47, v4;
	[tilespmem:v32+s18+$0x0] =	vst.idx.add.f32.msk $0xffff, v38;
	v37 =	vadd.f32 $2.013265920e+08, v55;
	v56 =	vadd.f32 v43, v9  }
0x104: {  	v61 =	vsub.f32 v39, v42;
	vm2 =	vmmov vm0;
	vm0 =	vlt.f32 v35, v4;
	[tilespmem:v32+s19+$0x0] =	vst.idx.add.f32.msk $0xffff, v63  }
0x105: {  	v58 =	vmul.f32 v51, v51;
	v42 =	vld [tilespmem:s5+$0x200];
	v37 =	vadd.f32 $-2.013265920e+08, v37;
	v32 =	vtrunc.f32 v56  }
0x106: {  	v57 =	vsub.f32 v44, v49;
	v16 =	vmul.f32 v29, v2;
	v32 =	vcvt.f32.s32 v32  }
0x107: {  	vm2 =	vmmov vm2;
	v22 =	vsub.f32 v50, v41;
	[tilespmem:v62+s17+$0x0] =	vst.idx.add.f32.msk $0xffff, v0;
	v59 =	vadd.f32 v37, v6  }
0x108: {  	v35 =	vand.u32 $0x7FFFFFFF, v54;
	v54 =	vmul.f32 v48, v48;
	v19 =	vmin.f32 v16, $1.600000000e+01;
	[tilespmem:v62+s18+$0x0] =	vst.idx.add.f32.msk $0xffff, v51  }
0x109: {  	v21 =	vand.u32 $0x7FFFFFFF, v61;
	v19 =	vmax.f32 v19, $-3.200000000e+01;
	[tilespmem:v62+s19+$0x0] =	vst.idx.add.f32.msk $0xffff, v58;
	v60 =	vtrunc.f32 v59  }
0x10a: {  	v38 =	vand.u32 $0x7FFFFFFF, v57;
	v40 =	vld [tilespmem:s23+$0x80];
	v61 =	vmul.f32 v42, v2;
	v39 =	vcvt.f32.s32 v60  }
0x10b: {  	vm3 =	vlt.f32 v38, v4;
	v38 =	vadd.f32 v38, v13;
	v13 =	vsub.f32 v31, v53  }
0x10c: {  	v31 =	vadd.f32 v23, v14;
	v62 =	vmul.f32 v46, v46;
	v14 =	vmin.f32 v61, $1.600000000e+01;
	[tilespmem:v32+s17+$0x0] =	vst.idx.add.f32.msk $0xffff, v0  }
0x10d: {  	v19 =	vadd.f32 $2.013265920e+08, v19;
	v63 =	vsel vm0, $0x3F800000, v1;
	v14 =	vmax.f32 v14, $-3.200000000e+01;
	[tilespmem:v32+s18+$0x0] =	vst.idx.add.f32.msk $0xffff, v46  }
0x10e: {  	v45 =	vsel vm3, $0x3F800000, v1;
	vm3 =	vlt.f32 v23, v4;
	v23 =	vadd.f32 $2.013265920e+08, v14;
	[tilespmem:v32+s19+$0x0] =	vst.idx.add.f32.msk $0xffff, v62  }
0x10f: {  	v43 =	vsub.f32 v52, v43;
	v19 =	vadd.f32 $-2.013265920e+08, v19;
	v14 =	vmul.f32 v40, v2;
	v46 =	vld [tilespmem:s29+$0x300]  }
0x110: {  	v36 =	vsub.f32 v36, v37;
	v51 =	vsel vm3, $0x3F800000, v1;
	v53 =	vadd.f32 $-2.013265920e+08, v23;
	[tilespmem:v39+s17+$0x0] =	vst.idx.add.f32.msk $0xffff, v0  }
0x111: {  	v17 =	vadd.f32 v51, v17;
	v23 =	vand.u32 $0x7FFFFFFF, v43;
	v55 =	vmin.f32 v14, $1.600000000e+01;
	[tilespmem:v39+s18+$0x0] =	vst.idx.add.f32.msk $0xffff, v48  }
0x112: {  	v49 =	vadd.f32 v23, v31;
	v56 =	vmax.f32 v55, $-3.200000000e+01;
	v57 =	vadd.f32 v53, v8;
	[tilespmem:v39+s19+$0x0] =	vst.idx.add.f32.msk $0xffff, v54  }
0x113: {  	vm0 =	vlt.f32 v23, v4;
	v23 =	vand.u32 $0x7FFFFFFF, v36;
	v31 =	vadd.f32 $2.013265920e+08, v56;
	v36 =	vld [tilespmem:s13+$0x180]  }
0x114: {  	v58 =	vsel vm0, $0x3F800000, v1;
	v59 =	vtrunc.f32 v57;
	v37 =	vmul.f32 v46, v2  }
0x115: {  	s12 =	simm.s32 $0x50;
	s29 =	simm.s32 $0x280;
	v43 =	vadd.f32 v58, v17;
	v17 =	vadd.f32 $-2.013265920e+08, v31;
	v31 =	vcvt.f32.s32 v59  }
0x116: {  	s9 =	sand.u32 $0x70, s12;
	v60 =	vadd.f32 v19, v5;
	s31 =	sand.u32 $0x7C00, s29;
	v32 =	vsub.f32 v61, v53;
	v61 =	vmin.f32 v37, $1.600000000e+01  }
0x117: {  	v33 =	vand.u32 $0x7FFFFFFF, v33;
	vm1 =	vlt.f32 v21, v4;
	s30 =	sor.u32 s9, s31;
	v41 =	vmax.f32 v61, $-3.200000000e+01  }
0x118: {  	v39 =	vtrunc.f32 v60;
	v50 =	vld [tilespmem:s30+$0x0];
	v48 =	vmul.f32 v36, v2;
	v41 =	vadd.f32 $2.013265920e+08, v41  }
0x119: {  	v44 =	vadd.f32 v63, v27;
	v38 =	vadd.f32 v35, v38;
	v39 =	vcvt.f32.s32 v39  }
0x11a: {  	vm3 =	vlt.f32 v28, v4;
	v27 =	vmin.f32 v48, $1.600000000e+01;
	v41 =	vadd.f32 $-2.013265920e+08, v41  }
0x11b: {  	v63 =	vmul.f32 v42, v42;
	v57 =	vadd.f32 v47, v24;
	v27 =	vmax.f32 v27, $-3.200000000e+01;
	[tilespmem:v31+s17+$0x0] =	vst.idx.add.f32.msk $0xffff, v0  }
0x11c: {  	v62 =	vsel vm2, $0x3F800000, v1;
	v24 =	vadd.f32 $2.013265920e+08, v27;
	[tilespmem:v31+s18+$0x0] =	vst.idx.add.f32.msk $0xffff, v42;
	v58 =	vadd.f32 v41, v10  }
0x11d: {  	vm1 =	vmmov vm1;
	v15 =	vadd.f32 v62, v15;
	v60 =	vmul.f32 v50, v2;
	[tilespmem:v31+s19+$0x0] =	vst.idx.add.f32.msk $0xffff, v63  }
0x11e: {  	v31 =	vsub.f32 v37, v41;
	v24 =	vadd.f32 $-2.013265920e+08, v24;
	v41 =	vld [tilespmem:s5+$0x280];
	v42 =	vtrunc.f32 v58  }
0x11f: {  	vm0 =	vlt.f32 v23, v4;
	v56 =	vand.u32 $0x7FFFFFFF, v32;
	[tilespmem:v39+s17+$0x0] =	vst.idx.add.f32.msk $0xffff, v0;
	v42 =	vcvt.f32.s32 v42  }
0x120: {  	v59 =	vmul.f32 v29, v29;
	v61 =	vmin.f32 v60, $1.600000000e+01;
	[tilespmem:v39+s18+$0x0] =	vst.idx.add.f32.msk $0xffff, v29;
	v29 =	vadd.f32 v24, v7  }
0x121: {  	v32 =	vadd.f32 v45, v44;
	vm2 =	vlt.f32 v56, v4;
	v51 =	vmax.f32 v61, $-3.200000000e+01  }
0x122: {  	v55 =	vmul.f32 v46, v46;
	[tilespmem:v39+s19+$0x0] =	vst.idx.add.f32.msk $0xffff, v59;
	v63 =	vadd.f32 $2.013265920e+08, v51;
	v52 =	vtrunc.f32 v29  }
0x123: {  	v51 =	vld [tilespmem:s28+$0x100];
	v24 =	vsub.f32 v48, v24;
	v48 =	vcvt.f32.s32 v52;
	v52 =	vmul.f32 v41, v2  }
0x124: {  	s8 =	sand.u32 $0x7, s8;
	v30 =	vadd.f32 v56, v38;
	v31 =	vand.u32 $0x7FFFFFFF, v31;
	v54 =	vadd.f32 $-2.013265920e+08, v63  }
0x125: {  	s8 =	sshll.u32 s8, $0x4;
	v27 =	vsel vm2, $0x3F800000, v1;
	vm2 =	vlt.f32 v31, v4;
	v56 =	vmin.f32 v52, $1.600000000e+01;
	[tilespmem:v42+s17+$0x0] =	vst.idx.add.f32.msk $0xffff, v0  }
0x126: {  	s8 =	sadd.s32 $0x0, s8;
	v31 =	vadd.f32 v31, v57;
	v57 =	vadd.f32 v54, v3;
	v38 =	vmax.f32 v56, $-3.200000000e+01;
	[tilespmem:v42+s18+$0x0] =	vst.idx.add.f32.msk $0xffff, v46  }
0x127: {  	s8 =	sor.u32 $0x380, s8;
	v53 =	vmul.f32 v50, v50;
	v59 =	vmul.f32 v36, v36;
	v38 =	vadd.f32 $2.013265920e+08, v38;
	[tilespmem:v42+s19+$0x0] =	vst.idx.add.f32.msk $0xffff, v55  }
0x128: {  	v62 =	vsel vm2, $0x3F800000, v1;
	v58 =	vmul.f32 v51, v2;
	v37 =	vtrunc.f32 v57;
	v39 =	vld [tilespmem:s8+$0x0]  }
0x129: {  	vm2 =	vlt.f32 v35, v4;
	v61 =	vcvt.f32.s32 v37;
	v38 =	vadd.f32 $-2.013265920e+08, v38  }
0x12a: {  	v29 =	vadd.f32 v62, v15;
	v15 =	vsub.f32 v60, v54;
	v62 =	vmin.f32 v58, $1.600000000e+01;
	[tilespmem:v48+s17+$0x0] =	vst.idx.add.f32.msk $0xffff, v0  }
0x12b: {  	v60 =	vadd.f32 v28, v49;
	v37 =	vmax.f32 v62, $-3.200000000e+01;
	[tilespmem:v48+s18+$0x0] =	vst.idx.add.f32.msk $0xffff, v36;
	v47 =	vadd.f32 v38, v9  }
0x12c: {  	v28 =	vand.u32 $0x7FFFFFFF, v34;
	v49 =	vsel vm3, $0x3F800000, v1;
	v63 =	vadd.f32 $2.013265920e+08, v37;
	[tilespmem:v48+s19+$0x0] =	vst.idx.add.f32.msk $0xffff, v59  }
0x12d: {  	v38 =	vsub.f32 v52, v38;
	v52 =	vld [tilespmem:s13+$0x200];
	v36 =	vtrunc.f32 v47;
	v42 =	vmul.f32 v39, v2  }
0x12e: {  	v43 =	vadd.f32 v49, v43;
	v35 =	vadd.f32 $-2.013265920e+08, v63;
	v36 =	vcvt.f32.s32 v36  }
0x12f: {  	v49 =	vadd.f32 v17, v5;
	v37 =	vsel vm2, $0x3F800000, v1;
	[tilespmem:v61+s17+$0x0] =	vst.idx.add.f32.msk $0xffff, v0;
	v55 =	vmin.f32 v42, $1.600000000e+01  }
0x130: {  	v63 =	vmul.f32 v51, v51;
	v54 =	vadd.f32 v35, v6;
	[tilespmem:v61+s18+$0x0] =	vst.idx.add.f32.msk $0xffff, v50;
	v56 =	vmax.f32 v55, $-3.200000000e+01  }
0x131: {  	v35 =	vsub.f32 v58, v35;
	v58 =	vmul.f32 v41, v41;
	[tilespmem:v61+s19+$0x0] =	vst.idx.add.f32.msk $0xffff, v53;
	v44 =	vadd.f32 $2.013265920e+08, v56  }
0x132: {  	vm2 =	vlt.f32 v33, v4;
	v57 =	vtrunc.f32 v54;
	v48 =	vld [tilespmem:s30+$0x80];
	v46 =	vmul.f32 v52, v2  }
0x133: {  	v38 =	vand.u32 $0x7FFFFFFF, v38;
	v45 =	vcvt.f32.s32 v57;
	v44 =	vadd.f32 $-2.013265920e+08, v44  }
0x134: {  	v59 =	vsel vm2, $0x3F800000, v1;
	v34 =	vadd.f32 v38, v60;
	v60 =	vmin.f32 v46, $1.600000000e+01;
	[tilespmem:v36+s17+$0x0] =	vst.idx.add.f32.msk $0xffff, v0  }
0x135: {  	v61 =	vadd.f32 v33, v25;
	v25 =	vmax.f32 v60, $-3.200000000e+01;
	[tilespmem:v36+s18+$0x0] =	vst.idx.add.f32.msk $0xffff, v41;
	v62 =	vadd.f32 v44, v11  }
0x136: {  	v33 =	vand.u32 $0x7FFFFFFF, v35;
	v26 =	vadd.f32 v59, v26;
	v50 =	vadd.f32 $2.013265920e+08, v25;
	[tilespmem:v36+s19+$0x0] =	vst.idx.add.f32.msk $0xffff, v58  }
0x137: {  	v25 =	vmul.f32 v48, v2;
	v57 =	vsub.f32 v42, v44;
	v47 =	vld [tilespmem:s5+$0x300];
	v35 =	vtrunc.f32 v62  }
0x138: {  	vm2 =	vlt.f32 v38, v4;
	v58 =	vadd.f32 $-2.013265920e+08, v50;
	v54 =	vcvt.f32.s32 v35  }
0x139: {  	[tilespmem:v45+s17+$0x0] =	vst.idx.add.f32.msk $0xffff, v0;
	v59 =	vmin.f32 v25, $1.600000000e+01;
	v44 =	vand.u32 $0x7FFFFFFF, v57;
	v62 =	vsel vm2, $0x3F800000, v1  }
0x13a: {  	[tilespmem:v45+s18+$0x0] =	vst.idx.add.f32.msk $0xffff, v51;
	v36 =	vadd.f32 v44, v61;
	vm3 =	vlt.f32 v44, v4;
	v35 =	vmax.f32 v59, $-3.200000000e+01  }
0x13b: {  	[tilespmem:v45+s19+$0x0] =	vst.idx.add.f32.msk $0xffff, v63;
	v60 =	vadd.f32 v58, v8;
	v38 =	vadd.f32 v62, v43;
	v44 =	vsel vm3, $0x3F800000, v1  }
0x13c: {  	v61 =	vadd.f32 $2.013265920e+08, v35;
	v35 =	vadd.f32 v44, v26;
	v44 =	vld [tilespmem:s28+$0x180];
	v50 =	vmul.f32 v47, v2  }
0x13d: {  	v43 =	vmul.f32 v39, v39;
	v42 =	vsub.f32 v46, v58;
	v63 =	vtrunc.f32 v60  }
0x13e: {  	s10 =	simm.s32 $0x60;
	s8 =	simm.s32 $0x300;
	v41 =	vmovc v40;
	s5 =	simm.s32 $0x1;
	v26 =	vadd.f32 $-2.013265920e+08, v61;
	v45 =	vcvt.f32.s32 v63;
	v46 =	vmin.f32 v50, $1.600000000e+01;
	[tilespmem:v54+s17+$0x0] =	vst.idx.add.f32.msk $0xffff, v0  }
.LBB2_3:
0x13f: {  	v51 =	vmovc v40;
	v40 =	vmov v48;
	v30 =	vadd.f32 v28, v30;
	v46 =	vmax.f32 v46, $-3.200000000e+01;
	s31 =	smov.u32 s10  }
0x140: {  	s9 =	sand.u32 $0x70, s10;
	s11 =	sand.u32 $0x7C00, s8;
	vm2 =	vmmov vm1;
	vm1 =	vmmov vm0;
	vm0 =	vlt.f32 v33, v4;
	[tilespmem:v54+s18+$0x0] =	vst.idx.add.f32.msk $0xffff, v39;
	s31 =	sadd.s32 $0x10, s10  }
0x141: {  	p0 =	sne.s32 s10, $0xFF0;
	s9 =	sor.u32 s9, s11;
	v39 =	vtrunc.f32 v49;
	v48 =	vmul.f32 v44, v2;
	v49 =	vadd.f32 $2.013265920e+08, v46;
	[tilespmem:v54+s19+$0x0] =	vst.idx.add.f32.msk $0xffff, v43  }
0x142: {  	v32 =	vadd.f32 v37, v32;
	v37 =	vsel vm2, $0x3F800000, v1;
	v39 =	vcvt.f32.s32 v39;
	v46 =	vld [tilespmem:s9+$0x0]  }
0x143: {  	v53 =	vmul.f32 v52, v52;
	v43 =	vmin.f32 v48, $1.600000000e+01;
	v49 =	vadd.f32 $-2.013265920e+08, v49  }
0x144: {  	v31 =	vadd.f32 v21, v31;
	v21 =	vmovc v23;
	v54 =	vand.u32 $0x7FFFFFFF, v42;
	v43 =	vmax.f32 v43, $-3.200000000e+01;
	[tilespmem:v45+s17+$0x0] =	vst.idx.add.f32.msk $0xffff, v0  }
0x145: {  	vm2 =	vlt.f32 v54, v4;
	v55 =	vadd.f32 $2.013265920e+08, v43;
	v42 =	vadd.f32 v49, v10;
	[tilespmem:v45+s18+$0x0] =	vst.idx.add.f32.msk $0xffff, v52  }
0x146: {  	v51 =	vmul.f32 v51, v41;
	v49 =	vsub.f32 v50, v49;
	[tilespmem:v45+s19+$0x0] =	vst.idx.add.f32.msk $0xffff, v53;
	v45 =	vsel vm2, $0x3F800000, v1  }
0x147: {  	v23 =	vmovc v33;
	v52 =	vadd.f32 $-2.013265920e+08, v55;
	v42 =	vtrunc.f32 v42;
	v50 =	vmul.f32 v46, v2;
	v43 =	vld [tilespmem:s13+$0x280]  }
0x148: {  	v29 =	vadd.f32 v37, v29;
	v33 =	vand.u32 $0x7FFFFFFF, v49;
	v37 =	vcvt.f32.s32 v42;
	[tilespmem:v39+s17+$0x0] =	vst.idx.add.f32.msk $0xffff, v0  }
0x149: {  	vm2 =	vlt.f32 v33, v4;
	v49 =	vadd.f32 v52, v7;
	v42 =	vmin.f32 v50, $1.600000000e+01;
	[tilespmem:v39+s18+$0x0] =	vst.idx.add.f32.msk $0xffff, v41  }
0x14a: {  	v48 =	vsub.f32 v48, v52;
	v41 =	vmovc v40;
	v42 =	vmax.f32 v42, $-3.200000000e+01;
	[tilespmem:v39+s19+$0x0] =	vst.idx.add.f32.msk $0xffff, v51;
	v39 =	vsel vm2, $0x3F800000, v1  }
0x14b: {  	v49 =	vtrunc.f32 v49;
	v51 =	vadd.f32 $2.013265920e+08, v42;
	v42 =	vld [tilespmem:s23+$0x100];
	v29 =	vadd.f32 v39, v29  }
0x14c: {  	s10 =	sand.u32 $0x7, s5;
	v31 =	vadd.f32 v33, v31;
	v49 =	vcvt.f32.s32 v49;
	v53 =	vmul.f32 v43, v2  }
0x14d: {  	s10 =	sshll.u32 s10, $0x4;
	v32 =	vadd.f32 v27, v32;
	v27 =	vmovc v45;
	v39 =	vmul.f32 v47, v47;
	v33 =	vadd.f32 $-2.013265920e+08, v51  }
0x14e: {  	v30 =	vadd.f32 v54, v30;
	s10 =	sadd.s32 s10, s26;
	s26 =	smov.u32 s0;
	s0 =	smov.u32 s1;
	v51 =	vsub.f32 v18, v20;
	v20 =	vmin.f32 v53, $1.600000000e+01;
	[tilespmem:v37+s17+$0x0] =	vst.idx.add.f32.msk $0xffff, v0  }
0x14f: {  	s1 =	smov.u32 s2;
	s2 =	smov.u32 s29;
	s10 =	sor.u32 $0x380, s10;
	v45 =	vsub.f32 v50, v33;
	v33 =	vadd.f32 v33, v3;
	v20 =	vmax.f32 v20, $-3.200000000e+01;
	[tilespmem:v37+s18+$0x0] =	vst.idx.add.f32.msk $0xffff, v47  }
0x150: {  	s29 =	smov.u32 s8;
	v18 =	vmovc v16;
	v50 =	vand.u32 $0x7FFFFFFF, v51;
	v47 =	vmul.f32 v42, v2;
	v52 =	vadd.f32 $2.013265920e+08, v20;
	[tilespmem:v37+s19+$0x0] =	vst.idx.add.f32.msk $0xffff, v39  }
0x151: {  	v16 =	vmovc v14;
	v14 =	vmovc v25;
	v37 =	vmul.f32 v44, v44;
	v34 =	vadd.f32 v50, v34;
	v33 =	vtrunc.f32 v33;
	v39 =	vld [tilespmem:s10+$0x0]  }
0x152: {  	v25 =	vcvt.f32.s32 v33;
	v33 =	vmin.f32 v47, $1.600000000e+01;
	[tilespmem:v49+s17+$0x0] =	vst.idx.add.f32.msk $0xffff, v0;
	v51 =	vadd.f32 $-2.013265920e+08, v52;
	v20 =	vmovc v19;
	v19 =	vmovc v17  }
0x153: {  	vm2 =	vlt.f32 v28, v4;
	vm3 =	vlt.f32 v50, v4;
	v52 =	vmax.f32 v33, $-3.200000000e+01;
	[tilespmem:v49+s18+$0x0] =	vst.idx.add.f32.msk $0xffff, v44  }
0x154: {  	v17 =	vmovc v26;
	v33 =	vadd.f32 $2.013265920e+08, v52;
	[tilespmem:v49+s19+$0x0] =	vst.idx.add.f32.msk $0xffff, v37;
	v37 =	vsel vm2, $0x3F800000, v1;
	v44 =	vadd.f32 v51, v9  }
0x155: {  	v28 =	vand.u32 $0x7FFFFFFF, v12;
	v12 =	vmovc v13;
	v13 =	vmovc v15;
	v26 =	vsel vm3, $0x3F800000, v1;
	v49 =	vsub.f32 v53, v51;
	v52 =	vld [tilespmem:s28+$0x200]  }
0x156: {  	v15 =	vmovc v45;
	v33 =	vadd.f32 $-2.013265920e+08, v33;
	v44 =	vtrunc.f32 v44;
	v50 =	vmul.f32 v39, v2  }
0x157: {  	v26 =	vadd.f32 v26, v38;
	v38 =	vand.u32 $0x7FFFFFFF, v49;
	v44 =	vcvt.f32.s32 v44  }
0x158: {  	v45 =	vmul.f32 v46, v46;
	[tilespmem:v25+s17+$0x0] =	vst.idx.add.f32.msk $0xffff, v0;
	v49 =	vadd.f32 v33, v6;
	v51 =	vmin.f32 v50, $1.600000000e+01  }
0x159: {  	v34 =	vadd.f32 v38, v34;
	[tilespmem:v25+s18+$0x0] =	vst.idx.add.f32.msk $0xffff, v46;
	v46 =	vand.u32 $0x7FFFFFFF, v22;
	v51 =	vmax.f32 v51, $-3.200000000e+01;
	v22 =	vmovc v24  }
0x15a: {  	v24 =	vmovc v48;
	[tilespmem:v25+s19+$0x0] =	vst.idx.add.f32.msk $0xffff, v45;
	v25 =	vsub.f32 v47, v33;
	v33 =	vtrunc.f32 v49;
	v45 =	vadd.f32 $2.013265920e+08, v51  }
0x15b: {  	v51 =	vmul.f32 v52, v2;
	vm2 =	vlt.f32 v46, v4;
	v48 =	vld [tilespmem:s9+$0x80];
	v49 =	vcvt.f32.s32 v33  }
0x15c: {  	v47 =	vmul.f32 v43, v43;
	v53 =	vsel vm2, $0x3F800000, v1;
	v45 =	vadd.f32 $-2.013265920e+08, v45  }
0x15d: {  	v36 =	vadd.f32 v46, v36;
	vm2 =	vlt.f32 v38, v4;
	v54 =	vmin.f32 v51, $1.600000000e+01;
	[tilespmem:v44+s17+$0x0] =	vst.idx.add.f32.msk $0xffff, v0  }
0x15e: {  	v33 =	vand.u32 $0x7FFFFFFF, v25;
	v25 =	vmax.f32 v54, $-3.200000000e+01;
	[tilespmem:v44+s18+$0x0] =	vst.idx.add.f32.msk $0xffff, v43;
	v38 =	vadd.f32 v45, v11  }
0x15f: {  	v43 =	vmul.f32 v42, v42;
	v46 =	vadd.f32 $2.013265920e+08, v25;
	[tilespmem:v44+s19+$0x0] =	vst.idx.add.f32.msk $0xffff, v47;
	v44 =	vsub.f32 v50, v45  }
0x160: {  	v35 =	vadd.f32 v53, v35;
	v25 =	vmul.f32 v48, v2;
	v47 =	vld [tilespmem:s13+$0x300];
	v38 =	vtrunc.f32 v38;
	s13 =	smov.u32 s28;
	s28 =	smov.u32 s23;
	s23 =	smov.u32 s30  }
0x161: {  	v46 =	vadd.f32 $-2.013265920e+08, v46;
	s30 =	smov.u32 s9;
	[tilespmem:v49+s17+$0x0] =	vst.idx.add.f32.msk $0xffff, v0;
	v44 =	vand.u32 $0x7FFFFFFF, v44;
	v54 =	vcvt.f32.s32 v38  }
0x162: {  	v38 =	vmin.f32 v25, $1.600000000e+01;
	[tilespmem:v49+s18+$0x0] =	vst.idx.add.f32.msk $0xffff, v42;
	v36 =	vadd.f32 v44, v36;
	vm3 =	vlt.f32 v44, v4  }
.Ltmp2:
0x163: {  	v42 =	vadd.f32 v46, v8;
	v38 =	vmax.f32 v38, $-3.200000000e+01;
	[tilespmem:v49+s19+$0x0] =	vst.idx.add.f32.msk $0xffff, v43;
	v43 =	vsel vm3, $0x3F800000, v1;
	(pc) =	sbr.rel @p0 .LBB2_3-.Ltmp2, $4  }
0x164: {  	v45 =	vadd.f32 $2.013265920e+08, v38;
	v44 =	vld [tilespmem:s28+$0x180];
	v38 =	vsel vm2, $0x3F800000, v1;
	v35 =	vadd.f32 v43, v35  }
0x165: {  	v42 =	vtrunc.f32 v42;
	v38 =	vadd.f32 v38, v26;
	v50 =	vmul.f32 v47, v2  }
0x166: {  	v43 =	vmul.f32 v39, v39;
	v26 =	vadd.f32 $-2.013265920e+08, v45;
	v45 =	vcvt.f32.s32 v42  }
0x167: {  	s5 =	sadd.s32 $0x1, s5;
	s8 =	sadd.s32 $0x80, s8;
	s10 =	smov.u32 s31;
	v49 =	vadd.f32 v17, v5;
	v42 =	vsub.f32 v51, v46;
	v46 =	vmin.f32 v50, $1.600000000e+01;
	[tilespmem:v54+s17+$0x0] =	vst.idx.add.f32.msk $0xffff, v0  }
0x168: {  	_ = 	snop  }
0x169: {  	v49 =	vtrunc.f32 v49  }
0x16a: {  	v49 =	vcvt.f32.s32 v49  }
0x16b: {  	v51 =	vadd.f32 v26, v5;
	_ =	sdelay $0x1  }
0x16c: {  	v51 =	vtrunc.f32 v51  }
0x16d: {  	v51 =	vcvt.f32.s32 v51;
	_ =	sdelay $0x1  }
0x16e: {  	v40 =	vmul.f32 v40, v41;
	[tilespmem:v49+s17+$0x0] =	vst.idx.add.f32.msk $0xffff, v0  }
0x16f: {  	[tilespmem:v49+s18+$0x0] =	vst.idx.add.f32.msk $0xffff, v41  }
0x170: {  	[tilespmem:v49+s19+$0x0] =	vst.idx.add.f32.msk $0xffff, v40  }
0x171: {  	v40 =	vld [tilespmem:s23+$0x100]  }
0x172: {  	v56 =	vmul.f32 v48, v48;
	[tilespmem:v51+s17+$0x0] =	vst.idx.add.f32.msk $0xffff, v0  }
0x173: {  	[tilespmem:v51+s18+$0x0] =	vst.idx.add.f32.msk $0xffff, v48  }
0x174: {  	[tilespmem:v51+s19+$0x0] =	vst.idx.add.f32.msk $0xffff, v56  }
0x175: {  	v41 =	vld [tilespmem:s30+$0x100]  }
0x176: {  	v57 =	vmul.f32 v40, v2;
	_ =	sdelay $0x1  }
0x177: {  	v48 =	vmin.f32 v57, $1.600000000e+01  }
0x178: {  	v48 =	vmax.f32 v48, $-3.200000000e+01  }
0x179: {  	v58 =	vmul.f32 v41, v2;
	v48 =	vadd.f32 $2.013265920e+08, v48;
	_ =	sdelay $0x1  }
0x17a: {  	v60 =	vmin.f32 v58, $1.600000000e+01;
	v59 =	vadd.f32 $-2.013265920e+08, v48  }
0x17b: {  	v48 =	vmax.f32 v60, $-3.200000000e+01  }
0x17c: {  	v48 =	vadd.f32 $2.013265920e+08, v48;
	v61 =	vadd.f32 v59, v6;
	_ =	sdelay $0x1  }
0x17d: {  	v62 =	vadd.f32 $-2.013265920e+08, v48;
	v49 =	vtrunc.f32 v61  }
0x17e: {  	v63 =	vcvt.f32.s32 v49  }
0x17f: {  	v56 =	vadd.f32 v62, v6  }
0x180: {  	[tilespmem:$0x1FE40] =	vst v57  }
0x181: {  	[tilespmem:$0x1FEC0] =	vst v58;
	v49 =	vtrunc.f32 v56  }
0x182: {  	[tilespmem:$0x1FE50] =	vst v59;
	v49 =	vcvt.f32.s32 v49  }
0x183: {  	[tilespmem:$0x1FED0] =	vst v62  }
0x184: {  	v53 =	vmul.f32 v44, v2;
	[tilespmem:v63+s17+$0x0] =	vst.idx.add.f32.msk $0xffff, v0  }
0x185: {  	v57 =	vmul.f32 v40, v40;
	[tilespmem:v63+s18+$0x0] =	vst.idx.add.f32.msk $0xffff, v40  }
0x186: {  	[tilespmem:$0x1FE00] =	vst v53  }
0x187: {  	[tilespmem:v63+s19+$0x0] =	vst.idx.add.f32.msk $0xffff, v57  }
0x188: {  	[tilespmem:v49+s17+$0x0] =	vst.idx.add.f32.msk $0xffff, v0  }
0x189: {  	v59 =	vmul.f32 v41, v41;
	v40 =	vld [tilespmem:s23+$0x180]  }
0x18a: {  	v58 =	vmin.f32 v53, $1.600000000e+01;
	[tilespmem:v49+s18+$0x0] =	vst.idx.add.f32.msk $0xffff, v41  }
0x18b: {  	v48 =	vmax.f32 v58, $-3.200000000e+01;
	[tilespmem:v49+s19+$0x0] =	vst.idx.add.f32.msk $0xffff, v59  }
0x18c: {  	v60 =	vadd.f32 $2.013265920e+08, v48;
	v48 =	vld [tilespmem:s30+$0x180];
	_ =	sdelay $0x1  }
0x18d: {  	v61 =	vmul.f32 v40, v2  }
0x18e: {  	v41 =	vadd.f32 $-2.013265920e+08, v60  }
0x18f: {  	v49 =	vmin.f32 v61, $1.600000000e+01  }
0x190: {  	[tilespmem:$0x1FE10] =	vst v41;
	v41 =	vadd.f32 v41, v7;
	v62 =	vmul.f32 v48, v2;
	v49 =	vmax.f32 v49, $-3.200000000e+01  }
0x191: {  	v49 =	vadd.f32 $2.013265920e+08, v49  }
0x192: {  	v41 =	vtrunc.f32 v41;
	v55 =	vmin.f32 v62, $1.600000000e+01  }
0x193: {  	v41 =	vcvt.f32.s32 v41;
	v63 =	vadd.f32 $-2.013265920e+08, v49;
	v49 =	vmax.f32 v55, $-3.200000000e+01  }
0x194: {  	v49 =	vadd.f32 $2.013265920e+08, v49  }
0x195: {  	[tilespmem:$0x1FE80] =	vst v61  }
0x196: {  	[tilespmem:$0x1FF20] =	vst v62;
	v57 =	vadd.f32 $-2.013265920e+08, v49  }
0x197: {  	[tilespmem:$0x1FE90] =	vst v63  }
0x198: {  	v56 =	vadd.f32 v63, v7;
	[tilespmem:$0x1FF30] =	vst v57  }
0x199: {  	v58 =	vmul.f32 v44, v44;
	[tilespmem:v41+s17+$0x0] =	vst.idx.add.f32.msk $0xffff, v0  }
0x19a: {  	v51 =	vtrunc.f32 v56;
	[tilespmem:v41+s18+$0x0] =	vst.idx.add.f32.msk $0xffff, v44  }
0x19b: {  	v51 =	vcvt.f32.s32 v51;
	[tilespmem:v41+s19+$0x0] =	vst.idx.add.f32.msk $0xffff, v58  }
0x19c: {  	v41 =	vld [tilespmem:s28+$0x200]  }
0x19d: {  	v59 =	vadd.f32 v57, v7;
	_ =	sdelay $0x1  }
0x19e: {  	v44 =	vtrunc.f32 v59  }
0x19f: {  	v44 =	vcvt.f32.s32 v44  }
0x1a0: {  	[tilespmem:v51+s17+$0x0] =	vst.idx.add.f32.msk $0xffff, v0;
	v61 =	vmul.f32 v41, v2  }
0x1a1: {  	v60 =	vmul.f32 v40, v40;
	[tilespmem:v51+s18+$0x0] =	vst.idx.add.f32.msk $0xffff, v40  }
0x1a2: {  	[tilespmem:$0x1FE60] =	vst v61  }
0x1a3: {  	[tilespmem:v51+s19+$0x0] =	vst.idx.add.f32.msk $0xffff, v60  }
0x1a4: {  	v40 =	vld [tilespmem:s23+$0x200]  }
0x1a5: {  	v63 =	vmul.f32 v48, v48;
	[tilespmem:v44+s17+$0x0] =	vst.idx.add.f32.msk $0xffff, v0  }
0x1a6: {  	[tilespmem:v44+s18+$0x0] =	vst.idx.add.f32.msk $0xffff, v48  }
0x1a7: {  	v62 =	vmin.f32 v61, $1.600000000e+01;
	[tilespmem:v44+s19+$0x0] =	vst.idx.add.f32.msk $0xffff, v63  }
0x1a8: {  	v49 =	vmax.f32 v62, $-3.200000000e+01;
	v44 =	vld [tilespmem:s30+$0x200]  }
0x1a9: {  	v55 =	vadd.f32 $2.013265920e+08, v49;
	v56 =	vmul.f32 v40, v2;
	_ =	sdelay $0x1  }
0x1aa: {  	v48 =	vadd.f32 $-2.013265920e+08, v55;
	v49 =	vmin.f32 v56, $1.600000000e+01  }
0x1ab: {  	v49 =	vmax.f32 v49, $-3.200000000e+01  }
0x1ac: {  	[tilespmem:$0x1FE70] =	vst v48;
	v48 =	vadd.f32 v48, v8;
	v57 =	vmul.f32 v44, v2;
	v49 =	vadd.f32 $2.013265920e+08, v49;
	_ =	sdelay $0x1  }
0x1ad: {  	v48 =	vtrunc.f32 v48;
	[tilespmem:$0x1FEE0] =	vst v56;
	v59 =	vmin.f32 v57, $1.600000000e+01;
	v58 =	vadd.f32 $-2.013265920e+08, v49  }
0x1ae: {  	v48 =	vcvt.f32.s32 v48;
	[tilespmem:$0x1FF70] =	vst v57;
	v49 =	vmax.f32 v59, $-3.200000000e+01  }
0x1af: {  	v49 =	vadd.f32 $2.013265920e+08, v49;
	[tilespmem:$0x1FEF0] =	vst v58  }
0x1b0: {  	v60 =	vmul.f32 v52, v52;
	[tilespmem:v45+s17+$0x0] =	vst.idx.add.f32.msk $0xffff, v0  }
0x1b1: {  	v63 =	vadd.f32 $-2.013265920e+08, v49;
	[tilespmem:v45+s18+$0x0] =	vst.idx.add.f32.msk $0xffff, v52  }
0x1b2: {  	[tilespmem:v45+s19+$0x0] =	vst.idx.add.f32.msk $0xffff, v60  }
0x1b3: {  	v61 =	vadd.f32 v58, v8;
	v45 =	vld [tilespmem:s13+$0x280];
	[tilespmem:$0x1FF80] =	vst v63  }
0x1b4: {  	v56 =	vmul.f32 v41, v41;
	[tilespmem:v48+s17+$0x0] =	vst.idx.add.f32.msk $0xffff, v0  }
0x1b5: {  	v62 =	vtrunc.f32 v61;
	[tilespmem:v48+s18+$0x0] =	vst.idx.add.f32.msk $0xffff, v41  }
0x1b6: {  	v51 =	vcvt.f32.s32 v62;
	[tilespmem:v48+s19+$0x0] =	vst.idx.add.f32.msk $0xffff, v56  }
0x1b7: {  	v52 =	vld [tilespmem:s28+$0x280]  }
0x1b8: {  	v57 =	vadd.f32 v63, v8;
	v58 =	vmul.f32 v45, v2;
	_ =	sdelay $0x1  }
0x1b9: {  	v41 =	vtrunc.f32 v57;
	v48 =	vmin.f32 v58, $1.600000000e+01  }
0x1ba: {  	v41 =	vcvt.f32.s32 v41;
	[tilespmem:$0x1FE20] =	vst v58;
	v48 =	vmax.f32 v48, $-3.200000000e+01  }
0x1bb: {  	[tilespmem:v51+s17+$0x0] =	vst.idx.add.f32.msk $0xffff, v0;
	v60 =	vadd.f32 $2.013265920e+08, v48;
	v61 =	vmul.f32 v52, v2  }
0x1bc: {  	v59 =	vmul.f32 v40, v40;
	[tilespmem:v51+s18+$0x0] =	vst.idx.add.f32.msk $0xffff, v40  }
0x1bd: {  	[tilespmem:$0x1FEA0] =	vst v61;
	v62 =	vadd.f32 $-2.013265920e+08, v60  }
0x1be: {  	[tilespmem:v51+s19+$0x0] =	vst.idx.add.f32.msk $0xffff, v59  }
0x1bf: {  	v51 =	vld [tilespmem:s23+$0x280];
	[tilespmem:$0x1FE30] =	vst v62  }
0x1c0: {  	v48 =	vmul.f32 v44, v44;
	[tilespmem:v41+s17+$0x0] =	vst.idx.add.f32.msk $0xffff, v0  }
0x1c1: {  	[tilespmem:v41+s18+$0x0] =	vst.idx.add.f32.msk $0xffff, v44  }
0x1c2: {  	v63 =	vmin.f32 v61, $1.600000000e+01;
	[tilespmem:v41+s19+$0x0] =	vst.idx.add.f32.msk $0xffff, v48  }
0x1c3: {  	v40 =	vmax.f32 v63, $-3.200000000e+01;
	v55 =	vadd.f32 v62, v9;
	v62 =	vld [tilespmem:s30+$0x280]  }
0x1c4: {  	v40 =	vadd.f32 $2.013265920e+08, v40;
	v58 =	vmul.f32 v51, v2;
	_ =	sdelay $0x1  }
0x1c5: {  	v56 =	vtrunc.f32 v55;
	v57 =	vadd.f32 $-2.013265920e+08, v40;
	v44 =	vmin.f32 v58, $1.600000000e+01  }
0x1c6: {  	v59 =	vcvt.f32.s32 v56;
	v44 =	vmax.f32 v44, $-3.200000000e+01  }
0x1c7: {  	v60 =	vadd.f32 v57, v9;
	v44 =	vadd.f32 $2.013265920e+08, v44;
	v61 =	vmul.f32 v62, v2  }
0x1c8: {  	[tilespmem:$0x1FEB0] =	vst v57  }
0x1c9: {  	v41 =	vtrunc.f32 v60;
	[tilespmem:$0x1FF40] =	vst v58;
	v63 =	vadd.f32 $-2.013265920e+08, v44;
	v56 =	vmin.f32 v61, $1.600000000e+01  }
0x1ca: {  	v41 =	vcvt.f32.s32 v41;
	[tilespmem:$0x1FFB0] =	vst v61;
	v44 =	vmax.f32 v56, $-3.200000000e+01  }
0x1cb: {  	[tilespmem:$0x1FF50] =	vst v63;
	v44 =	vadd.f32 $2.013265920e+08, v44  }
0x1cc: {  	v55 =	vmul.f32 v45, v45;
	[tilespmem:v59+s17+$0x0] =	vst.idx.add.f32.msk $0xffff, v0  }
0x1cd: {  	[tilespmem:v59+s18+$0x0] =	vst.idx.add.f32.msk $0xffff, v45;
	v58 =	vadd.f32 $-2.013265920e+08, v44  }
0x1ce: {  	v57 =	vadd.f32 v63, v9;
	[tilespmem:v59+s19+$0x0] =	vst.idx.add.f32.msk $0xffff, v55  }
0x1cf: {  	v48 =	vld [tilespmem:s13+$0x300];
	[tilespmem:$0x1FFC0] =	vst v58  }
0x1d0: {  	v61 =	vmul.f32 v52, v52;
	v45 =	vtrunc.f32 v57;
	[tilespmem:v41+s17+$0x0] =	vst.idx.add.f32.msk $0xffff, v0  }
0x1d1: {  	v59 =	vcvt.f32.s32 v45;
	[tilespmem:v41+s18+$0x0] =	vst.idx.add.f32.msk $0xffff, v52  }
0x1d2: {  	[tilespmem:v41+s19+$0x0] =	vst.idx.add.f32.msk $0xffff, v61  }
0x1d3: {  	v63 =	vadd.f32 v58, v9;
	v49 =	vld [tilespmem:s28+$0x300];
	_ =	sdelay $0x1  }
0x1d4: {  	v40 =	vtrunc.f32 v63  }
0x1d5: {  	v45 =	vcvt.f32.s32 v40  }
0x1d6: {  	v41 =	vmax.f32 v46, $-3.200000000e+01;
	v46 =	vmul.f32 v51, v51;
	[tilespmem:v59+s17+$0x0] =	vst.idx.add.f32.msk $0xffff, v0  }
0x1d7: {  	[tilespmem:v59+s18+$0x0] =	vst.idx.add.f32.msk $0xffff, v51;
	v60 =	vmul.f32 v49, v2  }
0x1d8: {  	v63 =	vmul.f32 v48, v2;
	[tilespmem:v59+s19+$0x0] =	vst.idx.add.f32.msk $0xffff, v46  }
0x1d9: {  	v52 =	vadd.f32 $2.013265920e+08, v41;
	[tilespmem:$0x1FF00] =	vst v60  }
0x1da: {  	v53 =	vmin.f32 v63, $1.600000000e+01;
	v51 =	vld [tilespmem:s23+$0x300]  }
0x1db: {  	v57 =	vmul.f32 v62, v62;
	v58 =	vadd.f32 $-2.013265920e+08, v52;
	v40 =	vmax.f32 v53, $-3.200000000e+01;
	[tilespmem:v45+s17+$0x0] =	vst.idx.add.f32.msk $0xffff, v0  }
0x1dc: {  	v61 =	vadd.f32 $2.013265920e+08, v40;
	[tilespmem:v45+s18+$0x0] =	vst.idx.add.f32.msk $0xffff, v62  }
0x1dd: {  	v52 =	vadd.f32 v58, v10;
	v56 =	vmin.f32 v60, $1.600000000e+01;
	[tilespmem:v45+s19+$0x0] =	vst.idx.add.f32.msk $0xffff, v57  }
0x1de: {  	v61 =	vadd.f32 $-2.013265920e+08, v61;
	v40 =	vmax.f32 v56, $-3.200000000e+01;
	v62 =	vld [tilespmem:s30+$0x300]  }
0x1df: {  	v59 =	vtrunc.f32 v52;
	v40 =	vadd.f32 $2.013265920e+08, v40;
	v53 =	vmul.f32 v51, v2  }
0x1e0: {  	v41 =	vcvt.f32.s32 v59;
	v52 =	vadd.f32 v61, v10  }
0x1e1: {  	v60 =	vadd.f32 $-2.013265920e+08, v40;
	v56 =	vmin.f32 v53, $1.600000000e+01  }
0x1e2: {  	v55 =	vtrunc.f32 v52;
	v40 =	vmax.f32 v56, $-3.200000000e+01  }
0x1e3: {  	v44 =	vcvt.f32.s32 v55;
	[tilespmem:$0x1FF10] =	vst v60;
	v57 =	vmul.f32 v62, v2;
	v40 =	vadd.f32 $2.013265920e+08, v40  }
0x1e4: {  	[tilespmem:$0x1FF90] =	vst v53  }
0x1e5: {  	v45 =	vadd.f32 v60, v10;
	[tilespmem:$0x1FFD0] =	vst v57;
	v59 =	vadd.f32 $-2.013265920e+08, v40  }
0x1e6: {  	v52 =	vmin.f32 v57, $1.600000000e+01;
	[tilespmem:v41+s17+$0x0] =	vst.idx.add.f32.msk $0xffff, v0  }
0x1e7: {  	v45 =	vtrunc.f32 v45;
	v40 =	vmax.f32 v52, $-3.200000000e+01;
	[tilespmem:$0x1FFA0] =	vst v59  }
0x1e8: {  	v60 =	vmul.f32 v47, v47;
	v45 =	vcvt.f32.s32 v45;
	v40 =	vadd.f32 $2.013265920e+08, v40;
	[tilespmem:v41+s18+$0x0] =	vst.idx.add.f32.msk $0xffff, v47  }
0x1e9: {  	[tilespmem:v44+s17+$0x0] =	vst.idx.add.f32.msk $0xffff, v0  }
0x1ea: {  	v56 =	vadd.f32 $-2.013265920e+08, v40;
	[tilespmem:v41+s19+$0x0] =	vst.idx.add.f32.msk $0xffff, v60  }
0x1eb: {  	s8 =	sand.u32 $0x7, s5;
	v55 =	vmul.f32 v48, v48;
	v53 =	vadd.f32 v59, v10;
	[tilespmem:v44+s18+$0x0] =	vst.idx.add.f32.msk $0xffff, v48  }
0x1ec: {  	s12 =	sadd.s32 $0x1, s5;
	s8 =	sshll.u32 s8, $0x4;
	[tilespmem:$0x1FFE0] =	vst v56  }
0x1ed: {  	s9 =	sand.u32 $0x7, s12;
	s8 =	sadd.s32 s8, s26;
	v41 =	vtrunc.f32 v53;
	[tilespmem:v44+s19+$0x0] =	vst.idx.add.f32.msk $0xffff, v55  }
0x1ee: {  	s5 =	sadd.s32 $0x1, s12;
	s9 =	sshll.u32 s9, $0x4;
	s8 =	sor.u32 $0x380, s8;
	v40 =	vcvt.f32.s32 v41;
	v57 =	vadd.f32 v56, v10;
	[tilespmem:v45+s17+$0x0] =	vst.idx.add.f32.msk $0xffff, v0  }
0x1ef: {  	s0 =	sadd.s32 s9, s0;
	s13 =	sand.u32 $0x7, s5;
	v53 =	vld [tilespmem:s8+$0x0]  }
0x1f0: {  	s0 =	sor.u32 $0x380, s0;
	v59 =	vmul.f32 v49, v49;
	s8 =	sshll.u32 s13, $0x4;
	[tilespmem:v45+s18+$0x0] =	vst.idx.add.f32.msk $0xffff, v49;
	v41 =	vtrunc.f32 v57  }
0x1f1: {  	v52 =	vld [tilespmem:s0+$0x0];
	s23 =	sadd.s32 s8, s1;
	v41 =	vcvt.f32.s32 v41  }
0x1f2: {  	[tilespmem:v45+s19+$0x0] =	vst.idx.add.f32.msk $0xffff, v59;
	s0 =	sor.u32 $0x380, s23  }
0x1f3: {  	s26 =	sadd.s32 $0x1, s5;
	v49 =	vld [tilespmem:s0+$0x0]  }
0x1f4: {  	s5 =	sand.u32 $0x7, s26;
	v60 =	vmul.f32 v51, v51;
	[tilespmem:v40+s17+$0x0] =	vst.idx.add.f32.msk $0xffff, v0  }
0x1f5: {  	s5 =	sshll.u32 s5, $0x4;
	v56 =	vmul.f32 v53, v2;
	[tilespmem:v40+s18+$0x0] =	vst.idx.add.f32.msk $0xffff, v51  }
0x1f6: {  	s5 =	sadd.s32 s5, s2;
	[tilespmem:v40+s19+$0x0] =	vst.idx.add.f32.msk $0xffff, v60  }
0x1f7: {  	s1 =	sadd.s32 $0x1, s26;
	s0 =	sor.u32 $0x380, s5;
	v51 =	vmin.f32 v56, $1.600000000e+01;
	[tilespmem:v41+s17+$0x0] =	vst.idx.add.f32.msk $0xffff, v0  }
0x1f8: {  	v55 =	vmul.f32 v62, v62;
	s1 =	sand.u32 $0x7, s1;
	v59 =	vmul.f32 v52, v2;
	v40 =	vmax.f32 v51, $-3.200000000e+01;
	v51 =	vld [tilespmem:s0+$0x0]  }
0x1f9: {  	s1 =	sshll.u32 s1, $0x4;
	v40 =	vadd.f32 $2.013265920e+08, v40;
	[tilespmem:v41+s18+$0x0] =	vst.idx.add.f32.msk $0xffff, v62;
	v62 =	vmul.f32 v49, v2  }
0x1fa: {  	s8 =	sadd.s32 s1, s29;
	v57 =	vmin.f32 v59, $1.600000000e+01;
	[tilespmem:v41+s19+$0x0] =	vst.idx.add.f32.msk $0xffff, v55  }
0x1fb: {  	s0 =	sor.u32 $0x380, s8;
	v60 =	vmax.f32 v57, $-3.200000000e+01;
	v55 =	vadd.f32 $-2.013265920e+08, v40;
	[tilespmem:$0x1FF60] =	vst v62  }
0x1fc: {  	v41 =	vadd.f32 $2.013265920e+08, v60;
	v48 =	vld [tilespmem:s0+$0x0]  }
0x1fd: {  	v44 =	vmin.f32 v62, $1.600000000e+01;
	v47 =	vadd.f32 v55, v11  }
0x1fe: {  	v57 =	vadd.f32 $-2.013265920e+08, v41;
	v40 =	vmax.f32 v44, $-3.200000000e+01;
	v62 =	vmul.f32 v51, v2  }
0x1ff: {  	v60 =	vadd.f32 $2.013265920e+08, v40;
	v47 =	vtrunc.f32 v47  }
0x200: {  	v41 =	vadd.f32 v57, v11;
	v45 =	vmin.f32 v62, $1.600000000e+01;
	v47 =	vcvt.f32.s32 v47  }
0x201: {  	v60 =	vadd.f32 $-2.013265920e+08, v60;
	v44 =	vmax.f32 v45, $-3.200000000e+01;
	v40 =	vmul.f32 v48, v2  }
0x202: {  	v41 =	vtrunc.f32 v41;
	v45 =	vadd.f32 $2.013265920e+08, v44  }
0x203: {  	v41 =	vcvt.f32.s32 v41;
	v46 =	vadd.f32 v60, v11;
	[tilespmem:$0x1FFF0] =	vst v40;
	v44 =	vmin.f32 v40, $1.600000000e+01  }
0x204: {  	[tilespmem:v54+s18+$0x0] =	vst.idx.add.f32.msk $0xffff, v39;
	v39 =	vadd.f32 $-2.013265920e+08, v45;
	v40 =	vmax.f32 v44, $-3.200000000e+01  }
0x205: {  	v46 =	vtrunc.f32 v46;
	[tilespmem:v54+s19+$0x0] =	vst.idx.add.f32.msk $0xffff, v43;
	v40 =	vadd.f32 $2.013265920e+08, v40  }
0x206: {  	v44 =	vmul.f32 v53, v53;
	v43 =	vcvt.f32.s32 v46;
	[tilespmem:v47+s17+$0x0] =	vst.idx.add.f32.msk $0xffff, v0;
	v45 =	vadd.f32 v39, v11  }
0x207: {  	[tilespmem:v47+s18+$0x0] =	vst.idx.add.f32.msk $0xffff, v53;
	v53 =	vadd.f32 $-2.013265920e+08, v40  }
0x208: {  	[tilespmem:v47+s19+$0x0] =	vst.idx.add.f32.msk $0xffff, v44;
	v47 =	vtrunc.f32 v45  }
0x209: {  	[tilespmem:v41+s17+$0x0] =	vst.idx.add.f32.msk $0xffff, v0;
	v44 =	vmul.f32 v52, v52;
	v40 =	vcvt.f32.s32 v47;
	v54 =	vadd.f32 v53, v11  }
0x20a: {  	[tilespmem:v41+s18+$0x0] =	vst.idx.add.f32.msk $0xffff, v52  }
0x20b: {  	[tilespmem:v41+s19+$0x0] =	vst.idx.add.f32.msk $0xffff, v44;
	v52 =	vtrunc.f32 v54  }
0x20c: {  	[tilespmem:v43+s17+$0x0] =	vst.idx.add.f32.msk $0xffff, v0;
	v54 =	vmul.f32 v49, v49;
	v41 =	vcvt.f32.s32 v52  }
0x20d: {  	[tilespmem:v43+s18+$0x0] =	vst.idx.add.f32.msk $0xffff, v49  }
0x20e: {  	[tilespmem:v43+s19+$0x0] =	vst.idx.add.f32.msk $0xffff, v54  }
0x20f: {  	v46 =	vmul.f32 v51, v51;
	[tilespmem:v40+s17+$0x0] =	vst.idx.add.f32.msk $0xffff, v0  }
0x210: {  	[tilespmem:v40+s18+$0x0] =	vst.idx.add.f32.msk $0xffff, v51  }
0x211: {  	[tilespmem:v40+s19+$0x0] =	vst.idx.add.f32.msk $0xffff, v46  }
0x212: {  	v47 =	vmul.f32 v48, v48;
	[tilespmem:v41+s17+$0x0] =	vst.idx.add.f32.msk $0xffff, v0  }
0x213: {  	p0 =	seq.s32 s25, $0x7;
	s26 =	sshll.u32 s25, $0xD;
	[tilespmem:v41+s18+$0x0] =	vst.idx.add.f32.msk $0xffff, v48  }
0x214: {  	s1 =	simm.s32 @!p0 $0x0;
	s0 =	sadd.s32 @!p0 s26, s6;
	[tilespmem:v41+s19+$0x0] =	vst.idx.add.f32.msk $0xffff, v47  }
0x215: {  	[tilespmem:s1], [sflag:$0x1] =	stream.linear.gather @!p0 [hbm4b:s0+s1], $0x8000, $0x38;
	[tilespmem:$0x10700] =	vst v63  }
0x216: {  	s8 =	simm.s32 $0x0;
	_ =	swait.ge [sflag:s20], $0x8000  }
0x217: {  	s9 =	sand.u32 $0x70, s8;
	s10 =	sand.u32 $0x7C00, s8;
	[sflag:s20] =	ssyncset.done $0x0  }
0x218: {  	s1 =	sor.u32 s9, s10;
	[sflag:s20] =	ssyncadd.s32 $0xFFFF8000  }
0x219: {  	v48 =	vld [tilespmem:s1+$0x8000];
	_ =	sdelay $0x4  }
0x21a: {  	v54 =	vmul.f32 v48, v2;
	_ =	sdelay $0x1  }
0x21b: {  	v49 =	vmin.f32 v54, $1.600000000e+01  }
0x21c: {  	v41 =	vmax.f32 v49, $-3.200000000e+01  }
0x21d: {  	v41 =	vadd.f32 $2.013265920e+08, v41;
	_ =	sdelay $0x1  }
0x21e: {  	v43 =	vadd.f32 $-2.013265920e+08, v41;
	_ =	sdelay $0x1  }
0x21f: {  	v41 =	vadd.f32 v43, v3;
	_ =	sdelay $0x1  }
0x220: {  	v41 =	vtrunc.f32 v41  }
0x221: {  	v41 =	vcvt.f32.s32 v41;
	_ =	sdelay $0x4  }
0x222: {  	v31 =	vadd.f32 v21, v31  }
0x223: {  	vm1 =	vmmov vm1;
	v52 =	vsub.f32 v50, v58;
	v51 =	vmul.f32 v48, v48;
	[tilespmem:v41+s17+$0x0] =	vst.idx.add.f32.msk $0xffff, v0  }
0x224: {  	v18 =	vsub.f32 v18, v20;
	v20 =	vadd.f32 v37, v32;
	v21 =	vsel vm1, $0x3F800000, v1;
	[tilespmem:v41+s18+$0x0] =	vst.idx.add.f32.msk $0xffff, v48  }
0x225: {  	v29 =	vadd.f32 v21, v29;
	v58 =	vand.u32 $0x7FFFFFFF, v52;
	[tilespmem:v41+s19+$0x0] =	vst.idx.add.f32.msk $0xffff, v51  }
0x226: {  	v18 =	vand.u32 $0x7FFFFFFF, v18;
	v20 =	vadd.f32 v27, v20;
	vm1 =	vlt.f32 v58, v4;
	v41 =	vld [tilespmem:s1+$0x8080]  }
0x227: {  	v27 =	vadd.f32 v18, v34;
	v44 =	vsel vm1, $0x3F800000, v1;
	vm1 =	vlt.f32 v18, v4;
	v18 =	vld [tilespmem:$0x1FE20]  }
0x228: {  	v32 =	vadd.f32 v44, v29;
	v29 =	vld [tilespmem:$0x1FE30];
	_ =	sdelay $0x4  }
0x229: {  	v22 =	vand.u32 $0x7FFFFFFF, v22;
	v18 =	vsub.f32 v18, v29;
	v29 =	vmul.f32 v41, v2  }
0x22a: {  	v36 =	vadd.f32 v22, v36;
	v45 =	vsel vm1, $0x3F800000, v1  }
0x22b: {  	vm1 =	vlt.f32 v22, v4;
	v48 =	vsub.f32 v56, v55;
	v49 =	vmin.f32 v29, $1.600000000e+01  }
0x22c: {  	v34 =	vadd.f32 v45, v38;
	v50 =	vsel vm1, $0x3F800000, v1;
	v22 =	vmax.f32 v49, $-3.200000000e+01  }
0x22d: {  	v38 =	vand.u32 $0x7FFFFFFF, v48;
	v18 =	vand.u32 $0x7FFFFFFF, v18;
	v22 =	vadd.f32 $2.013265920e+08, v22  }
0x22e: {  	s11 =	simm.s32 $0x10;
	s31 =	simm.s32 $0x80;
	v35 =	vadd.f32 v50, v35;
	vm1 =	vlt.f32 v38, v4;
	v27 =	vadd.f32 v18, v27  }
0x22f: {  	s12 =	sand.u32 $0x7C00, s31;
	s0 =	sand.u32 $0x70, s11;
	vm2 =	vlt.f32 v18, v4;
	v18 =	vsel vm1, $0x3F800000, v1;
	v22 =	vadd.f32 $-2.013265920e+08, v22  }
0x230: {  	s5 =	sor.u32 s0, s12;
	v35 =	vadd.f32 v18, v35;
	v18 =	vsel vm2, $0x3F800000, v1  }
0x231: {  	v40 =	vld [tilespmem:s5+$0x8000];
	v34 =	vadd.f32 v18, v34;
	v18 =	vadd.f32 v22, v5  }
0x232: {  	v30 =	vadd.f32 v28, v30;
	v21 =	vld [tilespmem:$0x1FE00]  }
0x233: {  	vm0 =	vmmov vm0;
	v31 =	vadd.f32 v58, v31;
	v37 =	vld [tilespmem:$0x1FE10];
	v18 =	vtrunc.f32 v18  }
0x234: {  	vm0 =	vmmov vm0;
	v46 =	vld [tilespmem:$0x1FE40];
	vm1 =	vlt.f32 v28, v4;
	v56 =	vcvt.f32.s32 v18  }
0x235: {  	v23 =	vadd.f32 v23, v31;
	v31 =	vand.u32 $0x7FFFFFFF, v42;
	v47 =	vld [tilespmem:$0x1FE50];
	v55 =	vsel vm1, $0x3F800000, v1  }
0x236: {  	v28 =	vsub.f32 v63, v61;
	v44 =	vadd.f32 v55, v20;
	v20 =	vld [tilespmem:$0x1FE90];
	v18 =	vsel vm0, $0x3F800000, v1  }
0x237: {  	v42 =	vadd.f32 v31, v30;
	v30 =	vadd.f32 v18, v32;
	v18 =	vld [tilespmem:$0x1FE80]  }
0x238: {  	v51 =	vld [tilespmem:$0x1FE60];
	v28 =	vand.u32 $0x7FFFFFFF, v28  }
0x239: {  	v52 =	vld [tilespmem:$0x1FE70];
	vm0 =	vlt.f32 v28, v4  }
0x23a: {  	v58 =	vsel vm0, $0x3F800000, v1;
	[tilespmem:v56+s17+$0x0] =	vst.idx.add.f32.msk $0xffff, v0  }
0x23b: {  	vm0 =	vlt.f32 v31, v4;
	v31 =	vadd.f32 v58, v30;
	v30 =	vld [tilespmem:$0x1FEA0]  }
0x23c: {  	v20 =	vsub.f32 v18, v20;
	v18 =	vmul.f32 v40, v2;
	v61 =	vld [tilespmem:$0x1FEB0]  }
0x23d: {  	v16 =	vsub.f32 v16, v19  }
0x23e: {  	v19 =	vadd.f32 v28, v23;
	v28 =	vmul.f32 v41, v41;
	v23 =	vmin.f32 v18, $1.600000000e+01  }
0x23f: {  	v16 =	vand.u32 $0x7FFFFFFF, v16;
	[tilespmem:v56+s18+$0x0] =	vst.idx.add.f32.msk $0xffff, v41;
	v23 =	vmax.f32 v23, $-3.200000000e+01  }
0x240: {  	[tilespmem:v56+s19+$0x0] =	vst.idx.add.f32.msk $0xffff, v28;
	v28 =	vsel vm0, $0x3F800000, v1;
	vm0 =	vlt.f32 v16, v4;
	v23 =	vadd.f32 $2.013265920e+08, v23  }
0x241: {  	v27 =	vadd.f32 v16, v27;
	v16 =	vsel vm0, $0x3F800000, v1;
	v30 =	vsub.f32 v30, v61  }
0x242: {  	v34 =	vadd.f32 v16, v34;
	v16 =	vadd.f32 $-2.013265920e+08, v23;
	v23 =	vld [tilespmem:$0x1FEC0]  }
0x243: {  	v63 =	vand.u32 $0x7FFFFFFF, v30;
	v30 =	vld [tilespmem:$0x1FED0];
	_ =	sdelay $0x1  }
0x244: {  	v32 =	vld [tilespmem:s1+$0x8100]  }
0x245: {  	v36 =	vadd.f32 v38, v36;
	v38 =	vsub.f32 v51, v52  }
0x246: {  	v28 =	vadd.f32 v28, v44;
	v48 =	vadd.f32 v16, v3;
	vm1 =	vlt.f32 v63, v4  }
0x247: {  	v30 =	vsub.f32 v23, v30;
	v23 =	vand.u32 $0x7FFFFFFF, v24;
	v24 =	vsub.f32 v59, v57  }
0x248: {  	v44 =	vtrunc.f32 v48;
	vm0 =	vlt.f32 v23, v4;
	v36 =	vadd.f32 v23, v36  }
0x249: {  	v23 =	vmul.f32 v32, v2;
	v49 =	vsel vm0, $0x3F800000, v1;
	v24 =	vand.u32 $0x7FFFFFFF, v24  }
0x24a: {  	v50 =	vcvt.f32.s32 v44;
	v35 =	vadd.f32 v49, v35;
	vm0 =	vlt.f32 v24, v4  }
0x24b: {  	v36 =	vadd.f32 v24, v36;
	v51 =	vmin.f32 v23, $1.600000000e+01;
	v24 =	vsel vm0, $0x3F800000, v1  }
0x24c: {  	v44 =	vmax.f32 v51, $-3.200000000e+01;
	v35 =	vadd.f32 v24, v35;
	v24 =	vsel vm1, $0x3F800000, v1  }
0x24d: {  	v34 =	vadd.f32 v24, v34;
	v24 =	vadd.f32 $2.013265920e+08, v44  }
0x24e: {  	v12 =	vand.u32 $0x7FFFFFFF, v12;
	v55 =	vld [tilespmem:$0x1FF10]  }
0x24f: {  	v42 =	vadd.f32 v12, v42;
	vm1 =	vlt.f32 v12, v4;
	v12 =	vadd.f32 $-2.013265920e+08, v24;
	v24 =	vld [tilespmem:$0x1FF00];
	_ =	sdelay $0x4  }
0x250: {  	v52 =	vld [tilespmem:$0x1FEE0];
	v58 =	vadd.f32 v12, v6;
	v24 =	vsub.f32 v24, v55  }
0x251: {  	v45 =	vld [tilespmem:$0x1FEF0]  }
0x252: {  	v56 =	vmul.f32 v40, v40;
	[tilespmem:v50+s17+$0x0] =	vst.idx.add.f32.msk $0xffff, v0;
	v61 =	vand.u32 $0x7FFFFFFF, v24;
	v24 =	vtrunc.f32 v58  }
0x253: {  	[tilespmem:v50+s18+$0x0] =	vst.idx.add.f32.msk $0xffff, v40;
	v40 =	vcvt.f32.s32 v24  }
0x254: {  	v14 =	vsub.f32 v14, v17;
	[tilespmem:v50+s19+$0x0] =	vst.idx.add.f32.msk $0xffff, v56  }
0x255: {  	v21 =	vsub.f32 v21, v37;
	v38 =	vand.u32 $0x7FFFFFFF, v38;
	v41 =	vld [tilespmem:s5+$0x8080]  }
0x256: {  	v14 =	vand.u32 $0x7FFFFFFF, v14;
	v37 =	vsub.f32 v46, v47;
	v42 =	vadd.f32 v38, v42  }
0x257: {  	vm3 =	vlt.f32 v14, v4;
	v19 =	vadd.f32 v33, v19;
	v44 =	vsub.f32 v52, v45;
	v45 =	vld [tilespmem:$0x1FF30]  }
0x258: {  	vm0 =	vlt.f32 v33, v4;
	v57 =	vsel vm1, $0x3F800000, v1;
	vm1 =	vlt.f32 v38, v4;
	v24 =	vld [tilespmem:$0x1FF20]  }
0x259: {  	v28 =	vadd.f32 v57, v28;
	v33 =	vadd.f32 v61, v19;
	[tilespmem:v40+s17+$0x0] =	vst.idx.add.f32.msk $0xffff, v0  }
0x25a: {  	v13 =	vand.u32 $0x7FFFFFFF, v13;
	v19 =	vmul.f32 v41, v2;
	[tilespmem:v40+s18+$0x0] =	vst.idx.add.f32.msk $0xffff, v32;
	v32 =	vmul.f32 v32, v32  }
0x25b: {  	vm2 =	vlt.f32 v13, v4;
	v27 =	vadd.f32 v63, v27;
	v47 =	vsel vm1, $0x3F800000, v1  }
0x25c: {  	v17 =	vadd.f32 v13, v42;
	v38 =	vadd.f32 v47, v28;
	v28 =	vmin.f32 v19, $1.600000000e+01;
	[tilespmem:v40+s19+$0x0] =	vst.idx.add.f32.msk $0xffff, v32  }
0x25d: {  	v27 =	vadd.f32 v14, v27;
	v48 =	vand.u32 $0x7FFFFFFF, v44;
	v28 =	vmax.f32 v28, $-3.200000000e+01;
	v14 =	vld [tilespmem:$0x1FF40]  }
0x25e: {  	s30 =	simm.s32 $0x100;
	s13 =	simm.s32 $0x20;
	v13 =	vsel vm3, $0x3F800000, v1;
	v42 =	vadd.f32 v48, v17;
	v17 =	vadd.f32 $2.013265920e+08, v28;
	v28 =	vld [tilespmem:$0x1FF50]  }
0x25f: {  	s23 =	sand.u32 $0x7C00, s30;
	s0 =	sand.u32 $0x70, s13;
	v34 =	vadd.f32 v13, v34;
	v13 =	vld [tilespmem:$0x1FF60]  }
0x260: {  	s13 =	sor.u32 s0, s23  }
0x261: {  	vm0 =	vmmov vm0;
	v44 =	vld [tilespmem:s13+$0x8000]  }
0x262: {  	vm0 =	vmmov vm0  }
0x263: {  	v59 =	vsel vm0, $0x3F800000, v1;
	v49 =	vsub.f32 v14, v28;
	v14 =	vand.u32 $0x7FFFFFFF, v21;
	v21 =	vld [tilespmem:s1+$0x8180]  }
0x264: {  	v28 =	vadd.f32 $-2.013265920e+08, v17;
	v13 =	vsub.f32 v13, v60;
	vm3 =	vlt.f32 v14, v4  }
0x265: {  	v24 =	vsub.f32 v24, v45;
	v14 =	vadd.f32 v14, v36;
	v17 =	vsel vm3, $0x3F800000, v1  }
0x266: {  	v50 =	vadd.f32 v28, v5;
	v51 =	vand.u32 $0x7FFFFFFF, v13;
	v13 =	vmul.f32 v44, v2  }
0x267: {  	v32 =	vand.u32 $0x7FFFFFFF, v49;
	v17 =	vadd.f32 v17, v35;
	v40 =	vadd.f32 v51, v14  }
0x268: {  	vm3 =	vlt.f32 v51, v4;
	v52 =	vtrunc.f32 v50;
	v14 =	vmul.f32 v21, v2  }
0x269: {  	v46 =	vadd.f32 v32, v27;
	v55 =	vmin.f32 v13, $1.600000000e+01;
	v35 =	vcvt.f32.s32 v52  }
0x26a: {  	v56 =	vsel vm3, $0x3F800000, v1;
	v36 =	vmax.f32 v55, $-3.200000000e+01;
	v57 =	vmin.f32 v14, $1.600000000e+01  }
0x26b: {  	v45 =	vadd.f32 v56, v17;
	v17 =	vadd.f32 $2.013265920e+08, v36;
	v27 =	vmax.f32 v57, $-3.200000000e+01  }
0x26c: {  	v31 =	vadd.f32 v59, v31;
	v59 =	vld [tilespmem:$0x1FF70];
	v27 =	vadd.f32 $2.013265920e+08, v27  }
0x26d: {  	v60 =	vld [tilespmem:$0x1FF80];
	v17 =	vadd.f32 $-2.013265920e+08, v17  }
0x26e: {  	v37 =	vand.u32 $0x7FFFFFFF, v37;
	vm0 =	vlt.f32 v61, v4;
	v27 =	vadd.f32 $-2.013265920e+08, v27  }
0x26f: {  	v58 =	vsel vm2, $0x3F800000, v1;
	vm3 =	vlt.f32 v32, v4;
	v61 =	vadd.f32 v17, v3;
	[tilespmem:v35+s17+$0x0] =	vst.idx.add.f32.msk $0xffff, v0  }
0x270: {  	v32 =	vsel vm3, $0x3F800000, v1;
	v36 =	vadd.f32 v58, v38;
	v52 =	vld [tilespmem:$0x1FF90];
	v58 =	vadd.f32 v27, v7  }
0x271: {  	v63 =	vsel vm0, $0x3F800000, v1;
	v34 =	vadd.f32 v32, v34;
	v55 =	vld [tilespmem:$0x1FFA0];
	v57 =	vtrunc.f32 v61  }
0x272: {  	v32 =	vsub.f32 v59, v60;
	v60 =	vcvt.f32.s32 v57;
	v47 =	vtrunc.f32 v58  }
0x273: {  	v31 =	vadd.f32 v63, v31;
	v63 =	vmul.f32 v41, v41;
	v47 =	vcvt.f32.s32 v47  }
0x274: {  	s28 =	simm.s32 $0x180;
	s9 =	simm.s32 $0x30;
	vm0 =	vlt.f32 v37, v4;
	[tilespmem:v35+s18+$0x0] =	vst.idx.add.f32.msk $0xffff, v41  }
0x275: {  	s10 =	sand.u32 $0x7C00, s28;
	s0 =	sand.u32 $0x70, s9;
	vm1 =	vmmov vm0;
	vm0 =	vlt.f32 v48, v4;
	[tilespmem:v35+s19+$0x0] =	vst.idx.add.f32.msk $0xffff, v63  }
0x276: {  	v25 =	vsub.f32 v25, v26;
	s2 =	sor.u32 s0, s10;
	v26 =	vsel vm0, $0x3F800000, v1;
	v41 =	vld [tilespmem:s5+$0x8100];
	v38 =	vsub.f32 v52, v55  }
0x277: {  	vm1 =	vmmov vm1;
	v26 =	vadd.f32 v26, v36;
	v36 =	vld [tilespmem:s2+$0x8000]  }
0x278: {  	v15 =	vand.u32 $0x7FFFFFFF, v15;
	v56 =	vsel vm1, $0x3F800000, v1;
	v59 =	vand.u32 $0x7FFFFFFF, v38;
	[tilespmem:v60+s17+$0x0] =	vst.idx.add.f32.msk $0xffff, v0  }
0x279: {  	v20 =	vand.u32 $0x7FFFFFFF, v20;
	v31 =	vadd.f32 v56, v31;
	vm1 =	vlt.f32 v59, v4;
	[tilespmem:v47+s17+$0x0] =	vst.idx.add.f32.msk $0xffff, v0  }
0x27a: {  	v33 =	vadd.f32 v37, v33;
	v63 =	vand.u32 $0x7FFFFFFF, v32;
	v61 =	vsel vm1, $0x3F800000, v1;
	v50 =	vld [tilespmem:$0x1FFB0]  }
0x27b: {  	v32 =	vmul.f32 v41, v2;
	v48 =	vadd.f32 v61, v31;
	v31 =	vadd.f32 v15, v42;
	v51 =	vld [tilespmem:$0x1FFC0]  }
0x27c: {  	v49 =	vmul.f32 v21, v21;
	v56 =	vmul.f32 v44, v44;
	v42 =	vand.u32 $0x7FFFFFFF, v25  }
0x27d: {  	v25 =	vadd.f32 v63, v31;
	v31 =	vadd.f32 v42, v46;
	v46 =	vmin.f32 v32, $1.600000000e+01  }
0x27e: {  	vm2 =	vlt.f32 v42, v4;
	[tilespmem:v60+s18+$0x0] =	vst.idx.add.f32.msk $0xffff, v44;
	v44 =	vmul.f32 v36, v2;
	v37 =	vmax.f32 v46, $-3.200000000e+01  }
0x27f: {  	v33 =	vadd.f32 v59, v33;
	[tilespmem:v47+s18+$0x0] =	vst.idx.add.f32.msk $0xffff, v21;
	v52 =	vsel vm2, $0x3F800000, v1;
	v21 =	vadd.f32 $2.013265920e+08, v37  }
0x280: {  	vm2 =	vlt.f32 v15, v4;
	v59 =	vmin.f32 v44, $1.600000000e+01;
	v42 =	vsub.f32 v50, v51  }
0x281: {  	[tilespmem:v47+s19+$0x0] =	vst.idx.add.f32.msk $0xffff, v49;
	v46 =	vadd.f32 $-2.013265920e+08, v21;
	v21 =	vsel vm2, $0x3F800000, v1;
	vm2 =	vlt.f32 v20, v4  }
0x282: {  	v20 =	vadd.f32 v20, v40;
	v40 =	vmax.f32 v59, $-3.200000000e+01;
	v55 =	vand.u32 $0x7FFFFFFF, v42;
	v42 =	vld [tilespmem:s1+$0x8200]  }
0x283: {  	v40 =	vadd.f32 $2.013265920e+08, v40;
	v57 =	vadd.f32 v46, v6  }
0x284: {  	v39 =	vsub.f32 v62, v39  }
0x285: {  	v22 =	vsub.f32 v29, v22;
	[tilespmem:v60+s19+$0x0] =	vst.idx.add.f32.msk $0xffff, v56;
	v40 =	vadd.f32 $-2.013265920e+08, v40;
	v35 =	vtrunc.f32 v57  }
0x286: {  	v38 =	vld [tilespmem:s13+$0x8080];
	v58 =	vsel vm2, $0x3F800000, v1;
	v31 =	vadd.f32 v55, v31;
	v35 =	vcvt.f32.s32 v35  }
0x287: {  	vm2 =	vlt.f32 v55, v4;
	v55 =	vadd.f32 v40, v3;
	v47 =	vmul.f32 v42, v2  }
0x288: {  	v30 =	vand.u32 $0x7FFFFFFF, v30;
	vm0 =	vlt.f32 v63, v4;
	v61 =	vand.u32 $0x7FFFFFFF, v39  }
0x289: {  	vm3 =	vlt.f32 v61, v4;
	v49 =	vtrunc.f32 v55;
	v62 =	vmin.f32 v47, $1.600000000e+01  }
0x28a: {  	v56 =	vld [tilespmem:$0x1FFD0];
	v60 =	vadd.f32 v58, v45;
	v49 =	vcvt.f32.s32 v49;
	v63 =	vmax.f32 v62, $-3.200000000e+01  }
0x28b: {  	v39 =	vadd.f32 v61, v20;
	v20 =	vmul.f32 v38, v2;
	v57 =	vld [tilespmem:$0x1FFE0];
	v37 =	vadd.f32 $2.013265920e+08, v63  }
0x28c: {  	v15 =	vadd.f32 v52, v34;
	v52 =	vsel vm3, $0x3F800000, v1;
	v59 =	vmul.f32 v41, v41;
	[tilespmem:v35+s17+$0x0] =	vst.idx.add.f32.msk $0xffff, v0  }
0x28d: {  	v45 =	vadd.f32 v52, v60;
	v58 =	vmin.f32 v20, $1.600000000e+01;
	[tilespmem:v35+s18+$0x0] =	vst.idx.add.f32.msk $0xffff, v41;
	v52 =	vadd.f32 $-2.013265920e+08, v37  }
0x28e: {  	vm1 =	vlt.f32 v30, v4;
	v30 =	vadd.f32 v30, v33;
	v61 =	vmax.f32 v58, $-3.200000000e+01;
	[tilespmem:v35+s19+$0x0] =	vst.idx.add.f32.msk $0xffff, v59  }
0x28f: {  	v62 =	vadd.f32 $2.013265920e+08, v61;
	v50 =	vld [tilespmem:s5+$0x8180];
	v63 =	vadd.f32 v52, v8  }
0x290: {  	vm1 =	vmmov vm1;
	v34 =	vsub.f32 v56, v57;
	v57 =	vmul.f32 v36, v36;
	[tilespmem:v49+s17+$0x0] =	vst.idx.add.f32.msk $0xffff, v0  }
0x291: {  	v26 =	vadd.f32 v21, v26;
	v21 =	vadd.f32 $-2.013265920e+08, v62;
	[tilespmem:v49+s18+$0x0] =	vst.idx.add.f32.msk $0xffff, v36;
	v51 =	vtrunc.f32 v63  }
0x292: {  	vm1 =	vmmov vm1;
	v60 =	vsel vm2, $0x3F800000, v1;
	[tilespmem:v49+s19+$0x0] =	vst.idx.add.f32.msk $0xffff, v57;
	v35 =	vcvt.f32.s32 v51  }
0x293: {  	s29 =	simm.s32 $0x200;
	s11 =	simm.s32 $0x40;
	v58 =	vsel vm0, $0x3F800000, v1;
	v34 =	vand.u32 $0x7FFFFFFF, v34;
	v56 =	vadd.f32 v21, v5;
	v33 =	vld [tilespmem:$0x1FFF0]  }
0x294: {  	s12 =	sand.u32 $0x7C00, s29;
	s0 =	sand.u32 $0x70, s11;
	v37 =	vadd.f32 v60, v15;
	v15 =	vsel vm1, $0x3F800000, v1;
	vm1 =	vlt.f32 v34, v4  }
0x295: {  	s0 =	sor.u32 s0, s12;
	v34 =	vadd.f32 v34, v30;
	v30 =	vtrunc.f32 v56;
	v41 =	vmul.f32 v50, v2  }
0x296: {  	v59 =	vand.u32 $0x7FFFFFFF, v24;
	v15 =	vadd.f32 v15, v48;
	v48 =	vld [tilespmem:s0+$0x8000];
	v30 =	vcvt.f32.s32 v30  }
0x297: {  	v24 =	vadd.f32 v58, v26;
	v60 =	vmul.f32 v42, v42;
	v26 =	vmin.f32 v41, $1.600000000e+01  }
0x298: {  	vm0 =	vlt.f32 v59, v4;
	v33 =	vsub.f32 v33, v53;
	v26 =	vmax.f32 v26, $-3.200000000e+01;
	[tilespmem:v35+s17+$0x0] =	vst.idx.add.f32.msk $0xffff, v0  }
0x299: {  	v39 =	vadd.f32 v59, v39;
	v61 =	vsel vm0, $0x3F800000, v1;
	v62 =	vadd.f32 $2.013265920e+08, v26;
	[tilespmem:v35+s18+$0x0] =	vst.idx.add.f32.msk $0xffff, v42  }
0x29a: {  	v12 =	vsub.f32 v23, v12;
	v63 =	vadd.f32 v61, v45;
	v33 =	vand.u32 $0x7FFFFFFF, v33;
	[tilespmem:v35+s19+$0x0] =	vst.idx.add.f32.msk $0xffff, v60  }
0x29b: {  	v45 =	vmul.f32 v48, v2;
	v26 =	vadd.f32 v33, v39;
	v39 =	vadd.f32 $-2.013265920e+08, v62;
	v49 =	vld [tilespmem:s1+$0x8280]  }
0x29c: {  	v19 =	vsub.f32 v19, v28;
	v55 =	vsel vm1, $0x3F800000, v1;
	v51 =	vmul.f32 v38, v38;
	[tilespmem:v30+s17+$0x0] =	vst.idx.add.f32.msk $0xffff, v0  }
0x29d: {  	v15 =	vadd.f32 v55, v15;
	v53 =	vmin.f32 v45, $1.600000000e+01;
	[tilespmem:v30+s18+$0x0] =	vst.idx.add.f32.msk $0xffff, v38;
	v23 =	vadd.f32 v39, v7  }
0x29e: {  	v56 =	vsub.f32 v54, v43;
	v55 =	vmax.f32 v53, $-3.200000000e+01;
	vm0 =	vlt.f32 v33, v4;
	[tilespmem:v30+s19+$0x0] =	vst.idx.add.f32.msk $0xffff, v51  }
0x29f: {  	v30 =	vadd.f32 $2.013265920e+08, v55;
	v42 =	vand.u32 $0x7FFFFFFF, v12;
	v43 =	vld [tilespmem:s13+$0x8100];
	v12 =	vtrunc.f32 v23  }
0x2a0: {  	v36 =	vld [tilespmem:s2+$0x8080];
	v33 =	vsel vm0, $0x3F800000, v1;
	v12 =	vcvt.f32.s32 v12;
	v23 =	vmul.f32 v49, v2  }
0x2a1: {  	v61 =	vsub.f32 v47, v52;
	v58 =	vmul.f32 v50, v50;
	v35 =	vadd.f32 v33, v63  }
0x2a2: {  	v57 =	vadd.f32 $-2.013265920e+08, v30;
	v33 =	vsub.f32 v13, v17;
	v13 =	vmin.f32 v23, $1.600000000e+01  }
0x2a3: {  	v30 =	vsub.f32 v14, v27;
	v17 =	vsub.f32 v44, v40;
	v13 =	vmax.f32 v13, $-3.200000000e+01  }
0x2a4: {  	v14 =	vadd.f32 v57, v3;
	v40 =	vmul.f32 v43, v2;
	v13 =	vadd.f32 $2.013265920e+08, v13  }
0x2a5: {  	v53 =	vsub.f32 v18, v16;
	v18 =	vsub.f32 v32, v46;
	v16 =	vmul.f32 v36, v2  }
0x2a6: {  	v14 =	vtrunc.f32 v14;
	v59 =	vmin.f32 v40, $1.600000000e+01;
	[tilespmem:v12+s17+$0x0] =	vst.idx.add.f32.msk $0xffff, v0;
	v60 =	vadd.f32 $-2.013265920e+08, v13  }
0x2a7: {  	v27 =	vand.u32 $0x7FFFFFFF, v18;
	v14 =	vcvt.f32.s32 v14;
	v18 =	vmax.f32 v59, $-3.200000000e+01;
	[tilespmem:v12+s18+$0x0] =	vst.idx.add.f32.msk $0xffff, v50  }
0x2a8: {  	v18 =	vadd.f32 $2.013265920e+08, v18;
	v13 =	vmin.f32 v16, $1.600000000e+01;
	[tilespmem:v12+s19+$0x0] =	vst.idx.add.f32.msk $0xffff, v58;
	v12 =	vadd.f32 v60, v9  }
0x2a9: {  	v52 =	vand.u32 $0x7FFFFFFF, v61;
	v38 =	vand.u32 $0x7FFFFFFF, v56;
	v13 =	vmax.f32 v13, $-3.200000000e+01;
	v44 =	vld [tilespmem:s5+$0x8200]  }
0x2aa: {  	v63 =	vadd.f32 $-2.013265920e+08, v18;
	v13 =	vadd.f32 $2.013265920e+08, v13;
	v12 =	vtrunc.f32 v12  }
0x2ab: {  	vm3 =	vlt.f32 v52, v4;
	v62 =	vadd.f32 v38, v25;
	v12 =	vcvt.f32.s32 v12  }
0x2ac: {  	v25 =	vmul.f32 v48, v48;
	v18 =	vadd.f32 $-2.013265920e+08, v13;
	v13 =	vadd.f32 v63, v6  }
0x2ad: {  	v46 =	vand.u32 $0x7FFFFFFF, v53;
	vm0 =	vlt.f32 v42, v4;
	v42 =	vadd.f32 v42, v34;
	[tilespmem:v14+s17+$0x0] =	vst.idx.add.f32.msk $0xffff, v0  }
0x2ae: {  	vm2 =	vmmov vm0;
	[tilespmem:v14+s18+$0x0] =	vst.idx.add.f32.msk $0xffff, v48;
	v13 =	vtrunc.f32 v13;
	v29 =	vmul.f32 v44, v2  }
0x2af: {  	v52 =	vadd.f32 v52, v62;
	[tilespmem:v14+s19+$0x0] =	vst.idx.add.f32.msk $0xffff, v25;
	v14 =	vand.u32 $0x7FFFFFFF, v22;
	v22 =	vcvt.f32.s32 v13  }
0x2b0: {  	v55 =	vmul.f32 v49, v49;
	v48 =	vsel vm3, $0x3F800000, v1;
	v54 =	vmin.f32 v29, $1.600000000e+01  }
0x2b1: {  	v40 =	vsub.f32 v40, v63;
	v25 =	vsub.f32 v41, v39;
	v41 =	vmax.f32 v54, $-3.200000000e+01;
	[tilespmem:v12+s17+$0x0] =	vst.idx.add.f32.msk $0xffff, v0  }
0x2b2: {  	v31 =	vadd.f32 v14, v31;
	vm3 =	vlt.f32 v14, v4;
	v14 =	vadd.f32 $2.013265920e+08, v41;
	[tilespmem:v12+s18+$0x0] =	vst.idx.add.f32.msk $0xffff, v49  }
0x2b3: {  	v23 =	vsub.f32 v23, v60;
	v13 =	vsub.f32 v45, v57;
	v57 =	vsel vm3, $0x3F800000, v1;
	[tilespmem:v12+s19+$0x0] =	vst.idx.add.f32.msk $0xffff, v55  }
0x2b4: {  	vm0 =	vlt.f32 v38, v4;
	v37 =	vadd.f32 v57, v37;
	v58 =	vadd.f32 $-2.013265920e+08, v14;
	v41 =	vld [tilespmem:s1+$0x8300]  }
0x2b5: {  	v54 =	vadd.f32 v18, v5;
	v14 =	vand.u32 $0x7FFFFFFF, v23;
	v23 =	vmul.f32 v43, v43;
	[tilespmem:v22+s17+$0x0] =	vst.idx.add.f32.msk $0xffff, v0  }
0x2b6: {  	v56 =	vsel vm0, $0x3F800000, v1;
	v49 =	vadd.f32 v14, v31;
	[tilespmem:v22+s18+$0x0] =	vst.idx.add.f32.msk $0xffff, v43;
	v61 =	vadd.f32 v58, v8  }
0x2b7: {  	vm0 =	vlt.f32 v14, v4;
	[tilespmem:v22+s19+$0x0] =	vst.idx.add.f32.msk $0xffff, v23;
	v23 =	vand.u32 $0x7FFFFFFF, v40;
	v40 =	vtrunc.f32 v54  }
0x2b8: {  	v32 =	vld [tilespmem:s0+$0x8080];
	v31 =	vsel vm0, $0x3F800000, v1;
	v62 =	vtrunc.f32 v61;
	v40 =	vcvt.f32.s32 v40  }
0x2b9: {  	v37 =	vadd.f32 v31, v37;
	v22 =	vld [tilespmem:s13+$0x8180];
	v31 =	vcvt.f32.s32 v62;
	v63 =	vmul.f32 v41, v2  }
0x2ba: {  	s23 =	simm.s32 $0x50;
	vm1 =	vlt.f32 v27, v4;
	vm2 =	vmmov vm2;
	v30 =	vand.u32 $0x7FFFFFFF, v30;
	s1 =	simm.s32 $0x280  }
0x2bb: {  	s9 =	sand.u32 $0x70, s23;
	vm1 =	vmmov vm1;
	v26 =	vadd.f32 v30, v26;
	s10 =	sand.u32 $0x7C00, s1;
	v55 =	vmin.f32 v63, $1.600000000e+01  }
0x2bc: {  	v39 =	vadd.f32 v46, v52;
	v45 =	vadd.f32 v56, v24;
	s23 =	sor.u32 s9, s10;
	v38 =	vmax.f32 v55, $-3.200000000e+01  }
0x2bd: {  	v57 =	vmul.f32 v44, v44;
	v12 =	vmul.f32 v32, v2;
	v50 =	vld [tilespmem:s23+$0x8000];
	v38 =	vadd.f32 $2.013265920e+08, v38  }
0x2be: {  	v24 =	vsel vm2, $0x3F800000, v1;
	v29 =	vsub.f32 v29, v58;
	v47 =	vmul.f32 v22, v2;
	[tilespmem:v40+s17+$0x0] =	vst.idx.add.f32.msk $0xffff, v0  }
0x2bf: {  	v15 =	vadd.f32 v24, v15;
	v59 =	vmin.f32 v12, $1.600000000e+01;
	[tilespmem:v31+s17+$0x0] =	vst.idx.add.f32.msk $0xffff, v0;
	v38 =	vadd.f32 $-2.013265920e+08, v38  }
0x2c0: {  	v60 =	vmax.f32 v59, $-3.200000000e+01;
	v29 =	vand.u32 $0x7FFFFFFF, v29;
	v56 =	vmin.f32 v47, $1.600000000e+01;
	[tilespmem:v40+s18+$0x0] =	vst.idx.add.f32.msk $0xffff, v36  }
0x2c1: {  	v14 =	vadd.f32 $2.013265920e+08, v60;
	v51 =	vmax.f32 v56, $-3.200000000e+01;
	[tilespmem:v31+s18+$0x0] =	vst.idx.add.f32.msk $0xffff, v44;
	v59 =	vadd.f32 v38, v10  }
0x2c2: {  	v60 =	vmul.f32 v36, v36;
	v61 =	vmul.f32 v50, v2;
	v58 =	vadd.f32 $2.013265920e+08, v51;
	[tilespmem:v31+s19+$0x0] =	vst.idx.add.f32.msk $0xffff, v57  }
0x2c3: {  	vm2 =	vlt.f32 v29, v4;
	v14 =	vadd.f32 $-2.013265920e+08, v14;
	v52 =	vld [tilespmem:s5+$0x8280];
	v44 =	vtrunc.f32 v59  }
0x2c4: {  	v24 =	vmin.f32 v61, $1.600000000e+01;
	[tilespmem:v40+s19+$0x0] =	vst.idx.add.f32.msk $0xffff, v60;
	v34 =	vadd.f32 $-2.013265920e+08, v58;
	v44 =	vcvt.f32.s32 v44  }
0x2c5: {  	v40 =	vadd.f32 v48, v45;
	v60 =	vmul.f32 v41, v41;
	v38 =	vsub.f32 v63, v38  }
0x2c6: {  	v31 =	vsel vm2, $0x3F800000, v1;
	v63 =	vmax.f32 v24, $-3.200000000e+01;
	v62 =	vadd.f32 v34, v7  }
0x2c7: {  	v56 =	vadd.f32 $2.013265920e+08, v63;
	v38 =	vand.u32 $0x7FFFFFFF, v38;
	v24 =	vsub.f32 v47, v34  }
0x2c8: {  	v47 =	vld [tilespmem:s2+$0x8100];
	vm2 =	vlt.f32 v38, v4;
	v36 =	vtrunc.f32 v62;
	v58 =	vmul.f32 v52, v2  }
0x2c9: {  	s8 =	sand.u32 $0x7, s8;
	v51 =	vadd.f32 v14, v5;
	v55 =	vsel vm2, $0x3F800000, v1;
	v57 =	vcvt.f32.s32 v36  }
0x2ca: {  	s8 =	sshll.u32 s8, $0x4;
	v59 =	vadd.f32 $-2.013265920e+08, v56;
	v34 =	vadd.f32 v55, v15;
	v28 =	vmin.f32 v58, $1.600000000e+01;
	[tilespmem:v44+s17+$0x0] =	vst.idx.add.f32.msk $0xffff, v0  }
0x2cb: {  	s8 =	sadd.s32 $0x0, s8;
	v36 =	vadd.f32 v38, v42;
	v38 =	vadd.f32 v29, v39;
	v28 =	vmax.f32 v28, $-3.200000000e+01;
	[tilespmem:v44+s18+$0x0] =	vst.idx.add.f32.msk $0xffff, v41  }
0x2cc: {  	s8 =	sor.u32 $0x380, s8;
	v33 =	vand.u32 $0x7FFFFFFF, v33;
	v29 =	vadd.f32 v59, v3;
	v28 =	vadd.f32 $2.013265920e+08, v28;
	[tilespmem:v44+s19+$0x0] =	vst.idx.add.f32.msk $0xffff, v60  }
0x2cd: {  	v15 =	vsub.f32 v61, v59;
	v61 =	vand.u32 $0x7FFFFFFF, v19;
	v41 =	vmul.f32 v47, v2;
	v19 =	vld [tilespmem:s8+$0x8000]  }
0x2ce: {  	v62 =	vmul.f32 v22, v22;
	v29 =	vtrunc.f32 v29;
	v28 =	vadd.f32 $-2.013265920e+08, v28  }
0x2cf: {  	vm2 =	vlt.f32 v46, v4;
	v29 =	vcvt.f32.s32 v29;
	[tilespmem:v57+s17+$0x0] =	vst.idx.add.f32.msk $0xffff, v0;
	v54 =	vmin.f32 v41, $1.600000000e+01  }
0x2d0: {  	vm3 =	vlt.f32 v61, v4;
	[tilespmem:v57+s18+$0x0] =	vst.idx.add.f32.msk $0xffff, v22;
	v55 =	vadd.f32 v28, v9;
	v42 =	vmax.f32 v54, $-3.200000000e+01  }
0x2d1: {  	v63 =	vadd.f32 v61, v49;
	v56 =	vsel vm3, $0x3F800000, v1;
	[tilespmem:v57+s19+$0x0] =	vst.idx.add.f32.msk $0xffff, v62;
	v22 =	vadd.f32 $2.013265920e+08, v42  }
0x2d2: {  	v48 =	vadd.f32 v56, v37;
	v46 =	vld [tilespmem:s13+$0x8200];
	v39 =	vtrunc.f32 v55;
	v45 =	vmul.f32 v19, v2  }
0x2d3: {  	v28 =	vsub.f32 v58, v28;
	v37 =	vcvt.f32.s32 v39;
	v22 =	vadd.f32 $-2.013265920e+08, v22  }
0x2d4: {  	v57 =	vmul.f32 v50, v50;
	v62 =	vmul.f32 v52, v52;
	v59 =	vmin.f32 v45, $1.600000000e+01  }
0x2d5: {  	v42 =	vsel vm2, $0x3F800000, v1;
	[tilespmem:v29+s17+$0x0] =	vst.idx.add.f32.msk $0xffff, v0;
	v58 =	vadd.f32 v22, v6;
	v60 =	vmax.f32 v59, $-3.200000000e+01  }
0x2d6: {  	v28 =	vand.u32 $0x7FFFFFFF, v28;
	vm2 =	vlt.f32 v30, v4;
	[tilespmem:v29+s18+$0x0] =	vst.idx.add.f32.msk $0xffff, v50;
	v61 =	vadd.f32 $2.013265920e+08, v60  }
0x2d7: {  	v39 =	vadd.f32 v28, v63;
	[tilespmem:v29+s19+$0x0] =	vst.idx.add.f32.msk $0xffff, v57;
	v44 =	vmul.f32 v46, v2;
	v29 =	vtrunc.f32 v58  }
0x2d8: {  	v49 =	vld [tilespmem:s23+$0x8080];
	v22 =	vsub.f32 v41, v22;
	v29 =	vcvt.f32.s32 v29;
	v41 =	vadd.f32 $-2.013265920e+08, v61  }
0x2d9: {  	v63 =	vsel vm2, $0x3F800000, v1;
	vm2 =	vlt.f32 v28, v4;
	v55 =	vmin.f32 v44, $1.600000000e+01;
	[tilespmem:v37+s17+$0x0] =	vst.idx.add.f32.msk $0xffff, v0  }
0x2da: {  	v30 =	vand.u32 $0x7FFFFFFF, v22;
	v22 =	vmax.f32 v55, $-3.200000000e+01;
	[tilespmem:v37+s18+$0x0] =	vst.idx.add.f32.msk $0xffff, v52;
	v28 =	vadd.f32 v41, v11  }
0x2db: {  	vm0 =	vlt.f32 v23, v4;
	v59 =	vadd.f32 v63, v35;
	v57 =	vadd.f32 $2.013265920e+08, v22;
	[tilespmem:v37+s19+$0x0] =	vst.idx.add.f32.msk $0xffff, v62  }
0x2dc: {  	v63 =	vsel vm2, $0x3F800000, v1;
	v43 =	vld [tilespmem:s5+$0x8300];
	v58 =	vsub.f32 v45, v41;
	v28 =	vtrunc.f32 v28  }
0x2dd: {  	v22 =	vmul.f32 v49, v2;
	v60 =	vadd.f32 $-2.013265920e+08, v57;
	v28 =	vcvt.f32.s32 v28  }
0x2de: {  	v56 =	vmul.f32 v47, v47;
	v41 =	vadd.f32 v63, v48;
	v37 =	vand.u32 $0x7FFFFFFF, v58;
	[tilespmem:v29+s17+$0x0] =	vst.idx.add.f32.msk $0xffff, v0  }
0x2df: {  	v61 =	vmin.f32 v22, $1.600000000e+01;
	v62 =	vadd.f32 v60, v8;
	vm3 =	vlt.f32 v37, v4;
	[tilespmem:v29+s18+$0x0] =	vst.idx.add.f32.msk $0xffff, v47  }
0x2e0: {  	v35 =	vadd.f32 v37, v26;
	v26 =	vmax.f32 v61, $-3.200000000e+01;
	v37 =	vsel vm3, $0x3F800000, v1;
	[tilespmem:v29+s19+$0x0] =	vst.idx.add.f32.msk $0xffff, v56  }
0x2e1: {  	v26 =	vadd.f32 $2.013265920e+08, v26;
	v29 =	vtrunc.f32 v62;
	v48 =	vmul.f32 v43, v2;
	v47 =	vld [tilespmem:s2+$0x8180]  }
0x2e2: {  	v45 =	vsub.f32 v44, v60;
	v37 =	vadd.f32 v37, v59;
	v50 =	vcvt.f32.s32 v29  }
0x2e3: {  	s9 =	simm.s32 $0x60;
	s8 =	simm.s32 $0x300;
	s5 =	simm.s32 $0x1;
	v44 =	vmovc v32;
	v29 =	vmul.f32 v19, v19;
	v26 =	vadd.f32 $-2.013265920e+08, v26;
	v52 =	vmin.f32 v48, $1.600000000e+01;
	[tilespmem:v28+s17+$0x0] =	vst.idx.add.f32.msk $0xffff, v0  }
.LBB2_5:
0x2e4: {  	v53 =	vmovc v32;
	v32 =	vmov v49;
	v38 =	vadd.f32 v33, v38;
	v49 =	vmax.f32 v52, $-3.200000000e+01;
	s11 =	smov.u32 s9  }
0x2e5: {  	s10 =	sand.u32 $0x70, s9;
	s12 =	sand.u32 $0x7C00, s8;
	vm2 =	vmmov vm1;
	vm1 =	vmmov vm0;
	vm0 =	vlt.f32 v30, v4;
	[tilespmem:v28+s18+$0x0] =	vst.idx.add.f32.msk $0xffff, v19;
	s11 =	sadd.s32 $0x10, s9  }
0x2e6: {  	p1 =	sne.s32 s9, $0xFF0;
	s10 =	sor.u32 s10, s12;
	v19 =	vtrunc.f32 v51;
	v51 =	vmul.f32 v47, v2;
	v52 =	vadd.f32 $2.013265920e+08, v49;
	[tilespmem:v28+s19+$0x0] =	vst.idx.add.f32.msk $0xffff, v29  }
0x2e7: {  	v40 =	vadd.f32 v42, v40;
	v19 =	vcvt.f32.s32 v19;
	v29 =	vsel vm2, $0x3F800000, v1;
	v49 =	vld [tilespmem:s10+$0x8000]  }
0x2e8: {  	v42 =	vmul.f32 v46, v46;
	v28 =	vmin.f32 v51, $1.600000000e+01;
	v52 =	vadd.f32 $-2.013265920e+08, v52  }
0x2e9: {  	v36 =	vadd.f32 v27, v36;
	v27 =	vmovc v23;
	v45 =	vand.u32 $0x7FFFFFFF, v45;
	v28 =	vmax.f32 v28, $-3.200000000e+01;
	[tilespmem:v50+s17+$0x0] =	vst.idx.add.f32.msk $0xffff, v0  }
0x2ea: {  	vm2 =	vlt.f32 v45, v4;
	v54 =	vadd.f32 $2.013265920e+08, v28;
	[tilespmem:v50+s18+$0x0] =	vst.idx.add.f32.msk $0xffff, v46;
	v46 =	vadd.f32 v52, v10  }
0x2eb: {  	v53 =	vmul.f32 v53, v44;
	v48 =	vsub.f32 v48, v52;
	[tilespmem:v50+s19+$0x0] =	vst.idx.add.f32.msk $0xffff, v42;
	v42 =	vsel vm2, $0x3F800000, v1  }
0x2ec: {  	v23 =	vmovc v30;
	v52 =	vadd.f32 $-2.013265920e+08, v54;
	v50 =	vmul.f32 v49, v2;
	v28 =	vld [tilespmem:s13+$0x8280];
	v46 =	vtrunc.f32 v46  }
0x2ed: {  	v30 =	vadd.f32 v29, v34;
	v48 =	vand.u32 $0x7FFFFFFF, v48;
	[tilespmem:v19+s17+$0x0] =	vst.idx.add.f32.msk $0xffff, v0;
	v46 =	vcvt.f32.s32 v46  }
0x2ee: {  	vm2 =	vlt.f32 v48, v4;
	v34 =	vadd.f32 v52, v7;
	v29 =	vmin.f32 v50, $1.600000000e+01;
	[tilespmem:v19+s18+$0x0] =	vst.idx.add.f32.msk $0xffff, v44  }
0x2ef: {  	v51 =	vsub.f32 v51, v52;
	v44 =	vmovc v32;
	v29 =	vmax.f32 v29, $-3.200000000e+01;
	[tilespmem:v19+s19+$0x0] =	vst.idx.add.f32.msk $0xffff, v53;
	v19 =	vsel vm2, $0x3F800000, v1  }
0x2f0: {  	v53 =	vtrunc.f32 v34;
	v52 =	vadd.f32 $2.013265920e+08, v29;
	v29 =	vld [tilespmem:s0+$0x8100];
	v34 =	vadd.f32 v19, v30  }
0x2f1: {  	s9 =	sand.u32 $0x7, s5;
	v36 =	vadd.f32 v48, v36;
	v30 =	vcvt.f32.s32 v53;
	v53 =	vmul.f32 v28, v2  }
0x2f2: {  	s9 =	sshll.u32 s9, $0x4;
	v40 =	vadd.f32 v31, v40;
	v48 =	vmul.f32 v43, v43;
	v31 =	vmovc v42;
	v19 =	vadd.f32 $-2.013265920e+08, v52  }
0x2f3: {  	v38 =	vadd.f32 v45, v38;
	s9 =	sadd.s32 s9, s31;
	s31 =	smov.u32 s30;
	s30 =	smov.u32 s28;
	v52 =	vsub.f32 v20, v21;
	v21 =	vmin.f32 v53, $1.600000000e+01;
	[tilespmem:v46+s17+$0x0] =	vst.idx.add.f32.msk $0xffff, v0  }
0x2f4: {  	s28 =	smov.u32 s29;
	s29 =	smov.u32 s1;
	s9 =	sor.u32 $0x380, s9;
	v45 =	vsub.f32 v50, v19;
	v19 =	vadd.f32 v19, v3;
	v21 =	vmax.f32 v21, $-3.200000000e+01;
	[tilespmem:v46+s18+$0x0] =	vst.idx.add.f32.msk $0xffff, v43  }
0x2f5: {  	s1 =	smov.u32 s8;
	v20 =	vmovc v16;
	v42 =	vand.u32 $0x7FFFFFFF, v52;
	v43 =	vmul.f32 v29, v2;
	v52 =	vadd.f32 $2.013265920e+08, v21;
	[tilespmem:v46+s19+$0x0] =	vst.idx.add.f32.msk $0xffff, v48  }
0x2f6: {  	v16 =	vmovc v12;
	v12 =	vmovc v22;
	v48 =	vmul.f32 v47, v47;
	v39 =	vadd.f32 v42, v39;
	v46 =	vtrunc.f32 v19;
	v19 =	vld [tilespmem:s9+$0x8000]  }
0x2f7: {  	v22 =	vcvt.f32.s32 v46;
	v46 =	vmin.f32 v43, $1.600000000e+01;
	[tilespmem:v30+s17+$0x0] =	vst.idx.add.f32.msk $0xffff, v0;
	v50 =	vadd.f32 $-2.013265920e+08, v52;
	v21 =	vmovc v18;
	v18 =	vmovc v14  }
0x2f8: {  	vm2 =	vlt.f32 v33, v4;
	vm3 =	vlt.f32 v42, v4;
	v46 =	vmax.f32 v46, $-3.200000000e+01;
	[tilespmem:v30+s18+$0x0] =	vst.idx.add.f32.msk $0xffff, v47  }
0x2f9: {  	v42 =	vsel vm2, $0x3F800000, v1;
	v14 =	vmovc v26;
	v47 =	vadd.f32 $2.013265920e+08, v46;
	[tilespmem:v30+s19+$0x0] =	vst.idx.add.f32.msk $0xffff, v48;
	v30 =	vadd.f32 v50, v9  }
0x2fa: {  	v33 =	vand.u32 $0x7FFFFFFF, v17;
	v17 =	vmovc v13;
	v13 =	vmovc v15;
	v26 =	vsel vm3, $0x3F800000, v1;
	v48 =	vsub.f32 v53, v50;
	v46 =	vld [tilespmem:s2+$0x8200]  }
0x2fb: {  	v15 =	vmovc v45;
	v47 =	vadd.f32 $-2.013265920e+08, v47;
	v30 =	vtrunc.f32 v30;
	v50 =	vmul.f32 v19, v2  }
0x2fc: {  	v26 =	vadd.f32 v26, v41;
	v41 =	vand.u32 $0x7FFFFFFF, v48;
	v45 =	vcvt.f32.s32 v30  }
0x2fd: {  	v30 =	vmul.f32 v49, v49;
	[tilespmem:v22+s17+$0x0] =	vst.idx.add.f32.msk $0xffff, v0;
	v48 =	vadd.f32 v47, v6;
	v52 =	vmin.f32 v50, $1.600000000e+01  }
0x2fe: {  	v53 =	vand.u32 $0x7FFFFFFF, v25;
	v25 =	vmovc v24;
	v39 =	vadd.f32 v41, v39;
	[tilespmem:v22+s18+$0x0] =	vst.idx.add.f32.msk $0xffff, v49;
	v49 =	vmax.f32 v52, $-3.200000000e+01  }
0x2ff: {  	v24 =	vmovc v51;
	[tilespmem:v22+s19+$0x0] =	vst.idx.add.f32.msk $0xffff, v30;
	v22 =	vsub.f32 v43, v47;
	v30 =	vtrunc.f32 v48;
	v43 =	vadd.f32 $2.013265920e+08, v49  }
0x300: {  	vm2 =	vlt.f32 v53, v4;
	v52 =	vmul.f32 v46, v2;
	v49 =	vld [tilespmem:s10+$0x8080];
	v47 =	vcvt.f32.s32 v30  }
0x301: {  	v51 =	vsel vm2, $0x3F800000, v1;
	v48 =	vmul.f32 v28, v28;
	v43 =	vadd.f32 $-2.013265920e+08, v43  }
0x302: {  	v35 =	vadd.f32 v53, v35;
	vm2 =	vlt.f32 v41, v4;
	v54 =	vmin.f32 v52, $1.600000000e+01;
	[tilespmem:v45+s17+$0x0] =	vst.idx.add.f32.msk $0xffff, v0  }
0x303: {  	v30 =	vand.u32 $0x7FFFFFFF, v22;
	v22 =	vmax.f32 v54, $-3.200000000e+01;
	[tilespmem:v45+s18+$0x0] =	vst.idx.add.f32.msk $0xffff, v28;
	v28 =	vadd.f32 v43, v11  }
0x304: {  	v41 =	vmul.f32 v29, v29;
	v53 =	vadd.f32 $2.013265920e+08, v22;
	[tilespmem:v45+s19+$0x0] =	vst.idx.add.f32.msk $0xffff, v48;
	v45 =	vsub.f32 v50, v43  }
0x305: {  	v37 =	vadd.f32 v51, v37;
	v22 =	vmul.f32 v49, v2;
	v43 =	vld [tilespmem:s13+$0x8300];
	v28 =	vtrunc.f32 v28;
	s13 =	smov.u32 s2;
	s2 =	smov.u32 s0;
	s0 =	smov.u32 s23  }
0x306: {  	v53 =	vadd.f32 $-2.013265920e+08, v53;
	s23 =	smov.u32 s10;
	[tilespmem:v47+s17+$0x0] =	vst.idx.add.f32.msk $0xffff, v0;
	v45 =	vand.u32 $0x7FFFFFFF, v45;
	v28 =	vcvt.f32.s32 v28  }
0x307: {  	v48 =	vmin.f32 v22, $1.600000000e+01;
	[tilespmem:v47+s18+$0x0] =	vst.idx.add.f32.msk $0xffff, v29;
	v35 =	vadd.f32 v45, v35;
	vm3 =	vlt.f32 v45, v4  }
.Ltmp3:
0x308: {  	v29 =	vmax.f32 v48, $-3.200000000e+01;
	[tilespmem:v47+s19+$0x0] =	vst.idx.add.f32.msk $0xffff, v41;
	v41 =	vadd.f32 v53, v8;
	v45 =	vsel vm3, $0x3F800000, v1;
	(pc) =	sbr.rel @p1 .LBB2_5-.Ltmp3, $4  }
0x309: {  	v48 =	vsel vm2, $0x3F800000, v1;
	v29 =	vadd.f32 $2.013265920e+08, v29;
	v47 =	vld [tilespmem:s2+$0x8180];
	v37 =	vadd.f32 v45, v37  }
0x30a: {  	v45 =	vtrunc.f32 v41;
	v41 =	vadd.f32 v48, v26;
	v48 =	vmul.f32 v43, v2  }
0x30b: {  	v26 =	vadd.f32 $-2.013265920e+08, v29;
	v50 =	vcvt.f32.s32 v45;
	v29 =	vmul.f32 v19, v19  }
0x30c: {  	s5 =	sadd.s32 $0x1, s5;
	s8 =	sadd.s32 $0x80, s8;
	s9 =	smov.u32 s11;
	v51 =	vadd.f32 v14, v5;
	v45 =	vsub.f32 v52, v53;
	v52 =	vmin.f32 v48, $1.600000000e+01;
	[tilespmem:v28+s17+$0x0] =	vst.idx.add.f32.msk $0xffff, v0  }
0x30d: {  	_ = 	snop  }
0x30e: {  	v51 =	vtrunc.f32 v51  }
0x30f: {  	v51 =	vcvt.f32.s32 v51  }
0x310: {  	v53 =	vadd.f32 v26, v5;
	_ =	sdelay $0x1  }
0x311: {  	v53 =	vtrunc.f32 v53  }
0x312: {  	v53 =	vcvt.f32.s32 v53;
	_ =	sdelay $0x1  }
0x313: {  	v32 =	vmul.f32 v32, v44;
	[tilespmem:v51+s17+$0x0] =	vst.idx.add.f32.msk $0xffff, v0  }
0x314: {  	[tilespmem:v51+s18+$0x0] =	vst.idx.add.f32.msk $0xffff, v44  }
0x315: {  	[tilespmem:v51+s19+$0x0] =	vst.idx.add.f32.msk $0xffff, v32  }
0x316: {  	v32 =	vld [tilespmem:s0+$0x8100]  }
0x317: {  	v55 =	vmul.f32 v49, v49;
	v54 =	vmul.f32 v47, v2;
	[tilespmem:v53+s17+$0x0] =	vst.idx.add.f32.msk $0xffff, v0  }
0x318: {  	[tilespmem:v53+s18+$0x0] =	vst.idx.add.f32.msk $0xffff, v49  }
0x319: {  	v56 =	vmin.f32 v54, $1.600000000e+01;
	[tilespmem:v53+s19+$0x0] =	vst.idx.add.f32.msk $0xffff, v55  }
0x31a: {  	v57 =	vmax.f32 v56, $-3.200000000e+01;
	v53 =	vld [tilespmem:s23+$0x8100]  }
0x31b: {  	v58 =	vadd.f32 $2.013265920e+08, v57;
	v49 =	vmul.f32 v32, v2;
	_ =	sdelay $0x1  }
0x31c: {  	v55 =	vadd.f32 $-2.013265920e+08, v58;
	v59 =	vmin.f32 v49, $1.600000000e+01  }
0x31d: {  	v44 =	vmax.f32 v59, $-3.200000000e+01  }
0x31e: {  	v60 =	vadd.f32 v55, v7;
	v61 =	vmul.f32 v53, v2;
	v56 =	vadd.f32 $2.013265920e+08, v44;
	_ =	sdelay $0x1  }
0x31f: {  	v57 =	vtrunc.f32 v60;
	v62 =	vmin.f32 v61, $1.600000000e+01;
	v51 =	vadd.f32 $-2.013265920e+08, v56  }
0x320: {  	v56 =	vcvt.f32.s32 v57;
	v57 =	vmax.f32 v62, $-3.200000000e+01  }
0x321: {  	[tilespmem:$0x1FDD0] =	vst v61;
	v63 =	vadd.f32 $2.013265920e+08, v57;
	v59 =	vadd.f32 v51, v6  }
0x322: {  	v58 =	vmul.f32 v46, v46;
	[tilespmem:v50+s17+$0x0] =	vst.idx.add.f32.msk $0xffff, v0  }
0x323: {  	[tilespmem:v50+s18+$0x0] =	vst.idx.add.f32.msk $0xffff, v46;
	v60 =	vadd.f32 $-2.013265920e+08, v63;
	v44 =	vtrunc.f32 v59  }
0x324: {  	[tilespmem:v50+s19+$0x0] =	vst.idx.add.f32.msk $0xffff, v58;
	v50 =	vcvt.f32.s32 v44  }
0x325: {  	v57 =	vld [tilespmem:s13+$0x8280];
	[tilespmem:$0x1FDE0] =	vst v60  }
0x326: {  	v61 =	vmul.f32 v47, v47;
	[tilespmem:v56+s17+$0x0] =	vst.idx.add.f32.msk $0xffff, v0  }
0x327: {  	[tilespmem:v56+s18+$0x0] =	vst.idx.add.f32.msk $0xffff, v47  }
0x328: {  	v62 =	vadd.f32 v60, v6;
	[tilespmem:v56+s19+$0x0] =	vst.idx.add.f32.msk $0xffff, v61  }
0x329: {  	v58 =	vld [tilespmem:s2+$0x8200]  }
0x32a: {  	v46 =	vmul.f32 v32, v32;
	v63 =	vtrunc.f32 v62;
	[tilespmem:v50+s17+$0x0] =	vst.idx.add.f32.msk $0xffff, v0  }
0x32b: {  	v52 =	vmax.f32 v52, $-3.200000000e+01;
	v47 =	vcvt.f32.s32 v63;
	[tilespmem:v50+s18+$0x0] =	vst.idx.add.f32.msk $0xffff, v32  }
0x32c: {  	v52 =	vadd.f32 $2.013265920e+08, v52;
	[tilespmem:v50+s19+$0x0] =	vst.idx.add.f32.msk $0xffff, v46  }
0x32d: {  	v56 =	vmul.f32 v57, v2;
	v59 =	vld [tilespmem:s0+$0x8180]  }
0x32e: {  	v52 =	vadd.f32 $-2.013265920e+08, v52  }
0x32f: {  	v60 =	vmin.f32 v56, $1.600000000e+01  }
0x330: {  	v44 =	vadd.f32 v52, v10;
	v63 =	vmax.f32 v60, $-3.200000000e+01  }
0x331: {  	v32 =	vadd.f32 $2.013265920e+08, v63;
	v46 =	vmul.f32 v53, v53;
	v50 =	vmul.f32 v58, v2;
	[tilespmem:v47+s17+$0x0] =	vst.idx.add.f32.msk $0xffff, v0  }
0x332: {  	v60 =	vtrunc.f32 v44;
	[tilespmem:v47+s18+$0x0] =	vst.idx.add.f32.msk $0xffff, v53;
	v44 =	vmul.f32 v59, v2  }
0x333: {  	v61 =	vadd.f32 $-2.013265920e+08, v32;
	v62 =	vmin.f32 v50, $1.600000000e+01;
	[tilespmem:v47+s19+$0x0] =	vst.idx.add.f32.msk $0xffff, v46  }
0x334: {  	v62 =	vmax.f32 v62, $-3.200000000e+01;
	[tilespmem:$0x1FDC0] =	vst v44  }
0x335: {  	v53 =	vcvt.f32.s32 v60;
	v60 =	vadd.f32 v61, v9;
	v32 =	vadd.f32 $2.013265920e+08, v62;
	v62 =	vld [tilespmem:s23+$0x8180];
	_ =	sdelay $0x1  }
0x336: {  	v60 =	vtrunc.f32 v60  }
0x337: {  	v60 =	vcvt.f32.s32 v60;
	v47 =	vmin.f32 v44, $1.600000000e+01  }
0x338: {  	v63 =	vadd.f32 $-2.013265920e+08, v32;
	v32 =	vmax.f32 v47, $-3.200000000e+01  }
0x339: {  	v46 =	vadd.f32 $2.013265920e+08, v32;
	v32 =	vmul.f32 v62, v2  }
0x33a: {  	v42 =	vadd.f32 v42, v40;
	[tilespmem:v53+s17+$0x0] =	vst.idx.add.f32.msk $0xffff, v0  }
0x33b: {  	v44 =	vadd.f32 v63, v8;
	v40 =	vadd.f32 $-2.013265920e+08, v46;
	[tilespmem:$0x1FDF0] =	vst v32  }
0x33c: {  	v47 =	vmul.f32 v43, v43;
	[tilespmem:v53+s18+$0x0] =	vst.idx.add.f32.msk $0xffff, v43  }
0x33d: {  	s8 =	sand.u32 $0x7, s5;
	v46 =	vadd.f32 v40, v7;
	v43 =	vtrunc.f32 v44;
	[tilespmem:v60+s17+$0x0] =	vst.idx.add.f32.msk $0xffff, v0  }
0x33e: {  	s8 =	sshll.u32 s8, $0x4;
	v44 =	vsub.f32 v48, v52;
	[tilespmem:v53+s19+$0x0] =	vst.idx.add.f32.msk $0xffff, v47;
	v47 =	vcvt.f32.s32 v43  }
0x33f: {  	s8 =	sadd.s32 s8, s31;
	v52 =	vmul.f32 v57, v57;
	v53 =	vmin.f32 v32, $1.600000000e+01;
	[tilespmem:v60+s18+$0x0] =	vst.idx.add.f32.msk $0xffff, v57;
	v57 =	vtrunc.f32 v46  }
0x340: {  	s8 =	sor.u32 $0x380, s8;
	v43 =	vmax.f32 v53, $-3.200000000e+01;
	v46 =	vcvt.f32.s32 v57  }
0x341: {  	v53 =	vadd.f32 v27, v36;
	v27 =	vld [tilespmem:s8+$0x8000];
	v43 =	vadd.f32 $2.013265920e+08, v43  }
0x342: {  	vm1 =	vmmov vm1;
	v20 =	vsub.f32 v20, v21;
	[tilespmem:v60+s19+$0x0] =	vst.idx.add.f32.msk $0xffff, v52  }
0x343: {  	vm15 =	vlt.f32 v33, v4;
	v32 =	vsel vm1, $0x3F800000, v1;
	v21 =	vld [tilespmem:s13+$0x8300];
	v36 =	vadd.f32 $-2.013265920e+08, v43  }
0x344: {  	v48 =	vadd.f32 v32, v34;
	v44 =	vand.u32 $0x7FFFFFFF, v44;
	v32 =	vmul.f32 v58, v58;
	[tilespmem:v47+s17+$0x0] =	vst.idx.add.f32.msk $0xffff, v0  }
0x345: {  	vm14 =	vlt.f32 v44, v4;
	v57 =	vadd.f32 v36, v7;
	[tilespmem:v47+s18+$0x0] =	vst.idx.add.f32.msk $0xffff, v58  }
0x346: {  	v20 =	vand.u32 $0x7FFFFFFF, v20;
	v34 =	vsub.f32 v54, v55;
	v60 =	vsel vm14, $0x3F800000, v1;
	[tilespmem:v46+s17+$0x0] =	vst.idx.add.f32.msk $0xffff, v0  }
0x347: {  	v55 =	vadd.f32 v33, v38;
	v43 =	vadd.f32 v60, v48;
	[tilespmem:v47+s19+$0x0] =	vst.idx.add.f32.msk $0xffff, v32;
	v60 =	vtrunc.f32 v57  }
0x348: {  	v38 =	vadd.f32 v20, v39;
	v47 =	vmul.f32 v59, v59;
	v39 =	vld [tilespmem:s2+$0x8280];
	v32 =	vcvt.f32.s32 v60  }
0x349: {  	vm2 =	vlt.f32 v20, v4;
	v52 =	vmul.f32 v27, v2;
	[tilespmem:v46+s18+$0x0] =	vst.idx.add.f32.msk $0xffff, v59  }
0x34a: {  	v25 =	vand.u32 $0x7FFFFFFF, v25;
	v48 =	vmul.f32 v21, v2;
	v57 =	vsub.f32 v56, v61;
	[tilespmem:v46+s19+$0x0] =	vst.idx.add.f32.msk $0xffff, v47  }
0x34b: {  	v31 =	vadd.f32 v31, v42;
	v44 =	vadd.f32 v44, v53;
	v58 =	vsel vm2, $0x3F800000, v1;
	v46 =	vld [tilespmem:s0+$0x8200]  }
0x34c: {  	v59 =	vmin.f32 v48, $1.600000000e+01;
	v60 =	vmin.f32 v52, $1.600000000e+01;
	v42 =	vand.u32 $0x7FFFFFFF, v57  }
0x34d: {  	v20 =	vmax.f32 v59, $-3.200000000e+01;
	v33 =	vmax.f32 v60, $-3.200000000e+01;
	v53 =	vmul.f32 v39, v2  }
0x34e: {  	v54 =	vadd.f32 v42, v38;
	v20 =	vadd.f32 $2.013265920e+08, v20;
	v38 =	vmul.f32 v62, v62;
	[tilespmem:v32+s17+$0x0] =	vst.idx.add.f32.msk $0xffff, v0  }
0x34f: {  	v41 =	vadd.f32 v58, v41;
	v47 =	vadd.f32 $2.013265920e+08, v33;
	v61 =	vmin.f32 v53, $1.600000000e+01;
	[tilespmem:v32+s18+$0x0] =	vst.idx.add.f32.msk $0xffff, v62  }
0x350: {  	v58 =	vadd.f32 $-2.013265920e+08, v20;
	v33 =	vmul.f32 v46, v2;
	v60 =	vmax.f32 v61, $-3.200000000e+01;
	[tilespmem:v32+s19+$0x0] =	vst.idx.add.f32.msk $0xffff, v38  }
0x351: {  	vm5 =	vlt.f32 v25, v4;
	v38 =	vsub.f32 v49, v51;
	v20 =	vadd.f32 $2.013265920e+08, v60;
	v32 =	vld [tilespmem:s23+$0x8200]  }
0x352: {  	v49 =	vadd.f32 $-2.013265920e+08, v47;
	v61 =	vadd.f32 v58, v10;
	v62 =	vmin.f32 v33, $1.600000000e+01  }
0x353: {  	v25 =	vadd.f32 v25, v35;
	v57 =	vadd.f32 $-2.013265920e+08, v20;
	v20 =	vmax.f32 v62, $-3.200000000e+01  }
0x354: {  	v52 =	vsub.f32 v52, v49;
	v51 =	vtrunc.f32 v61;
	v47 =	vadd.f32 $2.013265920e+08, v20  }
0x355: {  	v56 =	vsel vm5, $0x3F800000, v1;
	v51 =	vcvt.f32.s32 v51;
	v59 =	vadd.f32 v57, v9  }
0x356: {  	v52 =	vand.u32 $0x7FFFFFFF, v52;
	v20 =	vmul.f32 v32, v2;
	v35 =	vadd.f32 $-2.013265920e+08, v47  }
0x357: {  	v37 =	vadd.f32 v56, v37;
	v61 =	vtrunc.f32 v59;
	v59 =	vadd.f32 v52, v25  }
0x358: {  	v56 =	vcvt.f32.s32 v61;
	v25 =	vmin.f32 v20, $1.600000000e+01;
	v62 =	vadd.f32 v35, v8  }
0x359: {  	v25 =	vmax.f32 v25, $-3.200000000e+01  }
0x35a: {  	vm6 =	vlt.f32 v52, v4;
	v25 =	vadd.f32 $2.013265920e+08, v25;
	v52 =	vtrunc.f32 v62  }
0x35b: {  	v60 =	vmul.f32 v21, v21;
	[tilespmem:v51+s17+$0x0] =	vst.idx.add.f32.msk $0xffff, v0;
	v52 =	vcvt.f32.s32 v52  }
0x35c: {  	[tilespmem:v51+s18+$0x0] =	vst.idx.add.f32.msk $0xffff, v21;
	v25 =	vadd.f32 $-2.013265920e+08, v25  }
0x35d: {  	v50 =	vsub.f32 v50, v63;
	[tilespmem:v51+s19+$0x0] =	vst.idx.add.f32.msk $0xffff, v60  }
0x35e: {  	v63 =	vmul.f32 v39, v39;
	[tilespmem:v56+s17+$0x0] =	vst.idx.add.f32.msk $0xffff, v0;
	v51 =	vadd.f32 v25, v8  }
0x35f: {  	vm0 =	vmmov vm0;
	v16 =	vsub.f32 v16, v18;
	v24 =	vand.u32 $0x7FFFFFFF, v24;
	[tilespmem:v56+s18+$0x0] =	vst.idx.add.f32.msk $0xffff, v39  }
0x360: {  	vm0 =	vmmov vm0;
	v62 =	vand.u32 $0x7FFFFFFF, v45;
	[tilespmem:v56+s19+$0x0] =	vst.idx.add.f32.msk $0xffff, v63;
	v45 =	vtrunc.f32 v51  }
0x361: {  	vm11 =	vlt.f32 v24, v4;
	v16 =	vand.u32 $0x7FFFFFFF, v16;
	v45 =	vcvt.f32.s32 v45;
	[tilespmem:v52+s17+$0x0] =	vst.idx.add.f32.msk $0xffff, v0  }
0x362: {  	vm3 =	vlt.f32 v42, v4;
	v39 =	vadd.f32 v62, v55;
	v55 =	vsel vm15, $0x3F800000, v1;
	[tilespmem:v52+s18+$0x0] =	vst.idx.add.f32.msk $0xffff, v46  }
0x363: {  	v60 =	vsub.f32 v48, v58;
	v31 =	vadd.f32 v55, v31;
	v55 =	vand.u32 $0x7FFFFFFF, v17;
	v17 =	vld [tilespmem:$0x1FDC0]  }
0x364: {  	s10 =	sadd.s32 $0x1, s5;
	vm10 =	vlt.f32 v16, v4;
	v61 =	vsel vm3, $0x3F800000, v1;
	v46 =	vmul.f32 v46, v46  }
0x365: {  	s11 =	sand.u32 $0x7, s10;
	v41 =	vadd.f32 v61, v41;
	v61 =	vsel vm0, $0x3F800000, v1;
	v42 =	vand.u32 $0x7FFFFFFF, v60;
	v48 =	vld [tilespmem:s2+$0x8300]  }
0x366: {  	s8 =	sshll.u32 s11, $0x4;
	v43 =	vadd.f32 v61, v43;
	vm8 =	vlt.f32 v42, v4;
	[tilespmem:v52+s19+$0x0] =	vst.idx.add.f32.msk $0xffff, v46  }
0x367: {  	s12 =	sadd.s32 s8, s30;
	v23 =	vadd.f32 v23, v44;
	v47 =	vsel vm6, $0x3F800000, v1;
	v63 =	vsel vm8, $0x3F800000, v1;
	[tilespmem:v45+s17+$0x0] =	vst.idx.add.f32.msk $0xffff, v0  }
0x368: {  	v18 =	vmul.f32 v32, v32;
	s2 =	sor.u32 $0x380, s12;
	v21 =	vsub.f32 v17, v40;
	v40 =	vadd.f32 v63, v43;
	v43 =	vld [tilespmem:s0+$0x8280]  }
0x369: {  	v37 =	vadd.f32 v47, v37;
	v24 =	vadd.f32 v24, v59;
	vm7 =	vlt.f32 v62, v4;
	v17 =	vld [tilespmem:s2+$0x8000]  }
0x36a: {  	v42 =	vadd.f32 v42, v23;
	v44 =	vmul.f32 v48, v2;
	[tilespmem:v45+s18+$0x0] =	vst.idx.add.f32.msk $0xffff, v32  }
0x36b: {  	v23 =	vadd.f32 v16, v54;
	v16 =	vsel vm10, $0x3F800000, v1;
	v62 =	vsel vm7, $0x3F800000, v1;
	[tilespmem:v45+s19+$0x0] =	vst.idx.add.f32.msk $0xffff, v18  }
0x36c: {  	v16 =	vadd.f32 v16, v41;
	v56 =	vand.u32 $0x7FFFFFFF, v50;
	v18 =	vmin.f32 v44, $1.600000000e+01;
	v32 =	vld [tilespmem:s23+$0x8280]  }
0x36d: {  	v39 =	vadd.f32 v55, v39;
	v18 =	vmax.f32 v18, $-3.200000000e+01;
	v52 =	vld [tilespmem:$0x1FDD0];
	v47 =	vmul.f32 v43, v2  }
0x36e: {  	v46 =	vadd.f32 v62, v31;
	v61 =	vld [tilespmem:$0x1FDE0];
	v18 =	vadd.f32 $2.013265920e+08, v18;
	v31 =	vmul.f32 v17, v2  }
0x36f: {  	vm9 =	vlt.f32 v56, v4;
	v39 =	vadd.f32 v56, v39;
	v60 =	vmin.f32 v47, $1.600000000e+01  }
0x370: {  	v51 =	vadd.f32 $-2.013265920e+08, v18;
	v58 =	vmin.f32 v31, $1.600000000e+01;
	v18 =	vmax.f32 v60, $-3.200000000e+01  }
0x371: {  	v41 =	vmax.f32 v58, $-3.200000000e+01;
	v50 =	vadd.f32 $2.013265920e+08, v18;
	v18 =	vmul.f32 v32, v2  }
0x372: {  	v62 =	vsel vm11, $0x3F800000, v1;
	v63 =	vadd.f32 v51, v10;
	v41 =	vadd.f32 $2.013265920e+08, v41  }
0x373: {  	v52 =	vsub.f32 v52, v61;
	v50 =	vadd.f32 $-2.013265920e+08, v50;
	v60 =	vmin.f32 v18, $1.600000000e+01  }
0x374: {  	v54 =	vtrunc.f32 v63;
	v41 =	vadd.f32 $-2.013265920e+08, v41;
	v56 =	vmax.f32 v60, $-3.200000000e+01  }
0x375: {  	v54 =	vcvt.f32.s32 v54;
	v61 =	vadd.f32 v50, v9;
	v56 =	vadd.f32 $2.013265920e+08, v56  }
0x376: {  	v37 =	vadd.f32 v62, v37;
	v62 =	vsub.f32 v31, v41  }
0x377: {  	v45 =	vsub.f32 v53, v57;
	v57 =	vtrunc.f32 v61;
	v31 =	vadd.f32 $-2.013265920e+08, v56  }
0x378: {  	v53 =	vand.u32 $0x7FFFFFFF, v62;
	v63 =	vcvt.f32.s32 v57  }
0x379: {  	vm12 =	vlt.f32 v30, v4;
	v57 =	vadd.f32 v53, v24;
	v24 =	vadd.f32 v31, v9  }
0x37a: {  	v13 =	vand.u32 $0x7FFFFFFF, v13;
	v12 =	vsub.f32 v12, v14;
	v15 =	vand.u32 $0x7FFFFFFF, v15  }
0x37b: {  	v59 =	vmul.f32 v48, v48;
	v45 =	vand.u32 $0x7FFFFFFF, v45;
	[tilespmem:v54+s17+$0x0] =	vst.idx.add.f32.msk $0xffff, v0;
	v24 =	vtrunc.f32 v24  }
0x37c: {  	v49 =	vadd.f32 v49, v11;
	vm14 =	vlt.f32 v45, v4;
	[tilespmem:v54+s18+$0x0] =	vst.idx.add.f32.msk $0xffff, v48;
	v48 =	vcvt.f32.s32 v24  }
0x37d: {  	v22 =	vsub.f32 v22, v26;
	v34 =	vand.u32 $0x7FFFFFFF, v34;
	v61 =	vsel vm14, $0x3F800000, v1;
	[tilespmem:v54+s19+$0x0] =	vst.idx.add.f32.msk $0xffff, v59  }
0x37e: {  	v60 =	vtrunc.f32 v49;
	v49 =	vadd.f32 v61, v16;
	v16 =	vmul.f32 v43, v43;
	[tilespmem:v63+s17+$0x0] =	vst.idx.add.f32.msk $0xffff, v0  }
0x37f: {  	v12 =	vand.u32 $0x7FFFFFFF, v12;
	v38 =	vand.u32 $0x7FFFFFFF, v38;
	vm10 =	vlt.f32 v34, v4;
	[tilespmem:v63+s18+$0x0] =	vst.idx.add.f32.msk $0xffff, v43  }
0x380: {  	vm2 =	vmmov vm12;
	v20 =	vsub.f32 v20, v25;
	vm15 =	vlt.f32 v38, v4;
	[tilespmem:v63+s19+$0x0] =	vst.idx.add.f32.msk $0xffff, v16  }
0x381: {  	v42 =	vadd.f32 v30, v42;
	vm8 =	vlt.f32 v12, v4;
	v62 =	vadd.f32 v41, v11;
	v54 =	vld [tilespmem:s0+$0x8300]  }
0x382: {  	vm5 =	vmmov vm2;
	vm13 =	vlt.f32 v53, v4;
	v59 =	vmul.f32 v32, v32;
	[tilespmem:v48+s17+$0x0] =	vst.idx.add.f32.msk $0xffff, v0  }
0x383: {  	vm4 =	vlt.f32 v55, v4;
	v53 =	vadd.f32 v45, v23;
	v58 =	vsel vm13, $0x3F800000, v1;
	[tilespmem:v48+s18+$0x0] =	vst.idx.add.f32.msk $0xffff, v32  }
0x384: {  	v45 =	vadd.f32 v58, v37;
	v37 =	vtrunc.f32 v62;
	v62 =	vsel vm5, $0x3F800000, v1;
	[tilespmem:v48+s19+$0x0] =	vst.idx.add.f32.msk $0xffff, v59  }
0x385: {  	s13 =	sadd.s32 $0x1, s10;
	v41 =	vsel vm9, $0x3F800000, v1;
	v58 =	vsub.f32 v44, v51;
	v40 =	vadd.f32 v62, v40;
	v51 =	vld [tilespmem:$0x1FDF0]  }
0x386: {  	s5 =	sand.u32 $0x7, s13;
	v24 =	vcvt.f32.s32 v60;
	v60 =	vadd.f32 v13, v39;
	v63 =	vsel vm4, $0x3F800000, v1  }
0x387: {  	s30 =	sshll.u32 s5, $0x4;
	v16 =	vand.u32 $0x7FFFFFFF, v52;
	v52 =	vsub.f32 v33, v35;
	v61 =	vadd.f32 v63, v46;
	v43 =	vld [tilespmem:s23+$0x8300]  }
0x388: {  	v33 =	vcvt.f32.s32 v37;
	s0 =	sadd.s32 s30, s28;
	v63 =	vand.u32 $0x7FFFFFFF, v58;
	v14 =	vmul.f32 v54, v2  }
0x389: {  	s0 =	sor.u32 $0x380, s0;
	vm6 =	vlt.f32 v63, v4;
	v39 =	vadd.f32 v41, v61;
	v48 =	vand.u32 $0x7FFFFFFF, v52  }
0x38a: {  	v37 =	vld [tilespmem:s0+$0x8000];
	v52 =	vsel vm6, $0x3F800000, v1;
	v55 =	vmin.f32 v14, $1.600000000e+01;
	v30 =	vsub.f32 v51, v36  }
0x38b: {  	v41 =	vmax.f32 v55, $-3.200000000e+01;
	v36 =	vadd.f32 v52, v40;
	v40 =	vadd.f32 v63, v42  }
0x38c: {  	v42 =	vadd.f32 v12, v53;
	v41 =	vadd.f32 $2.013265920e+08, v41;
	v12 =	vmul.f32 v43, v2  }
0x38d: {  	vm1 =	vmmov vm15;
	v20 =	vand.u32 $0x7FFFFFFF, v20;
	v58 =	vsel vm8, $0x3F800000, v1  }
0x38e: {  	v32 =	vadd.f32 v48, v60;
	v41 =	vadd.f32 $-2.013265920e+08, v41;
	v60 =	vmin.f32 v12, $1.600000000e+01  }
0x38f: {  	v46 =	vadd.f32 v58, v49;
	v56 =	vmul.f32 v37, v2;
	v61 =	vmax.f32 v60, $-3.200000000e+01  }
0x390: {  	vm11 =	vlt.f32 v13, v4;
	v62 =	vadd.f32 v41, v10;
	v49 =	vadd.f32 $2.013265920e+08, v61  }
0x391: {  	v47 =	vsub.f32 v47, v50;
	vm7 =	vlt.f32 v48, v4;
	v59 =	vmin.f32 v56, $1.600000000e+01  }
0x392: {  	v48 =	vmax.f32 v59, $-3.200000000e+01;
	v52 =	vtrunc.f32 v62;
	v49 =	vadd.f32 $-2.013265920e+08, v49  }
0x393: {  	v63 =	vadd.f32 v34, v57;
	v48 =	vadd.f32 $2.013265920e+08, v48;
	v34 =	vcvt.f32.s32 v52  }
0x394: {  	v47 =	vand.u32 $0x7FFFFFFF, v47;
	vm14 =	vmmov vm1;
	v55 =	vadd.f32 v49, v10  }
0x395: {  	v23 =	vmul.f32 v27, v27;
	vm13 =	vlt.f32 v47, v4;
	v48 =	vadd.f32 $-2.013265920e+08, v48  }
0x396: {  	v18 =	vsub.f32 v18, v31;
	v35 =	vmul.f32 v17, v17;
	[tilespmem:v28+s18+$0x0] =	vst.idx.add.f32.msk $0xffff, v19;
	v50 =	vtrunc.f32 v55  }
0x397: {  	s31 =	sadd.s32 $0x1, s13;
	vm9 =	vlt.f32 v16, v4;
	[tilespmem:v33+s17+$0x0] =	vst.idx.add.f32.msk $0xffff, v0;
	v44 =	vsub.f32 v56, v48;
	v56 =	vcvt.f32.s32 v50  }
0x398: {  	s2 =	sand.u32 $0x7, s31;
	vm15 =	vmmov vm9;
	vm9 =	vlt.f32 v15, v4;
	v19 =	vand.u32 $0x7FFFFFFF, v21;
	[tilespmem:v33+s18+$0x0] =	vst.idx.add.f32.msk $0xffff, v17  }
0x399: {  	s2 =	sshll.u32 s2, $0x4;
	v13 =	vsel vm7, $0x3F800000, v1;
	vm7 =	vlt.f32 v20, v4;
	v60 =	vmul.f32 v54, v54;
	[tilespmem:v34+s17+$0x0] =	vst.idx.add.f32.msk $0xffff, v0  }
0x39a: {  	s2 =	sadd.s32 s2, s29;
	v32 =	vadd.f32 v15, v32;
	v25 =	vmul.f32 v37, v37;
	v53 =	vsel vm10, $0x3F800000, v1;
	[tilespmem:v34+s18+$0x0] =	vst.idx.add.f32.msk $0xffff, v54  }
0x39b: {  	s2 =	sor.u32 $0x380, s2;
	v18 =	vand.u32 $0x7FFFFFFF, v18;
	s0 =	sadd.s32 $0x1, s31;
	vm10 =	vlt.f32 v19, v4;
	v45 =	vadd.f32 v53, v45;
	[tilespmem:v34+s19+$0x0] =	vst.idx.add.f32.msk $0xffff, v60  }
0x39c: {  	s0 =	sand.u32 $0x7, s0;
	v59 =	vsel vm11, $0x3F800000, v1;
	vm11 =	vlt.f32 v18, v4;
	v42 =	vadd.f32 v47, v42;
	v34 =	vld [tilespmem:s2+$0x8000]  }
0x39d: {  	vm1 =	vmmov vm15;
	s0 =	sshll.u32 s0, $0x4;
	v39 =	vadd.f32 v59, v39;
	v62 =	vmul.f32 v43, v43;
	[tilespmem:v56+s17+$0x0] =	vst.idx.add.f32.msk $0xffff, v0  }
0x39e: {  	s0 =	sadd.s32 s0, s1;
	v53 =	vsel vm9, $0x3F800000, v1;
	v38 =	vadd.f32 v38, v40;
	v14 =	vsub.f32 v14, v41;
	[tilespmem:v56+s18+$0x0] =	vst.idx.add.f32.msk $0xffff, v43  }
0x39f: {  	s0 =	sor.u32 $0x380, s0;
	v17 =	vsel vm11, $0x3F800000, v1;
	v61 =	vsel vm13, $0x3F800000, v1;
	v39 =	vadd.f32 v13, v39;
	[tilespmem:v56+s19+$0x0] =	vst.idx.add.f32.msk $0xffff, v62  }
0x3a0: {  	v13 =	vadd.f32 v20, v32;
	v46 =	vadd.f32 v61, v46;
	v14 =	vand.u32 $0x7FFFFFFF, v14;
	v26 =	vld [tilespmem:s0+$0x8000]  }
0x3a1: {  	v58 =	vadd.f32 v48, v11;
	vm6 =	vlt.f32 v14, v4;
	v38 =	vadd.f32 v14, v38  }
0x3a2: {  	v14 =	vand.u32 $0x7FFFFFFF, v22;
	v44 =	vand.u32 $0x7FFFFFFF, v44;
	v48 =	vmul.f32 v34, v2  }
0x3a3: {  	v47 =	vtrunc.f32 v58;
	vm8 =	vlt.f32 v14, v4;
	v14 =	vadd.f32 v14, v42  }
0x3a4: {  	v12 =	vsub.f32 v12, v49;
	v51 =	vadd.f32 v44, v63;
	v50 =	vmin.f32 v48, $1.600000000e+01  }
0x3a5: {  	vm12 =	vlt.f32 v44, v4;
	v20 =	vmax.f32 v50, $-3.200000000e+01;
	v52 =	vmul.f32 v26, v2  }
0x3a6: {  	v47 =	vcvt.f32.s32 v47;
	v63 =	vsel vm14, $0x3F800000, v1;
	v20 =	vadd.f32 $2.013265920e+08, v20  }
0x3a7: {  	v15 =	vsel vm8, $0x3F800000, v1;
	v16 =	vadd.f32 v16, v38;
	v54 =	vmin.f32 v52, $1.600000000e+01  }
0x3a8: {  	v36 =	vadd.f32 v63, v36;
	v20 =	vadd.f32 $-2.013265920e+08, v20;
	v55 =	vmax.f32 v54, $-3.200000000e+01  }
0x3a9: {  	v44 =	vsel vm6, $0x3F800000, v1;
	v15 =	vadd.f32 v15, v46;
	v21 =	vadd.f32 $2.013265920e+08, v55  }
0x3aa: {  	[tilespmem:v24+s17+$0x0] =	vst.idx.add.f32.msk $0xffff, v0;
	v57 =	vsel vm12, $0x3F800000, v1;
	v14 =	vadd.f32 v18, v14;
	v18 =	vadd.f32 v20, v11  }
0x3ab: {  	[tilespmem:v28+s19+$0x0] =	vst.idx.add.f32.msk $0xffff, v29;
	v12 =	vand.u32 $0x7FFFFFFF, v12;
	v45 =	vadd.f32 v57, v45;
	v21 =	vadd.f32 $-2.013265920e+08, v21  }
0x3ac: {  	[tilespmem:v24+s18+$0x0] =	vst.idx.add.f32.msk $0xffff, v27;
	v19 =	vadd.f32 v19, v51;
	vm13 =	vlt.f32 v12, v4;
	v18 =	vtrunc.f32 v18  }
0x3ad: {  	[tilespmem:v24+s19+$0x0] =	vst.idx.add.f32.msk $0xffff, v23;
	v28 =	vsub.f32 v48, v20;
	v18 =	vcvt.f32.s32 v18;
	v27 =	vadd.f32 v21, v11  }
0x3ae: {  	v29 =	vsel vm10, $0x3F800000, v1;
	v36 =	vadd.f32 v44, v36;
	v17 =	vadd.f32 v17, v15;
	[tilespmem:v47+s17+$0x0] =	vst.idx.add.f32.msk $0xffff, v0  }
0x3af: {  	v57 =	vadd.f32 v29, v45;
	[tilespmem:v47+s18+$0x0] =	vst.idx.add.f32.msk $0xffff, v37;
	v56 =	vand.u32 $0x7FFFFFFF, v28;
	v15 =	vtrunc.f32 v27  }
0x3b0: {  	[tilespmem:v47+s19+$0x0] =	vst.idx.add.f32.msk $0xffff, v25;
	v25 =	vsel vm13, $0x3F800000, v1;
	vm12 =	vlt.f32 v56, v4;
	v28 =	vcvt.f32.s32 v15  }
0x3b1: {  	[tilespmem:v33+s19+$0x0] =	vst.idx.add.f32.msk $0xffff, v35;
	v59 =	vmul.f32 v34, v34;
	v19 =	vadd.f32 v56, v19;
	v24 =	vsel vm12, $0x3F800000, v1  }
0x3b2: {  	v63 =	vmul.f32 v26, v26;
	v21 =	vsub.f32 v52, v21;
	v58 =	vadd.f32 v24, v57  }
0x3b3: {  	v24 =	vand.u32 $0x7FFFFFFF, v30;
	v27 =	vadd.f32 v53, v39;
	v15 =	vsel vm1, $0x3F800000, v1;
	[tilespmem:v18+s17+$0x0] =	vst.idx.add.f32.msk $0xffff, v0  }
.Ltmp4:
0x3b4: {  	vm14 =	vlt.f32 v24, v4;
	v61 =	vand.u32 $0x7FFFFFFF, v21;
	v15 =	vadd.f32 v15, v36;
	[tilespmem:v18+s18+$0x0] =	vst.idx.add.f32.msk $0xffff, v34;
	(pc) =	sbr.rel @p0 .LBB2_8-.Ltmp4, $4  }
0x3b5: {  	v60 =	vsel vm14, $0x3F800000, v1;
	vm15 =	vlt.f32 v61, v4;
	[tilespmem:v18+s19+$0x0] =	vst.idx.add.f32.msk $0xffff, v59;
	v18 =	vadd.f32 v24, v19  }
0x3b6: {  	v62 =	vsel vm7, $0x3F800000, v1;
	v15 =	vadd.f32 v25, v15;
	v19 =	vadd.f32 v60, v58;
	[tilespmem:v28+s17+$0x0] =	vst.idx.add.f32.msk $0xffff, v0  }
0x3b7: {  	v24 =	vadd.f32 v12, v16;
	v12 =	vsel vm15, $0x3F800000, v1;
	v25 =	vadd.f32 v61, v18;
	[tilespmem:v28+s18+$0x0] =	vst.idx.add.f32.msk $0xffff, v26  }
0x3b8: {  	v27 =	vadd.f32 v62, v27;
	v26 =	vadd.f32 v12, v19;
	[tilespmem:v28+s19+$0x0] =	vst.idx.add.f32.msk $0xffff, v63  }
.Ltmp5:
0x3b9: {  	(pc) =	sbr.rel .LBB2_2-.Ltmp5, $3  }
0x3ba: {  	_ =	sdelay $0x1  }
0x3bb: {  	s0 =	sadd.s32 s26, s7;
	s25 =	sadd.s32 $0x1, s25  }
0x3bc: {  	[tilespmem:s15], [sflag:$0x2] =	stream.linear.gather [hbm4b:s0+s3], $0x8000, $0x38;
	[tilespmem:$0x10700] =	vst v63  }
.LBB2_9:
0x3bd: {  	_ =	sfence.sel $0x180000  }
0x3be: {  	[bflag:$0x0] =	sbarrier.arrive $0xFFFF  }
0x3bf: {  	_ =	strace $0x90000047  }
0x3c0: {  	s0 =	stileid.u32;
	[bflag:$0x2] =	sbarrier.arrive $0xFFFF  }
0x3c1: {  	p0 =	sne.s32 s0, $0x0;
	s0 =	rddreg [dreg:$0x3]  }
0x3c2: {  	s0 =	sadd.s32 @!p0 $0x100000, s0  }
0x3c3: {  	[sflag:s0] =	ssyncadd.tile.s32 @!p0 $0x1;
	_ =	shalt  }
.Lfunc_end2:
_tile_overlayer_lowered:
.L_overlay_start_2:
0x3c4: {  	(tag) =	ssettag $0x2  }
0x3c5: {  	s0 =	rddreg [dreg:$0x0];
	s2 =	stileid.u32  }
0x3c6: {  	s1 =	rddreg [dreg:$0x1];
	p0 =	sne.s32 s2, $0x0  }
0x3c7: {  	s3 =	rddreg [dreg:$0x2];
	[bflag:$0x3] =	sbarrier.arrive $0xFFFF;
	s2 =	simm.s32 @!p0 $0x1C03  }
0x3c8: {  	[timem:s3], [sflag:s2] =	dma.local @!p0 [hbm:s0], s1  }
0x3c9: {  	s0 =	simm.s32 @!p0 $0x3  }
0x3ca: {  	_ =	swait.ge @!p0 [sflag:s0], s1  }
0x3cb: {  	s1 =	ssub.s32 @!p0 $0x0, s1;
	[sflag:s0] =	ssyncset.done @!p0 $0x0  }
0x3cc: {  	[sflag:s0] =	ssyncadd.s32 @!p0 s1  }
0x3cd: {  	[bflag:$0x3] =	sbarrier.arrive $0xFFFF  }
0x3ce: {  	_ =	shalt  }

</sc_bundles>
